<compile_context>
chip_gen: v7x
topology: tpu7x:2x2x1
jax: 0.10.2.dev20260603
libtpu: 0.0.44.dev20260713+nightly
codegen_flags: <defaults>
</compile_context>

<pallas_src>
import functools

import jax
import jax.numpy as jnp
from jax import lax
from jax.experimental import pallas as pl
from jax.experimental.pallas import tpu as pltpu
from jax.experimental.pallas import tpu_sc as plsc

B = 16384
D = 64
S = 20
VOCAB = 100000
SUBVOCAB = 1000000
NW = 32
BPW = B // NW
CB = 16
NCHUNK = BPW // CB
SGC = CB * S // 64
SIR = BPW * S // 64
WIR = BPW // 16


@functools.partial(
    pl.kernel,
    mesh=plsc.VectorSubcoreMesh(core_axis_name="c", subcore_axis_name="s"),
    compiler_params=pltpu.CompilerParams(use_tc_tiling_on_sc=False),
    out_type=jax.ShapeDtypeStruct((B, D), jnp.float32),
    scratch_types=[
        pltpu.VMEM((WIR, 16), jnp.int32),
        pltpu.VMEM((WIR * 16 + 16,), jnp.int32),
        pltpu.VMEM((SIR, 64), jnp.int32),
        pltpu.VMEM((SIR * 64 + 32,), jnp.int32),
        pltpu.VMEM((CB * S, 2 * D), jnp.float32),
        pltpu.VMEM((CB * S, 2 * D), jnp.float32),
        pltpu.VMEM((CB, 2 * D), jnp.float32),
        pltpu.VMEM((CB, 2 * D), jnp.float32),
        pltpu.VMEM((CB, D), jnp.float32),
        pltpu.VMEM((CB, D), jnp.float32),
        pltpu.SemaphoreType.DMA,
        pltpu.SemaphoreType.DMA,
        pltpu.SemaphoreType.DMA,
        pltpu.SemaphoreType.DMA,
        pltpu.SemaphoreType.DMA,
        pltpu.SemaphoreType.DMA,
    ],
)
def _fasttext_sc(widx_hbm, sidx_hbm, wemb_hbm, semb_hbm, out_hbm,
                 wj, wp, sj, sp, gbuf0, gbuf1, wbuf0, wbuf1, outb0, outb1,
                 sem0, sem1, wsem0, wsem1, osem0, osem1):
    wid = lax.axis_index("s") * 2 + lax.axis_index("c")
    base = wid * BPW

    pltpu.sync_copy(widx_hbm.at[pl.ds(wid * WIR, WIR), :], wj)
    pltpu.sync_copy(sidx_hbm.at[pl.ds(wid * SIR, SIR), :], sj)

    one = jnp.int32(1)

    def sprep(i, carry):
        for q in range(4):
            x = sj[i, pl.ds(q * 16, 16)]
            sj[i, pl.ds(q * 16, 16)] = lax.shift_right_logical(x, one)
            sp[pl.ds(i * 64 + q * 16, 16)] = lax.shift_left(
                lax.bitwise_and(x, one), jnp.int32(6))
        return carry

    lax.fori_loop(0, SIR, sprep, 0)

    def wprep(i, carry):
        x = wj[i, :]
        wj[i, :] = lax.shift_right_logical(x, one)
        wp[pl.ds(i * 16, 16)] = lax.shift_left(
            lax.bitwise_and(x, one), jnp.int32(6))
        return carry

    lax.fori_loop(0, WIR, wprep, 0)

    gbufs = [gbuf0, gbuf1]
    wbufs = [wbuf0, wbuf1]
    outbs = [outb0, outb1]
    sems = [sem0, sem1]
    wsems = [wsem0, wsem1]
    osems = [osem0, osem1]

    for half in range(2):
        for i in range(SGC):
            pltpu.async_copy(semb_hbm.at[sj.at[half * SGC + i]],
                             gbufs[half].at[pl.ds(i * 64, 64), :],
                             sems[half])
        pltpu.async_copy(wemb_hbm.at[wj.at[half]], wbufs[half], wsems[half])

    def outer(p, carry):
        for half in range(2):
            c = p * 2 + half
            gb = gbufs[half]
            wb = wbufs[half]
            ob = outbs[half]
            for i in range(SGC):
                pltpu.make_async_copy(semb_hbm.at[pl.ds(0, 64), :],
                                      gb.at[pl.ds(i * 64, 64), :],
                                      sems[half]).wait()
            pltpu.make_async_copy(wemb_hbm.at[pl.ds(0, CB), :], wb,
                                  wsems[half]).wait()

            @pl.when(c >= 2)
            def _(ob=ob, half=half):
                pltpu.make_async_copy(
                    ob, out_hbm.at[pl.ds(base, CB), :], osems[half]).wait()

            def body(b, inner_carry, c=c, gb=gb, wb=wb, ob=ob):
                fbase = c * (CB * S) + b * S
                v0 = sp[pl.ds(fbase, 16)]
                v1 = sp[pl.ds(fbase + 16, 16)]
                po = [v0[s] for s in range(16)] + [v1[s] for s in range(S - 16)]
                wpo = wp[pl.ds(c * CB + b, 16)][0]
                for k in range(D // 16):
                    acc = wb[b, pl.ds(wpo + k * 16, 16)] * jnp.float32(S)
                    for s in range(S):
                        acc = acc + gb[b * S + s, pl.ds(po[s] + k * 16, 16)]
                    ob[b, pl.ds(k * 16, 16)] = acc * jnp.float32(0.5 / S)
                return inner_carry

            lax.fori_loop(0, CB, body, 0)

            pltpu.async_copy(ob, out_hbm.at[pl.ds(base + c * CB, CB), :],
                             osems[half])

            @pl.when(c + 2 < NCHUNK)
            def _(c=c, gb=gb, wb=wb, half=half):
                for i in range(SGC):
                    pltpu.async_copy(semb_hbm.at[sj.at[(c + 2) * SGC + i]],
                                     gb.at[pl.ds(i * 64, 64), :], sems[half])
                pltpu.async_copy(wemb_hbm.at[wj.at[c + 2]], wb, wsems[half])
        return carry

    lax.fori_loop(0, NCHUNK // 2, outer, 0)

    for half in range(2):
        pltpu.make_async_copy(outbs[half], out_hbm.at[pl.ds(base, CB), :],
                              osems[half]).wait()


def kernel(word_idx, subword_idx, word_emb, subword_emb):
    widx = word_idx.astype(jnp.int32).reshape(B // 16, 16)
    sidx = subword_idx.astype(jnp.int32).reshape(B * S // 64, 64)
    wemb2 = word_emb.reshape(VOCAB // 2, 2 * D)
    semb2 = subword_emb.reshape(SUBVOCAB // 2, 2 * D)
    return _fasttext_sc(widx, sidx, wemb2, semb2)

# --- scband reference (transcript-rebuilt; emitter-appended) ---
"""Pipeline reference for scband-fast-text-py-torch-84817014161459 (READ-ONLY COPY).

The authoritative reference and input builder live on the scoring server;
editing this copy changes nothing except your own understanding.
"""

import jax, jax.numpy as jnp
import numpy as np

VOCAB = 100000
SUBVOCAB = 1000000
D = 64
B = 16384
S = 20


def setup_inputs(seed: int = 0) -> dict:
    key = jax.random.key(seed)
    k1, k2, k3, k4 = jax.random.split(key, 4)
    word_idx = jax.random.randint(k1, (B,), 0, VOCAB)
    subword_idx = jax.random.randint(k2, (B, S), 0, SUBVOCAB)
    lim = 0.5 / D
    word_emb = jax.random.uniform(k3, (VOCAB, D), minval=-lim, maxval=lim, dtype=jnp.float32)
    subword_emb = jax.random.uniform(k4, (SUBVOCAB, D), minval=-lim, maxval=lim, dtype=jnp.float32)
    return {"word_idx": word_idx, "subword_idx": subword_idx, "word_emb": word_emb, "subword_emb": subword_emb}


def reference(word_idx, subword_idx, word_emb, subword_emb):
    # Vectorized get_word_vector: for each word, gather its word embedding
    # and the mean of its subword (char n-gram) embeddings, then average the two
    # (matches torch.mean(torch.stack([word_vec, subword_vecs.mean(0)]), dim=0)).
    wv = jnp.take(word_emb, word_idx, axis=0)               # [B, D]
    sv = jnp.take(subword_emb, subword_idx, axis=0)          # [B, S, D]
    sv_mean = sv.mean(axis=1)                                # [B, D]
    out = jnp.stack([wv, sv_mean], axis=0).mean(axis=0)      # [B, D]
    return out

if __name__ == "__main__":
    import jax
    _d = setup_inputs()
    print(jax.jit(kernel)(*tuple(_d.values())))

</pallas_src>

<mosaic_0001>
#map = affine_map<(d0, d1) -> (0, 0)>
module attributes {stable_mosaic.version = 14 : i64} {
  func.func @_fasttext_sc(%arg0: i32, %arg1: i32, %arg2: memref<1024x16xi32, #tpu.memory_space<hbm>>, %arg3: memref<5120x64xi32, #tpu.memory_space<hbm>>, %arg4: memref<50000x128xf32, #tpu.memory_space<hbm>>, %arg5: memref<500000x128xf32, #tpu.memory_space<hbm>>, %arg6: memref<16384x64xf32, #tpu.memory_space<hbm>>, %arg7: memref<32x16xi32, #tpu.memory_space<vmem>>, %arg8: memref<528xi32, #tpu.memory_space<vmem>>, %arg9: memref<160x64xi32, #tpu.memory_space<vmem>>, %arg10: memref<10272xi32, #tpu.memory_space<vmem>>, %arg11: memref<320x128xf32, #tpu.memory_space<vmem>>, %arg12: memref<320x128xf32, #tpu.memory_space<vmem>>, %arg13: memref<16x128xf32, #tpu.memory_space<vmem>>, %arg14: memref<16x128xf32, #tpu.memory_space<vmem>>, %arg15: memref<16x64xf32, #tpu.memory_space<vmem>>, %arg16: memref<16x64xf32, #tpu.memory_space<vmem>>, %arg17: memref<!tpu.dma_semaphore, #tpu.memory_space<semaphore_mem>>, %arg18: memref<!tpu.dma_semaphore, #tpu.memory_space<semaphore_mem>>, %arg19: memref<!tpu.dma_semaphore, #tpu.memory_space<semaphore_mem>>, %arg20: memref<!tpu.dma_semaphore, #tpu.memory_space<semaphore_mem>>, %arg21: memref<!tpu.dma_semaphore, #tpu.memory_space<semaphore_mem>>, %arg22: memref<!tpu.dma_semaphore, #tpu.memory_space<semaphore_mem>>) attributes {dimension_semantics = [#tpu.dimension_semantics<core_parallel>, #tpu.dimension_semantics<subcore_parallel>], iteration_bounds = array<i64: 2, 16>, scalar_prefetch = 0 : i64, scratch_operands = 16 : i64, tpu.core_type = #tpu.core_type<sc_vector_subcore>, window_params = [{transform_indices = #map}, {transform_indices = #map}, {transform_indices = #map}, {transform_indices = #map}, {transform_indices = #map}]} {
    %mul3A = arith.constant 2 : i32
    %mul3A_0 = arith.muli %arg1, %mul3A : i32
    %add3A = arith.addi %mul3A_0, %arg0 : i32
    %mul3A_1 = arith.constant 512 : i32
    %mul3A_2 = arith.muli %add3A, %mul3A_1 : i32
    %mul3A_3 = arith.constant 32 : i32
    %mul3A_4 = arith.muli %add3A, %mul3A_3 : i32
    "tpu.region"() ({
      %run_scoped3A = tpu.sem_alloc : memref<!tpu.dma_semaphore, #tpu.memory_space<semaphore_mem>>
      %dma_start3A_146 = arith.constant 0 : i32
      %dma_start3A_147 = tpu.memref_slice %arg2[%mul3A_4, %dma_start3A_146] : memref<1024x16xi32, #tpu.memory_space<hbm>> -> memref<32x16xi32, #tpu.memory_space<hbm>>
      %dma_start3A_148 = arith.constant 0 : i32
      %dma_start3A_149 = tpu.memref_slice %arg2[%mul3A_4, %dma_start3A_148] : memref<1024x16xi32, #tpu.memory_space<hbm>> -> memref<32x16xi32, #tpu.memory_space<hbm>>
      tpu.enqueue_dma source(%dma_start3A_149 : memref<32x16xi32, #tpu.memory_space<hbm>>) target(%arg7 : memref<32x16xi32, #tpu.memory_space<vmem>>) target_semaphore(%run_scoped3A : memref<!tpu.dma_semaphore, #tpu.memory_space<semaphore_mem>>)
      %dma_wait3A_150 = arith.constant 0 : i32
      %dma_wait3A_151 = tpu.memref_slice %arg2[%mul3A_4, %dma_wait3A_150] : memref<1024x16xi32, #tpu.memory_space<hbm>> -> memref<32x16xi32, #tpu.memory_space<hbm>>
      %dma_wait3A_152 = arith.constant 0 : i32
      %dma_wait3A_153 = tpu.memref_slice %arg2[%mul3A_4, %dma_wait3A_152] : memref<1024x16xi32, #tpu.memory_space<hbm>> -> memref<32x16xi32, #tpu.memory_space<hbm>>
      tpu.wait_dma2 semaphore(%run_scoped3A : memref<!tpu.dma_semaphore, #tpu.memory_space<semaphore_mem>>) src(%dma_wait3A_153 : memref<32x16xi32, #tpu.memory_space<hbm>>) dst(%arg7 : memref<32x16xi32, #tpu.memory_space<vmem>>)
      tpu.yield
    }) : () -> ()
    %mul3A_5 = arith.constant 160 : i32
    %mul3A_6 = arith.muli %add3A, %mul3A_5 : i32
    "tpu.region"() ({
      %run_scoped3A = tpu.sem_alloc : memref<!tpu.dma_semaphore, #tpu.memory_space<semaphore_mem>>
      %dma_start3A_146 = arith.constant 0 : i32
      %dma_start3A_147 = tpu.memref_slice %arg3[%mul3A_6, %dma_start3A_146] : memref<5120x64xi32, #tpu.memory_space<hbm>> -> memref<160x64xi32, #tpu.memory_space<hbm>>
      %dma_start3A_148 = arith.constant 0 : i32
      %dma_start3A_149 = tpu.memref_slice %arg3[%mul3A_6, %dma_start3A_148] : memref<5120x64xi32, #tpu.memory_space<hbm>> -> memref<160x64xi32, #tpu.memory_space<hbm>>
      tpu.enqueue_dma source(%dma_start3A_149 : memref<160x64xi32, #tpu.memory_space<hbm>>) target(%arg9 : memref<160x64xi32, #tpu.memory_space<vmem>>) target_semaphore(%run_scoped3A : memref<!tpu.dma_semaphore, #tpu.memory_space<semaphore_mem>>)
      %dma_wait3A_150 = arith.constant 0 : i32
      %dma_wait3A_151 = tpu.memref_slice %arg3[%mul3A_6, %dma_wait3A_150] : memref<5120x64xi32, #tpu.memory_space<hbm>> -> memref<160x64xi32, #tpu.memory_space<hbm>>
      %dma_wait3A_152 = arith.constant 0 : i32
      %dma_wait3A_153 = tpu.memref_slice %arg3[%mul3A_6, %dma_wait3A_152] : memref<5120x64xi32, #tpu.memory_space<hbm>> -> memref<160x64xi32, #tpu.memory_space<hbm>>
      tpu.wait_dma2 semaphore(%run_scoped3A : memref<!tpu.dma_semaphore, #tpu.memory_space<semaphore_mem>>) src(%dma_wait3A_153 : memref<160x64xi32, #tpu.memory_space<hbm>>) dst(%arg9 : memref<160x64xi32, #tpu.memory_space<vmem>>)
      tpu.yield
    }) : () -> ()
    %scan3A = arith.constant 0 : i32
    %scan3A_7 = arith.constant 1 : i32
    %scan3A_8 = arith.constant 0 : i32
    %scan3A_9 = arith.constant 160 : i32
    %scan3A_10 = arith.addi %scan3A_8, %scan3A_9 : i32
    %scan3A_11 = arith.constant 1 : i32
    scf.for %scan3A_146 = %scan3A_8 to %scan3A_10 step %scan3A_11  : i32 {
      %get3A = arith.index_cast %scan3A_146 : i32 to index
      %get3A_147 = arith.constant 0 : index
      %get3A_148 = tpu.vector_load %arg9[%get3A, %get3A_147] {strides = array<i32>} : memref<160x64xi32, #tpu.memory_space<vmem>>, vector<1x16xi32>,
      %get3A_149 = vector.shape_cast %get3A_148 : vector<1x16xi32> to vector<16xi32>
      %shift_right_logical3A = vector.broadcast %scan3A_7 : i32 to vector<16xi32>
      %shift_right_logical3A_150 = arith.shrui %get3A_149, %shift_right_logical3A : vector<16xi32>
      %swap3A = arith.index_cast %scan3A_146 : i32 to index
      %swap3A_151 = arith.constant 0 : index
      %swap3A_152 = tpu.vector_load %arg9[%swap3A, %swap3A_151] {strides = array<i32>} : memref<160x64xi32, #tpu.memory_space<vmem>>, vector<1x16xi32>,
      %swap3A_153 = vector.shape_cast %swap3A_152 : vector<1x16xi32> to vector<16xi32>
      %swap3A_154 = vector.shape_cast %shift_right_logical3A_150 : vector<16xi32> to vector<1x16xi32>
      tpu.vector_store %arg9[%swap3A, %swap3A_151], %swap3A_154 {strides = array<i32>} : memref<160x64xi32, #tpu.memory_space<vmem>>, vector<1x16xi32>,
      %and3A = vector.broadcast %scan3A_7 : i32 to vector<16xi32>
      %and3A_155 = arith.andi %get3A_149, %and3A : vector<16xi32>
      %shift_left3A = arith.constant 6 : i32
      %shift_left3A_156 = vector.broadcast %shift_left3A : i32 to vector<16xi32>
      %shift_left3A_157 = arith.shli %and3A_155, %shift_left3A_156 : vector<16xi32>
      %mul3A_158 = arith.constant 64 : i32
      %mul3A_159 = arith.muli %scan3A_146, %mul3A_158 : i32
      %add3A_160 = arith.constant 0 : i32
      %add3A_161 = arith.addi %mul3A_159, %add3A_160 : i32
      %swap3A_162 = arith.index_cast %add3A_161 : i32 to index
      %swap3A_163 = tpu.vector_load %arg10[%swap3A_162] {strides = array<i32>} : memref<10272xi32, #tpu.memory_space<vmem>>, vector<16xi32>,
      %swap3A_164 = vector.shape_cast %swap3A_163 : vector<16xi32> to vector<16xi32>
      %swap3A_165 = vector.shape_cast %shift_left3A_157 : vector<16xi32> to vector<16xi32>
      tpu.vector_store %arg10[%swap3A_162], %swap3A_165 {strides = array<i32>} : memref<10272xi32, #tpu.memory_space<vmem>>, vector<16xi32>,
      %get3A_166 = arith.index_cast %scan3A_146 : i32 to index
      %get3A_167 = arith.constant 16 : index
      %get3A_168 = tpu.vector_load %arg9[%get3A_166, %get3A_167] {strides = array<i32>} : memref<160x64xi32, #tpu.memory_space<vmem>>, vector<1x16xi32>,
      %get3A_169 = vector.shape_cast %get3A_168 : vector<1x16xi32> to vector<16xi32>
      %shift_right_logical3A_170 = vector.broadcast %scan3A_7 : i32 to vector<16xi32>
      %shift_right_logical3A_171 = arith.shrui %get3A_169, %shift_right_logical3A_170 : vector<16xi32>
      %swap3A_172 = arith.index_cast %scan3A_146 : i32 to index
      %swap3A_173 = arith.constant 16 : index
      %swap3A_174 = tpu.vector_load %arg9[%swap3A_172, %swap3A_173] {strides = array<i32>} : memref<160x64xi32, #tpu.memory_space<vmem>>, vector<1x16xi32>,
      %swap3A_175 = vector.shape_cast %swap3A_174 : vector<1x16xi32> to vector<16xi32>
      %swap3A_176 = vector.shape_cast %shift_right_logical3A_171 : vector<16xi32> to vector<1x16xi32>
      tpu.vector_store %arg9[%swap3A_172, %swap3A_173], %swap3A_176 {strides = array<i32>} : memref<160x64xi32, #tpu.memory_space<vmem>>, vector<1x16xi32>,
      %and3A_177 = vector.broadcast %scan3A_7 : i32 to vector<16xi32>
      %and3A_178 = arith.andi %get3A_169, %and3A_177 : vector<16xi32>
      %shift_left3A_179 = arith.constant 6 : i32
      %shift_left3A_180 = vector.broadcast %shift_left3A_179 : i32 to vector<16xi32>
      %shift_left3A_181 = arith.shli %and3A_178, %shift_left3A_180 : vector<16xi32>
      %mul3A_182 = arith.constant 64 : i32
      %mul3A_183 = arith.muli %scan3A_146, %mul3A_182 : i32
      %add3A_184 = arith.constant 16 : i32
      %add3A_185 = arith.addi %mul3A_183, %add3A_184 : i32
      %swap3A_186 = arith.index_cast %add3A_185 : i32 to index
      %swap3A_187 = tpu.vector_load %arg10[%swap3A_186] {strides = array<i32>} : memref<10272xi32, #tpu.memory_space<vmem>>, vector<16xi32>,
      %swap3A_188 = vector.shape_cast %swap3A_187 : vector<16xi32> to vector<16xi32>
      %swap3A_189 = vector.shape_cast %shift_left3A_181 : vector<16xi32> to vector<16xi32>
      tpu.vector_store %arg10[%swap3A_186], %swap3A_189 {strides = array<i32>} : memref<10272xi32, #tpu.memory_space<vmem>>, vector<16xi32>,
      %get3A_190 = arith.index_cast %scan3A_146 : i32 to index
      %get3A_191 = arith.constant 32 : index
      %get3A_192 = tpu.vector_load %arg9[%get3A_190, %get3A_191] {strides = array<i32>} : memref<160x64xi32, #tpu.memory_space<vmem>>, vector<1x16xi32>,
      %get3A_193 = vector.shape_cast %get3A_192 : vector<1x16xi32> to vector<16xi32>
      %shift_right_logical3A_194 = vector.broadcast %scan3A_7 : i32 to vector<16xi32>
      %shift_right_logical3A_195 = arith.shrui %get3A_193, %shift_right_logical3A_194 : vector<16xi32>
      %swap3A_196 = arith.index_cast %scan3A_146 : i32 to index
      %swap3A_197 = arith.constant 32 : index
      %swap3A_198 = tpu.vector_load %arg9[%swap3A_196, %swap3A_197] {strides = array<i32>} : memref<160x64xi32, #tpu.memory_space<vmem>>, vector<1x16xi32>,
      %swap3A_199 = vector.shape_cast %swap3A_198 : vector<1x16xi32> to vector<16xi32>
      %swap3A_200 = vector.shape_cast %shift_right_logical3A_195 : vector<16xi32> to vector<1x16xi32>
      tpu.vector_store %arg9[%swap3A_196, %swap3A_197], %swap3A_200 {strides = array<i32>} : memref<160x64xi32, #tpu.memory_space<vmem>>, vector<1x16xi32>,
      %and3A_201 = vector.broadcast %scan3A_7 : i32 to vector<16xi32>
      %and3A_202 = arith.andi %get3A_193, %and3A_201 : vector<16xi32>
      %shift_left3A_203 = arith.constant 6 : i32
      %shift_left3A_204 = vector.broadcast %shift_left3A_203 : i32 to vector<16xi32>
      %shift_left3A_205 = arith.shli %and3A_202, %shift_left3A_204 : vector<16xi32>
      %mul3A_206 = arith.constant 64 : i32
      %mul3A_207 = arith.muli %scan3A_146, %mul3A_206 : i32
      %add3A_208 = arith.constant 32 : i32
      %add3A_209 = arith.addi %mul3A_207, %add3A_208 : i32
      %swap3A_210 = arith.index_cast %add3A_209 : i32 to index
      %swap3A_211 = tpu.vector_load %arg10[%swap3A_210] {strides = array<i32>} : memref<10272xi32, #tpu.memory_space<vmem>>, vector<16xi32>,
      %swap3A_212 = vector.shape_cast %swap3A_211 : vector<16xi32> to vector<16xi32>
      %swap3A_213 = vector.shape_cast %shift_left3A_205 : vector<16xi32> to vector<16xi32>
      tpu.vector_store %arg10[%swap3A_210], %swap3A_213 {strides = array<i32>} : memref<10272xi32, #tpu.memory_space<vmem>>, vector<16xi32>,
      %get3A_214 = arith.index_cast %scan3A_146 : i32 to index
      %get3A_215 = arith.constant 48 : index
      %get3A_216 = tpu.vector_load %arg9[%get3A_214, %get3A_215] {strides = array<i32>} : memref<160x64xi32, #tpu.memory_space<vmem>>, vector<1x16xi32>,
      %get3A_217 = vector.shape_cast %get3A_216 : vector<1x16xi32> to vector<16xi32>
      %shift_right_logical3A_218 = vector.broadcast %scan3A_7 : i32 to vector<16xi32>
      %shift_right_logical3A_219 = arith.shrui %get3A_217, %shift_right_logical3A_218 : vector<16xi32>
      %swap3A_220 = arith.index_cast %scan3A_146 : i32 to index
      %swap3A_221 = arith.constant 48 : index
      %swap3A_222 = tpu.vector_load %arg9[%swap3A_220, %swap3A_221] {strides = array<i32>} : memref<160x64xi32, #tpu.memory_space<vmem>>, vector<1x16xi32>,
      %swap3A_223 = vector.shape_cast %swap3A_222 : vector<1x16xi32> to vector<16xi32>
      %swap3A_224 = vector.shape_cast %shift_right_logical3A_219 : vector<16xi32> to vector<1x16xi32>
      tpu.vector_store %arg9[%swap3A_220, %swap3A_221], %swap3A_224 {strides = array<i32>} : memref<160x64xi32, #tpu.memory_space<vmem>>, vector<1x16xi32>,
      %and3A_225 = vector.broadcast %scan3A_7 : i32 to vector<16xi32>
      %and3A_226 = arith.andi %get3A_217, %and3A_225 : vector<16xi32>
      %shift_left3A_227 = arith.constant 6 : i32
      %shift_left3A_228 = vector.broadcast %shift_left3A_227 : i32 to vector<16xi32>
      %shift_left3A_229 = arith.shli %and3A_226, %shift_left3A_228 : vector<16xi32>
      %mul3A_230 = arith.constant 64 : i32
      %mul3A_231 = arith.muli %scan3A_146, %mul3A_230 : i32
      %add3A_232 = arith.constant 48 : i32
      %add3A_233 = arith.addi %mul3A_231, %add3A_232 : i32
      %swap3A_234 = arith.index_cast %add3A_233 : i32 to index
      %swap3A_235 = tpu.vector_load %arg10[%swap3A_234] {strides = array<i32>} : memref<10272xi32, #tpu.memory_space<vmem>>, vector<16xi32>,
      %swap3A_236 = vector.shape_cast %swap3A_235 : vector<16xi32> to vector<16xi32>
      %swap3A_237 = vector.shape_cast %shift_left3A_229 : vector<16xi32> to vector<16xi32>
      tpu.vector_store %arg10[%swap3A_234], %swap3A_237 {strides = array<i32>} : memref<10272xi32, #tpu.memory_space<vmem>>, vector<16xi32>,
    }
    %scan3A_12 = arith.constant 160 : i32
    %scan3A_13 = arith.constant 0 : i32
    %scan3A_14 = arith.constant 1 : i32
    %scan3A_15 = arith.constant 0 : i32
    %scan3A_16 = arith.constant 32 : i32
    %scan3A_17 = arith.addi %scan3A_15, %scan3A_16 : i32
    %scan3A_18 = arith.constant 1 : i32
    scf.for %scan3A_146 = %scan3A_15 to %scan3A_17 step %scan3A_18  : i32 {
      %get3A = arith.index_cast %scan3A_146 : i32 to index
      %get3A_147 = arith.constant 0 : index
      %get3A_148 = tpu.vector_load %arg7[%get3A, %get3A_147] {strides = array<i32>} : memref<32x16xi32, #tpu.memory_space<vmem>>, vector<1x16xi32>,
      %get3A_149 = vector.shape_cast %get3A_148 : vector<1x16xi32> to vector<16xi32>
      %shift_right_logical3A = vector.broadcast %scan3A_14 : i32 to vector<16xi32>
      %shift_right_logical3A_150 = arith.shrui %get3A_149, %shift_right_logical3A : vector<16xi32>
      %swap3A = arith.index_cast %scan3A_146 : i32 to index
      %swap3A_151 = arith.constant 0 : index
      %swap3A_152 = tpu.vector_load %arg7[%swap3A, %swap3A_151] {strides = array<i32>} : memref<32x16xi32, #tpu.memory_space<vmem>>, vector<1x16xi32>,
      %swap3A_153 = vector.shape_cast %swap3A_152 : vector<1x16xi32> to vector<16xi32>
      %swap3A_154 = vector.shape_cast %shift_right_logical3A_150 : vector<16xi32> to vector<1x16xi32>
      tpu.vector_store %arg7[%swap3A, %swap3A_151], %swap3A_154 {strides = array<i32>} : memref<32x16xi32, #tpu.memory_space<vmem>>, vector<1x16xi32>,
      %and3A = vector.broadcast %scan3A_14 : i32 to vector<16xi32>
      %and3A_155 = arith.andi %get3A_149, %and3A : vector<16xi32>
      %shift_left3A = arith.constant 6 : i32
      %shift_left3A_156 = vector.broadcast %shift_left3A : i32 to vector<16xi32>
      %shift_left3A_157 = arith.shli %and3A_155, %shift_left3A_156 : vector<16xi32>
      %mul3A_158 = arith.constant 16 : i32
      %mul3A_159 = arith.muli %scan3A_146, %mul3A_158 : i32
      %swap3A_160 = arith.index_cast %mul3A_159 : i32 to index
      %swap3A_161 = tpu.vector_load %arg8[%swap3A_160] {strides = array<i32>} : memref<528xi32, #tpu.memory_space<vmem>>, vector<16xi32>,
      %swap3A_162 = vector.shape_cast %swap3A_161 : vector<16xi32> to vector<16xi32>
      %swap3A_163 = vector.shape_cast %shift_left3A_157 : vector<16xi32> to vector<16xi32>
      tpu.vector_store %arg8[%swap3A_160], %swap3A_163 {strides = array<i32>} : memref<528xi32, #tpu.memory_space<vmem>>, vector<16xi32>,
    }
    %scan3A_19 = arith.constant 32 : i32
    %dma_start3A = arith.constant 0 : i32
    %dma_start3A_20 = arith.constant 0 : i32
    %dma_start3A_21 = arith.constant 0 : i32
    %dma_start3A_22 = tpu.memref_slice %arg11[%dma_start3A_20, %dma_start3A_21] : memref<320x128xf32, #tpu.memory_space<vmem>> -> memref<64x128xf32, #tpu.memory_space<vmem>>
    %dma_start3A_23 = arith.constant 0 : i32
    %dma_start3A_24 = tpu.memref_slice %arg9[%dma_start3A, %dma_start3A_23] : memref<160x64xi32, #tpu.memory_space<vmem>> -> memref<1x64xi32, #tpu.memory_space<vmem>>
    %dma_start3A_25 = tpu.memref_squeeze %dma_start3A_24 : memref<1x64xi32, #tpu.memory_space<vmem>> -> memref<64xi32, #tpu.memory_space<vmem>>
    %dma_start3A_26 = arith.constant 0 : i32
    %dma_start3A_27 = arith.constant 0 : i32
    %dma_start3A_28 = tpu.memref_slice %arg5[%dma_start3A_26, %dma_start3A_27] : memref<500000x128xf32, #tpu.memory_space<hbm>> -> memref<500000x128xf32, #tpu.memory_space<hbm>>
    tpu.enqueue_indirect_dma source(%dma_start3A_28 : memref<500000x128xf32, #tpu.memory_space<hbm>>) target(%dma_start3A_22 : memref<64x128xf32, #tpu.memory_space<vmem>>) offsets(%dma_start3A_25 : memref<64xi32, #tpu.memory_space<vmem>>) semaphore(%arg17 : memref<!tpu.dma_semaphore, #tpu.memory_space<semaphore_mem>>)
    %dma_start3A_29 = arith.constant 1 : i32
    %dma_start3A_30 = arith.constant 64 : i32
    %dma_start3A_31 = arith.constant 0 : i32
    %dma_start3A_32 = tpu.memref_slice %arg11[%dma_start3A_30, %dma_start3A_31] : memref<320x128xf32, #tpu.memory_space<vmem>> -> memref<64x128xf32, #tpu.memory_space<vmem>>
    %dma_start3A_33 = arith.constant 0 : i32
    %dma_start3A_34 = tpu.memref_slice %arg9[%dma_start3A_29, %dma_start3A_33] : memref<160x64xi32, #tpu.memory_space<vmem>> -> memref<1x64xi32, #tpu.memory_space<vmem>>
    %dma_start3A_35 = tpu.memref_squeeze %dma_start3A_34 : memref<1x64xi32, #tpu.memory_space<vmem>> -> memref<64xi32, #tpu.memory_space<vmem>>
    %dma_start3A_36 = arith.constant 0 : i32
    %dma_start3A_37 = arith.constant 0 : i32
    %dma_start3A_38 = tpu.memref_slice %arg5[%dma_start3A_36, %dma_start3A_37] : memref<500000x128xf32, #tpu.memory_space<hbm>> -> memref<500000x128xf32, #tpu.memory_space<hbm>>
    tpu.enqueue_indirect_dma source(%dma_start3A_38 : memref<500000x128xf32, #tpu.memory_space<hbm>>) target(%dma_start3A_32 : memref<64x128xf32, #tpu.memory_space<vmem>>) offsets(%dma_start3A_35 : memref<64xi32, #tpu.memory_space<vmem>>) semaphore(%arg17 : memref<!tpu.dma_semaphore, #tpu.memory_space<semaphore_mem>>)
    %dma_start3A_39 = arith.constant 2 : i32
    %dma_start3A_40 = arith.constant 128 : i32
    %dma_start3A_41 = arith.constant 0 : i32
    %dma_start3A_42 = tpu.memref_slice %arg11[%dma_start3A_40, %dma_start3A_41] : memref<320x128xf32, #tpu.memory_space<vmem>> -> memref<64x128xf32, #tpu.memory_space<vmem>>
    %dma_start3A_43 = arith.constant 0 : i32
    %dma_start3A_44 = tpu.memref_slice %arg9[%dma_start3A_39, %dma_start3A_43] : memref<160x64xi32, #tpu.memory_space<vmem>> -> memref<1x64xi32, #tpu.memory_space<vmem>>
    %dma_start3A_45 = tpu.memref_squeeze %dma_start3A_44 : memref<1x64xi32, #tpu.memory_space<vmem>> -> memref<64xi32, #tpu.memory_space<vmem>>
    %dma_start3A_46 = arith.constant 0 : i32
    %dma_start3A_47 = arith.constant 0 : i32
    %dma_start3A_48 = tpu.memref_slice %arg5[%dma_start3A_46, %dma_start3A_47] : memref<500000x128xf32, #tpu.memory_space<hbm>> -> memref<500000x128xf32, #tpu.memory_space<hbm>>
    tpu.enqueue_indirect_dma source(%dma_start3A_48 : memref<500000x128xf32, #tpu.memory_space<hbm>>) target(%dma_start3A_42 : memref<64x128xf32, #tpu.memory_space<vmem>>) offsets(%dma_start3A_45 : memref<64xi32, #tpu.memory_space<vmem>>) semaphore(%arg17 : memref<!tpu.dma_semaphore, #tpu.memory_space<semaphore_mem>>)
    %dma_start3A_49 = arith.constant 3 : i32
    %dma_start3A_50 = arith.constant 192 : i32
    %dma_start3A_51 = arith.constant 0 : i32
    %dma_start3A_52 = tpu.memref_slice %arg11[%dma_start3A_50, %dma_start3A_51] : memref<320x128xf32, #tpu.memory_space<vmem>> -> memref<64x128xf32, #tpu.memory_space<vmem>>
    %dma_start3A_53 = arith.constant 0 : i32
    %dma_start3A_54 = tpu.memref_slice %arg9[%dma_start3A_49, %dma_start3A_53] : memref<160x64xi32, #tpu.memory_space<vmem>> -> memref<1x64xi32, #tpu.memory_space<vmem>>
    %dma_start3A_55 = tpu.memref_squeeze %dma_start3A_54 : memref<1x64xi32, #tpu.memory_space<vmem>> -> memref<64xi32, #tpu.memory_space<vmem>>
    %dma_start3A_56 = arith.constant 0 : i32
    %dma_start3A_57 = arith.constant 0 : i32
    %dma_start3A_58 = tpu.memref_slice %arg5[%dma_start3A_56, %dma_start3A_57] : memref<500000x128xf32, #tpu.memory_space<hbm>> -> memref<500000x128xf32, #tpu.memory_space<hbm>>
    tpu.enqueue_indirect_dma source(%dma_start3A_58 : memref<500000x128xf32, #tpu.memory_space<hbm>>) target(%dma_start3A_52 : memref<64x128xf32, #tpu.memory_space<vmem>>) offsets(%dma_start3A_55 : memref<64xi32, #tpu.memory_space<vmem>>) semaphore(%arg17 : memref<!tpu.dma_semaphore, #tpu.memory_space<semaphore_mem>>)
    %dma_start3A_59 = arith.constant 4 : i32
    %dma_start3A_60 = arith.constant 256 : i32
    %dma_start3A_61 = arith.constant 0 : i32
    %dma_start3A_62 = tpu.memref_slice %arg11[%dma_start3A_60, %dma_start3A_61] : memref<320x128xf32, #tpu.memory_space<vmem>> -> memref<64x128xf32, #tpu.memory_space<vmem>>
    %dma_start3A_63 = arith.constant 0 : i32
    %dma_start3A_64 = tpu.memref_slice %arg9[%dma_start3A_59, %dma_start3A_63] : memref<160x64xi32, #tpu.memory_space<vmem>> -> memref<1x64xi32, #tpu.memory_space<vmem>>
    %dma_start3A_65 = tpu.memref_squeeze %dma_start3A_64 : memref<1x64xi32, #tpu.memory_space<vmem>> -> memref<64xi32, #tpu.memory_space<vmem>>
    %dma_start3A_66 = arith.constant 0 : i32
    %dma_start3A_67 = arith.constant 0 : i32
    %dma_start3A_68 = tpu.memref_slice %arg5[%dma_start3A_66, %dma_start3A_67] : memref<500000x128xf32, #tpu.memory_space<hbm>> -> memref<500000x128xf32, #tpu.memory_space<hbm>>
    tpu.enqueue_indirect_dma source(%dma_start3A_68 : memref<500000x128xf32, #tpu.memory_space<hbm>>) target(%dma_start3A_62 : memref<64x128xf32, #tpu.memory_space<vmem>>) offsets(%dma_start3A_65 : memref<64xi32, #tpu.memory_space<vmem>>) semaphore(%arg17 : memref<!tpu.dma_semaphore, #tpu.memory_space<semaphore_mem>>)
    %dma_start3A_69 = arith.constant 0 : i32
    %dma_start3A_70 = arith.constant 0 : i32
    %dma_start3A_71 = tpu.memref_slice %arg7[%dma_start3A_69, %dma_start3A_70] : memref<32x16xi32, #tpu.memory_space<vmem>> -> memref<1x16xi32, #tpu.memory_space<vmem>>
    %dma_start3A_72 = tpu.memref_squeeze %dma_start3A_71 : memref<1x16xi32, #tpu.memory_space<vmem>> -> memref<16xi32, #tpu.memory_space<vmem>>
    %dma_start3A_73 = arith.constant 0 : i32
    %dma_start3A_74 = arith.constant 0 : i32
    %dma_start3A_75 = tpu.memref_slice %arg4[%dma_start3A_73, %dma_start3A_74] : memref<50000x128xf32, #tpu.memory_space<hbm>> -> memref<50000x128xf32, #tpu.memory_space<hbm>>
    tpu.enqueue_indirect_dma source(%dma_start3A_75 : memref<50000x128xf32, #tpu.memory_space<hbm>>) target(%arg13 : memref<16x128xf32, #tpu.memory_space<vmem>>) offsets(%dma_start3A_72 : memref<16xi32, #tpu.memory_space<vmem>>) semaphore(%arg19 : memref<!tpu.dma_semaphore, #tpu.memory_space<semaphore_mem>>)
    %dma_start3A_76 = arith.constant 5 : i32
    %dma_start3A_77 = arith.constant 0 : i32
    %dma_start3A_78 = arith.constant 0 : i32
    %dma_start3A_79 = tpu.memref_slice %arg12[%dma_start3A_77, %dma_start3A_78] : memref<320x128xf32, #tpu.memory_space<vmem>> -> memref<64x128xf32, #tpu.memory_space<vmem>>
    %dma_start3A_80 = arith.constant 0 : i32
    %dma_start3A_81 = tpu.memref_slice %arg9[%dma_start3A_76, %dma_start3A_80] : memref<160x64xi32, #tpu.memory_space<vmem>> -> memref<1x64xi32, #tpu.memory_space<vmem>>
    %dma_start3A_82 = tpu.memref_squeeze %dma_start3A_81 : memref<1x64xi32, #tpu.memory_space<vmem>> -> memref<64xi32, #tpu.memory_space<vmem>>
    %dma_start3A_83 = arith.constant 0 : i32
    %dma_start3A_84 = arith.constant 0 : i32
    %dma_start3A_85 = tpu.memref_slice %arg5[%dma_start3A_83, %dma_start3A_84] : memref<500000x128xf32, #tpu.memory_space<hbm>> -> memref<500000x128xf32, #tpu.memory_space<hbm>>
    tpu.enqueue_indirect_dma source(%dma_start3A_85 : memref<500000x128xf32, #tpu.memory_space<hbm>>) target(%dma_start3A_79 : memref<64x128xf32, #tpu.memory_space<vmem>>) offsets(%dma_start3A_82 : memref<64xi32, #tpu.memory_space<vmem>>) semaphore(%arg18 : memref<!tpu.dma_semaphore, #tpu.memory_space<semaphore_mem>>)
    %dma_start3A_86 = arith.constant 6 : i32
    %dma_start3A_87 = arith.constant 64 : i32
    %dma_start3A_88 = arith.constant 0 : i32
    %dma_start3A_89 = tpu.memref_slice %arg12[%dma_start3A_87, %dma_start3A_88] : memref<320x128xf32, #tpu.memory_space<vmem>> -> memref<64x128xf32, #tpu.memory_space<vmem>>
    %dma_start3A_90 = arith.constant 0 : i32
    %dma_start3A_91 = tpu.memref_slice %arg9[%dma_start3A_86, %dma_start3A_90] : memref<160x64xi32, #tpu.memory_space<vmem>> -> memref<1x64xi32, #tpu.memory_space<vmem>>
    %dma_start3A_92 = tpu.memref_squeeze %dma_start3A_91 : memref<1x64xi32, #tpu.memory_space<vmem>> -> memref<64xi32, #tpu.memory_space<vmem>>
    %dma_start3A_93 = arith.constant 0 : i32
    %dma_start3A_94 = arith.constant 0 : i32
    %dma_start3A_95 = tpu.memref_slice %arg5[%dma_start3A_93, %dma_start3A_94] : memref<500000x128xf32, #tpu.memory_space<hbm>> -> memref<500000x128xf32, #tpu.memory_space<hbm>>
    tpu.enqueue_indirect_dma source(%dma_start3A_95 : memref<500000x128xf32, #tpu.memory_space<hbm>>) target(%dma_start3A_89 : memref<64x128xf32, #tpu.memory_space<vmem>>) offsets(%dma_start3A_92 : memref<64xi32, #tpu.memory_space<vmem>>) semaphore(%arg18 : memref<!tpu.dma_semaphore, #tpu.memory_space<semaphore_mem>>)
    %dma_start3A_96 = arith.constant 7 : i32
    %dma_start3A_97 = arith.constant 128 : i32
    %dma_start3A_98 = arith.constant 0 : i32
    %dma_start3A_99 = tpu.memref_slice %arg12[%dma_start3A_97, %dma_start3A_98] : memref<320x128xf32, #tpu.memory_space<vmem>> -> memref<64x128xf32, #tpu.memory_space<vmem>>
    %dma_start3A_100 = arith.constant 0 : i32
    %dma_start3A_101 = tpu.memref_slice %arg9[%dma_start3A_96, %dma_start3A_100] : memref<160x64xi32, #tpu.memory_space<vmem>> -> memref<1x64xi32, #tpu.memory_space<vmem>>
    %dma_start3A_102 = tpu.memref_squeeze %dma_start3A_101 : memref<1x64xi32, #tpu.memory_space<vmem>> -> memref<64xi32, #tpu.memory_space<vmem>>
    %dma_start3A_103 = arith.constant 0 : i32
    %dma_start3A_104 = arith.constant 0 : i32
    %dma_start3A_105 = tpu.memref_slice %arg5[%dma_start3A_103, %dma_start3A_104] : memref<500000x128xf32, #tpu.memory_space<hbm>> -> memref<500000x128xf32, #tpu.memory_space<hbm>>
    tpu.enqueue_indirect_dma source(%dma_start3A_105 : memref<500000x128xf32, #tpu.memory_space<hbm>>) target(%dma_start3A_99 : memref<64x128xf32, #tpu.memory_space<vmem>>) offsets(%dma_start3A_102 : memref<64xi32, #tpu.memory_space<vmem>>) semaphore(%arg18 : memref<!tpu.dma_semaphore, #tpu.memory_space<semaphore_mem>>)
    %dma_start3A_106 = arith.constant 8 : i32
    %dma_start3A_107 = arith.constant 192 : i32
    %dma_start3A_108 = arith.constant 0 : i32
    %dma_start3A_109 = tpu.memref_slice %arg12[%dma_start3A_107, %dma_start3A_108] : memref<320x128xf32, #tpu.memory_space<vmem>> -> memref<64x128xf32, #tpu.memory_space<vmem>>
    %dma_start3A_110 = arith.constant 0 : i32
    %dma_start3A_111 = tpu.memref_slice %arg9[%dma_start3A_106, %dma_start3A_110] : memref<160x64xi32, #tpu.memory_space<vmem>> -> memref<1x64xi32, #tpu.memory_space<vmem>>
    %dma_start3A_112 = tpu.memref_squeeze %dma_start3A_111 : memref<1x64xi32, #tpu.memory_space<vmem>> -> memref<64xi32, #tpu.memory_space<vmem>>
    %dma_start3A_113 = arith.constant 0 : i32
    %dma_start3A_114 = arith.constant 0 : i32
    %dma_start3A_115 = tpu.memref_slice %arg5[%dma_start3A_113, %dma_start3A_114] : memref<500000x128xf32, #tpu.memory_space<hbm>> -> memref<500000x128xf32, #tpu.memory_space<hbm>>
    tpu.enqueue_indirect_dma source(%dma_start3A_115 : memref<500000x128xf32, #tpu.memory_space<hbm>>) target(%dma_start3A_109 : memref<64x128xf32, #tpu.memory_space<vmem>>) offsets(%dma_start3A_112 : memref<64xi32, #tpu.memory_space<vmem>>) semaphore(%arg18 : memref<!tpu.dma_semaphore, #tpu.memory_space<semaphore_mem>>)
    %dma_start3A_116 = arith.constant 9 : i32
    %dma_start3A_117 = arith.constant 256 : i32
    %dma_start3A_118 = arith.constant 0 : i32
    %dma_start3A_119 = tpu.memref_slice %arg12[%dma_start3A_117, %dma_start3A_118] : memref<320x128xf32, #tpu.memory_space<vmem>> -> memref<64x128xf32, #tpu.memory_space<vmem>>
    %dma_start3A_120 = arith.constant 0 : i32
    %dma_start3A_121 = tpu.memref_slice %arg9[%dma_start3A_116, %dma_start3A_120] : memref<160x64xi32, #tpu.memory_space<vmem>> -> memref<1x64xi32, #tpu.memory_space<vmem>>
    %dma_start3A_122 = tpu.memref_squeeze %dma_start3A_121 : memref<1x64xi32, #tpu.memory_space<vmem>> -> memref<64xi32, #tpu.memory_space<vmem>>
    %dma_start3A_123 = arith.constant 0 : i32
    %dma_start3A_124 = arith.constant 0 : i32
    %dma_start3A_125 = tpu.memref_slice %arg5[%dma_start3A_123, %dma_start3A_124] : memref<500000x128xf32, #tpu.memory_space<hbm>> -> memref<500000x128xf32, #tpu.memory_space<hbm>>
    tpu.enqueue_indirect_dma source(%dma_start3A_125 : memref<500000x128xf32, #tpu.memory_space<hbm>>) target(%dma_start3A_119 : memref<64x128xf32, #tpu.memory_space<vmem>>) offsets(%dma_start3A_122 : memref<64xi32, #tpu.memory_space<vmem>>) semaphore(%arg18 : memref<!tpu.dma_semaphore, #tpu.memory_space<semaphore_mem>>)
    %dma_start3A_126 = arith.constant 1 : i32
    %dma_start3A_127 = arith.constant 0 : i32
    %dma_start3A_128 = tpu.memref_slice %arg7[%dma_start3A_126, %dma_start3A_127] : memref<32x16xi32, #tpu.memory_space<vmem>> -> memref<1x16xi32, #tpu.memory_space<vmem>>
    %dma_start3A_129 = tpu.memref_squeeze %dma_start3A_128 : memref<1x16xi32, #tpu.memory_space<vmem>> -> memref<16xi32, #tpu.memory_space<vmem>>
    %dma_start3A_130 = arith.constant 0 : i32
    %dma_start3A_131 = arith.constant 0 : i32
    %dma_start3A_132 = tpu.memref_slice %arg4[%dma_start3A_130, %dma_start3A_131] : memref<50000x128xf32, #tpu.memory_space<hbm>> -> memref<50000x128xf32, #tpu.memory_space<hbm>>
    tpu.enqueue_indirect_dma source(%dma_start3A_132 : memref<50000x128xf32, #tpu.memory_space<hbm>>) target(%arg14 : memref<16x128xf32, #tpu.memory_space<vmem>>) offsets(%dma_start3A_129 : memref<16xi32, #tpu.memory_space<vmem>>) semaphore(%arg20 : memref<!tpu.dma_semaphore, #tpu.memory_space<semaphore_mem>>)
    %scan3A_133 = arith.constant 0 : i32
    %scan3A_134 = arith.constant 0 : i32
    %scan3A_135 = arith.constant 16 : i32
    %scan3A_136 = arith.addi %scan3A_134, %scan3A_135 : i32
    %scan3A_137 = arith.constant 1 : i32
    scf.for %scan3A_146 = %scan3A_134 to %scan3A_136 step %scan3A_137  : i32 {
      %mul3A_147 = arith.constant 2 : i32
      %mul3A_148 = arith.muli %scan3A_146, %mul3A_147 : i32
      %add3A_149 = arith.constant 0 : i32
      %add3A_150 = arith.addi %mul3A_148, %add3A_149 : i32
      %dma_wait3A_151 = arith.constant 0 : i32
      %dma_wait3A_152 = arith.constant 0 : i32
      %dma_wait3A_153 = tpu.memref_slice %arg11[%dma_wait3A_151, %dma_wait3A_152] : memref<320x128xf32, #tpu.memory_space<vmem>> -> memref<64x128xf32, #tpu.memory_space<vmem>>
      %dma_wait3A_154 = arith.constant 0 : i32
      %dma_wait3A_155 = arith.constant 0 : i32
      %dma_wait3A_156 = tpu.memref_slice %arg5[%dma_wait3A_154, %dma_wait3A_155] : memref<500000x128xf32, #tpu.memory_space<hbm>> -> memref<64x128xf32, #tpu.memory_space<hbm>>
      %dma_wait3A_157 = arith.constant 0 : i32
      %dma_wait3A_158 = arith.constant 0 : i32
      %dma_wait3A_159 = tpu.memref_slice %arg11[%dma_wait3A_157, %dma_wait3A_158] : memref<320x128xf32, #tpu.memory_space<vmem>> -> memref<64x128xf32, #tpu.memory_space<vmem>>
      %dma_wait3A_160 = arith.constant 0 : i32
      %dma_wait3A_161 = arith.constant 0 : i32
      %dma_wait3A_162 = tpu.memref_slice %arg5[%dma_wait3A_160, %dma_wait3A_161] : memref<500000x128xf32, #tpu.memory_space<hbm>> -> memref<64x128xf32, #tpu.memory_space<hbm>>
      tpu.wait_dma2 semaphore(%arg17 : memref<!tpu.dma_semaphore, #tpu.memory_space<semaphore_mem>>) src(%dma_wait3A_162 : memref<64x128xf32, #tpu.memory_space<hbm>>) dst(%dma_wait3A_159 : memref<64x128xf32, #tpu.memory_space<vmem>>)
      %dma_wait3A_163 = arith.constant 64 : i32
      %dma_wait3A_164 = arith.constant 0 : i32
      %dma_wait3A_165 = tpu.memref_slice %arg11[%dma_wait3A_163, %dma_wait3A_164] : memref<320x128xf32, #tpu.memory_space<vmem>> -> memref<64x128xf32, #tpu.memory_space<vmem>>
      %dma_wait3A_166 = arith.constant 0 : i32
      %dma_wait3A_167 = arith.constant 0 : i32
      %dma_wait3A_168 = tpu.memref_slice %arg5[%dma_wait3A_166, %dma_wait3A_167] : memref<500000x128xf32, #tpu.memory_space<hbm>> -> memref<64x128xf32, #tpu.memory_space<hbm>>
      %dma_wait3A_169 = arith.constant 64 : i32
      %dma_wait3A_170 = arith.constant 0 : i32
      %dma_wait3A_171 = tpu.memref_slice %arg11[%dma_wait3A_169, %dma_wait3A_170] : memref<320x128xf32, #tpu.memory_space<vmem>> -> memref<64x128xf32, #tpu.memory_space<vmem>>
      %dma_wait3A_172 = arith.constant 0 : i32
      %dma_wait3A_173 = arith.constant 0 : i32
      %dma_wait3A_174 = tpu.memref_slice %arg5[%dma_wait3A_172, %dma_wait3A_173] : memref<500000x128xf32, #tpu.memory_space<hbm>> -> memref<64x128xf32, #tpu.memory_space<hbm>>
      tpu.wait_dma2 semaphore(%arg17 : memref<!tpu.dma_semaphore, #tpu.memory_space<semaphore_mem>>) src(%dma_wait3A_174 : memref<64x128xf32, #tpu.memory_space<hbm>>) dst(%dma_wait3A_171 : memref<64x128xf32, #tpu.memory_space<vmem>>)
      %dma_wait3A_175 = arith.constant 128 : i32
      %dma_wait3A_176 = arith.constant 0 : i32
      %dma_wait3A_177 = tpu.memref_slice %arg11[%dma_wait3A_175, %dma_wait3A_176] : memref<320x128xf32, #tpu.memory_space<vmem>> -> memref<64x128xf32, #tpu.memory_space<vmem>>
      %dma_wait3A_178 = arith.constant 0 : i32
      %dma_wait3A_179 = arith.constant 0 : i32
      %dma_wait3A_180 = tpu.memref_slice %arg5[%dma_wait3A_178, %dma_wait3A_179] : memref<500000x128xf32, #tpu.memory_space<hbm>> -> memref<64x128xf32, #tpu.memory_space<hbm>>
      %dma_wait3A_181 = arith.constant 128 : i32
      %dma_wait3A_182 = arith.constant 0 : i32
      %dma_wait3A_183 = tpu.memref_slice %arg11[%dma_wait3A_181, %dma_wait3A_182] : memref<320x128xf32, #tpu.memory_space<vmem>> -> memref<64x128xf32, #tpu.memory_space<vmem>>
      %dma_wait3A_184 = arith.constant 0 : i32
      %dma_wait3A_185 = arith.constant 0 : i32
      %dma_wait3A_186 = tpu.memref_slice %arg5[%dma_wait3A_184, %dma_wait3A_185] : memref<500000x128xf32, #tpu.memory_space<hbm>> -> memref<64x128xf32, #tpu.memory_space<hbm>>
      tpu.wait_dma2 semaphore(%arg17 : memref<!tpu.dma_semaphore, #tpu.memory_space<semaphore_mem>>) src(%dma_wait3A_186 : memref<64x128xf32, #tpu.memory_space<hbm>>) dst(%dma_wait3A_183 : memref<64x128xf32, #tpu.memory_space<vmem>>)
      %dma_wait3A_187 = arith.constant 192 : i32
      %dma_wait3A_188 = arith.constant 0 : i32
      %dma_wait3A_189 = tpu.memref_slice %arg11[%dma_wait3A_187, %dma_wait3A_188] : memref<320x128xf32, #tpu.memory_space<vmem>> -> memref<64x128xf32, #tpu.memory_space<vmem>>
      %dma_wait3A_190 = arith.constant 0 : i32
      %dma_wait3A_191 = arith.constant 0 : i32
      %dma_wait3A_192 = tpu.memref_slice %arg5[%dma_wait3A_190, %dma_wait3A_191] : memref<500000x128xf32, #tpu.memory_space<hbm>> -> memref<64x128xf32, #tpu.memory_space<hbm>>
      %dma_wait3A_193 = arith.constant 192 : i32
      %dma_wait3A_194 = arith.constant 0 : i32
      %dma_wait3A_195 = tpu.memref_slice %arg11[%dma_wait3A_193, %dma_wait3A_194] : memref<320x128xf32, #tpu.memory_space<vmem>> -> memref<64x128xf32, #tpu.memory_space<vmem>>
      %dma_wait3A_196 = arith.constant 0 : i32
      %dma_wait3A_197 = arith.constant 0 : i32
      %dma_wait3A_198 = tpu.memref_slice %arg5[%dma_wait3A_196, %dma_wait3A_197] : memref<500000x128xf32, #tpu.memory_space<hbm>> -> memref<64x128xf32, #tpu.memory_space<hbm>>
      tpu.wait_dma2 semaphore(%arg17 : memref<!tpu.dma_semaphore, #tpu.memory_space<semaphore_mem>>) src(%dma_wait3A_198 : memref<64x128xf32, #tpu.memory_space<hbm>>) dst(%dma_wait3A_195 : memref<64x128xf32, #tpu.memory_space<vmem>>)
      %dma_wait3A_199 = arith.constant 256 : i32
      %dma_wait3A_200 = arith.constant 0 : i32
      %dma_wait3A_201 = tpu.memref_slice %arg11[%dma_wait3A_199, %dma_wait3A_200] : memref<320x128xf32, #tpu.memory_space<vmem>> -> memref<64x128xf32, #tpu.memory_space<vmem>>
      %dma_wait3A_202 = arith.constant 0 : i32
      %dma_wait3A_203 = arith.constant 0 : i32
      %dma_wait3A_204 = tpu.memref_slice %arg5[%dma_wait3A_202, %dma_wait3A_203] : memref<500000x128xf32, #tpu.memory_space<hbm>> -> memref<64x128xf32, #tpu.memory_space<hbm>>
      %dma_wait3A_205 = arith.constant 256 : i32
      %dma_wait3A_206 = arith.constant 0 : i32
      %dma_wait3A_207 = tpu.memref_slice %arg11[%dma_wait3A_205, %dma_wait3A_206] : memref<320x128xf32, #tpu.memory_space<vmem>> -> memref<64x128xf32, #tpu.memory_space<vmem>>
      %dma_wait3A_208 = arith.constant 0 : i32
      %dma_wait3A_209 = arith.constant 0 : i32
      %dma_wait3A_210 = tpu.memref_slice %arg5[%dma_wait3A_208, %dma_wait3A_209] : memref<500000x128xf32, #tpu.memory_space<hbm>> -> memref<64x128xf32, #tpu.memory_space<hbm>>
      tpu.wait_dma2 semaphore(%arg17 : memref<!tpu.dma_semaphore, #tpu.memory_space<semaphore_mem>>) src(%dma_wait3A_210 : memref<64x128xf32, #tpu.memory_space<hbm>>) dst(%dma_wait3A_207 : memref<64x128xf32, #tpu.memory_space<vmem>>)
      %dma_wait3A_211 = arith.constant 0 : i32
      %dma_wait3A_212 = arith.constant 0 : i32
      %dma_wait3A_213 = tpu.memref_slice %arg4[%dma_wait3A_211, %dma_wait3A_212] : memref<50000x128xf32, #tpu.memory_space<hbm>> -> memref<16x128xf32, #tpu.memory_space<hbm>>
      %dma_wait3A_214 = arith.constant 0 : i32
      %dma_wait3A_215 = arith.constant 0 : i32
      %dma_wait3A_216 = tpu.memref_slice %arg4[%dma_wait3A_214, %dma_wait3A_215] : memref<50000x128xf32, #tpu.memory_space<hbm>> -> memref<16x128xf32, #tpu.memory_space<hbm>>
      tpu.wait_dma2 semaphore(%arg19 : memref<!tpu.dma_semaphore, #tpu.memory_space<semaphore_mem>>) src(%dma_wait3A_216 : memref<16x128xf32, #tpu.memory_space<hbm>>) dst(%arg13 : memref<16x128xf32, #tpu.memory_space<vmem>>)
      %ge3A = arith.constant 2 : i32
      %ge3A_217 = arith.cmpi sge, %add3A_150, %ge3A : i32
      %convert_element_type3A = arith.extui %ge3A_217 : i1 to i32
      %cond3A = arith.constant 0 : i32
      %cond3A_218 = arith.cmpi ne, %convert_element_type3A, %cond3A : i32
      scf.if %cond3A_218 {
        %dma_wait3A_333 = arith.constant 0 : i32
        %dma_wait3A_334 = tpu.memref_slice %arg6[%mul3A_2, %dma_wait3A_333] : memref<16384x64xf32, #tpu.memory_space<hbm>> -> memref<16x64xf32, #tpu.memory_space<hbm>>
        %dma_wait3A_335 = arith.constant 0 : i32
        %dma_wait3A_336 = tpu.memref_slice %arg6[%mul3A_2, %dma_wait3A_335] : memref<16384x64xf32, #tpu.memory_space<hbm>> -> memref<16x64xf32, #tpu.memory_space<hbm>>
        tpu.wait_dma2 semaphore(%arg21 : memref<!tpu.dma_semaphore, #tpu.memory_space<semaphore_mem>>) src(%arg15 : memref<16x64xf32, #tpu.memory_space<vmem>>) dst(%dma_wait3A_336 : memref<16x64xf32, #tpu.memory_space<hbm>>)
      } else {
      }
      %scan3A_219 = arith.constant 0 : i32
      %scan3A_220 = arith.constant 0 : i32
      %scan3A_221 = arith.constant 16 : i32
      %scan3A_222 = arith.addi %scan3A_220, %scan3A_221 : i32
      %scan3A_223 = arith.constant 1 : i32
      scf.for %scan3A_333 = %scan3A_220 to %scan3A_222 step %scan3A_223  : i32 {
        %mul3A_334 = arith.constant 320 : i32
        %mul3A_335 = arith.muli %add3A_150, %mul3A_334 : i32
        %mul3A_336 = arith.constant 20 : i32
        %mul3A_337 = arith.muli %scan3A_333, %mul3A_336 : i32
        %add3A_338 = arith.addi %mul3A_335, %mul3A_337 : i32
        %get3A = arith.index_cast %add3A_338 : i32 to index
        %get3A_339 = tpu.vector_load %arg10[%get3A] {strides = array<i32>} : memref<10272xi32, #tpu.memory_space<vmem>>, vector<16xi32>,
        %get3A_340 = vector.shape_cast %get3A_339 : vector<16xi32> to vector<16xi32>
        %add3A_341 = arith.constant 16 : i32
        %add3A_342 = arith.addi %add3A_338, %add3A_341 : i32
        %get3A_343 = arith.index_cast %add3A_342 : i32 to index
        %get3A_344 = tpu.vector_load %arg10[%get3A_343] {strides = array<i32>} : memref<10272xi32, #tpu.memory_space<vmem>>, vector<16xi32>,
        %get3A_345 = vector.shape_cast %get3A_344 : vector<16xi32> to vector<16xi32>
        %slice3A = vector.extract_strided_slice %get3A_340 {offsets = [0], sizes = [1], strides = [1]} : vector<16xi32> to vector<1xi32>
        %squeeze3A = vector.extract %slice3A[0] : i32 from vector<1xi32>
        %slice3A_346 = vector.extract_strided_slice %get3A_340 {offsets = [1], sizes = [1], strides = [1]} : vector<16xi32> to vector<1xi32>
        %squeeze3A_347 = vector.extract %slice3A_346[0] : i32 from vector<1xi32>
        %slice3A_348 = vector.extract_strided_slice %get3A_340 {offsets = [2], sizes = [1], strides = [1]} : vector<16xi32> to vector<1xi32>
        %squeeze3A_349 = vector.extract %slice3A_348[0] : i32 from vector<1xi32>
        %slice3A_350 = vector.extract_strided_slice %get3A_340 {offsets = [3], sizes = [1], strides = [1]} : vector<16xi32> to vector<1xi32>
        %squeeze3A_351 = vector.extract %slice3A_350[0] : i32 from vector<1xi32>
        %slice3A_352 = vector.extract_strided_slice %get3A_340 {offsets = [4], sizes = [1], strides = [1]} : vector<16xi32> to vector<1xi32>
        %squeeze3A_353 = vector.extract %slice3A_352[0] : i32 from vector<1xi32>
        %slice3A_354 = vector.extract_strided_slice %get3A_340 {offsets = [5], sizes = [1], strides = [1]} : vector<16xi32> to vector<1xi32>
        %squeeze3A_355 = vector.extract %slice3A_354[0] : i32 from vector<1xi32>
        %slice3A_356 = vector.extract_strided_slice %get3A_340 {offsets = [6], sizes = [1], strides = [1]} : vector<16xi32> to vector<1xi32>
        %squeeze3A_357 = vector.extract %slice3A_356[0] : i32 from vector<1xi32>
        %slice3A_358 = vector.extract_strided_slice %get3A_340 {offsets = [7], sizes = [1], strides = [1]} : vector<16xi32> to vector<1xi32>
        %squeeze3A_359 = vector.extract %slice3A_358[0] : i32 from vector<1xi32>
        %slice3A_360 = vector.extract_strided_slice %get3A_340 {offsets = [8], sizes = [1], strides = [1]} : vector<16xi32> to vector<1xi32>
        %squeeze3A_361 = vector.extract %slice3A_360[0] : i32 from vector<1xi32>
        %slice3A_362 = vector.extract_strided_slice %get3A_340 {offsets = [9], sizes = [1], strides = [1]} : vector<16xi32> to vector<1xi32>
        %squeeze3A_363 = vector.extract %slice3A_362[0] : i32 from vector<1xi32>
        %slice3A_364 = vector.extract_strided_slice %get3A_340 {offsets = [10], sizes = [1], strides = [1]} : vector<16xi32> to vector<1xi32>
        %squeeze3A_365 = vector.extract %slice3A_364[0] : i32 from vector<1xi32>
        %slice3A_366 = vector.extract_strided_slice %get3A_340 {offsets = [11], sizes = [1], strides = [1]} : vector<16xi32> to vector<1xi32>
        %squeeze3A_367 = vector.extract %slice3A_366[0] : i32 from vector<1xi32>
        %slice3A_368 = vector.extract_strided_slice %get3A_340 {offsets = [12], sizes = [1], strides = [1]} : vector<16xi32> to vector<1xi32>
        %squeeze3A_369 = vector.extract %slice3A_368[0] : i32 from vector<1xi32>
        %slice3A_370 = vector.extract_strided_slice %get3A_340 {offsets = [13], sizes = [1], strides = [1]} : vector<16xi32> to vector<1xi32>
        %squeeze3A_371 = vector.extract %slice3A_370[0] : i32 from vector<1xi32>
        %slice3A_372 = vector.extract_strided_slice %get3A_340 {offsets = [14], sizes = [1], strides = [1]} : vector<16xi32> to vector<1xi32>
        %squeeze3A_373 = vector.extract %slice3A_372[0] : i32 from vector<1xi32>
        %slice3A_374 = vector.extract_strided_slice %get3A_340 {offsets = [15], sizes = [1], strides = [1]} : vector<16xi32> to vector<1xi32>
        %squeeze3A_375 = vector.extract %slice3A_374[0] : i32 from vector<1xi32>
        %slice3A_376 = vector.extract_strided_slice %get3A_345 {offsets = [0], sizes = [1], strides = [1]} : vector<16xi32> to vector<1xi32>
        %squeeze3A_377 = vector.extract %slice3A_376[0] : i32 from vector<1xi32>
        %slice3A_378 = vector.extract_strided_slice %get3A_345 {offsets = [1], sizes = [1], strides = [1]} : vector<16xi32> to vector<1xi32>
        %squeeze3A_379 = vector.extract %slice3A_378[0] : i32 from vector<1xi32>
        %slice3A_380 = vector.extract_strided_slice %get3A_345 {offsets = [2], sizes = [1], strides = [1]} : vector<16xi32> to vector<1xi32>
        %squeeze3A_381 = vector.extract %slice3A_380[0] : i32 from vector<1xi32>
        %slice3A_382 = vector.extract_strided_slice %get3A_345 {offsets = [3], sizes = [1], strides = [1]} : vector<16xi32> to vector<1xi32>
        %squeeze3A_383 = vector.extract %slice3A_382[0] : i32 from vector<1xi32>
        %mul3A_384 = arith.constant 16 : i32
        %mul3A_385 = arith.muli %add3A_150, %mul3A_384 : i32
        %add3A_386 = arith.addi %mul3A_385, %scan3A_333 : i32
        %get3A_387 = arith.index_cast %add3A_386 : i32 to index
        %get3A_388 = tpu.vector_load %arg8[%get3A_387] {strides = array<i32>} : memref<528xi32, #tpu.memory_space<vmem>>, vector<16xi32>,
        %get3A_389 = vector.shape_cast %get3A_388 : vector<16xi32> to vector<16xi32>
        %slice3A_390 = vector.extract_strided_slice %get3A_389 {offsets = [0], sizes = [1], strides = [1]} : vector<16xi32> to vector<1xi32>
        %squeeze3A_391 = vector.extract %slice3A_390[0] : i32 from vector<1xi32>
        %add3A_392 = arith.constant 0 : i32
        %add3A_393 = arith.addi %squeeze3A_391, %add3A_392 : i32
        %get3A_394 = arith.index_cast %scan3A_333 : i32 to index
        %get3A_395 = arith.index_cast %add3A_393 : i32 to index
        %get3A_396 = tpu.vector_load %arg13[%get3A_394, %get3A_395] {strides = array<i32>} : memref<16x128xf32, #tpu.memory_space<vmem>>, vector<1x16xf32>,
        %get3A_397 = vector.shape_cast %get3A_396 : vector<1x16xf32> to vector<16xf32>
        %mul3A_398 = arith.constant 2.000000e+01 : f32
        %mul3A_399 = vector.broadcast %mul3A_398 : f32 to vector<16xf32>
        %mul3A_400 = arith.mulf %get3A_397, %mul3A_399 : vector<16xf32>
        %mul3A_401 = arith.constant 20 : i32
        %mul3A_402 = arith.muli %scan3A_333, %mul3A_401 : i32
        %add3A_403 = arith.constant 0 : i32
        %add3A_404 = arith.addi %mul3A_402, %add3A_403 : i32
        %add3A_405 = arith.constant 0 : i32
        %add3A_406 = arith.addi %squeeze3A, %add3A_405 : i32
        %get3A_407 = arith.index_cast %add3A_404 : i32 to index
        %get3A_408 = arith.index_cast %add3A_406 : i32 to index
        %get3A_409 = tpu.vector_load %arg11[%get3A_407, %get3A_408] {strides = array<i32>} : memref<320x128xf32, #tpu.memory_space<vmem>>, vector<1x16xf32>,
        %get3A_410 = vector.shape_cast %get3A_409 : vector<1x16xf32> to vector<16xf32>
        %add3A_411 = arith.addf %mul3A_400, %get3A_410 : vector<16xf32>
        %mul3A_412 = arith.constant 20 : i32
        %mul3A_413 = arith.muli %scan3A_333, %mul3A_412 : i32
        %add3A_414 = arith.constant 1 : i32
        %add3A_415 = arith.addi %mul3A_413, %add3A_414 : i32
        %add3A_416 = arith.constant 0 : i32
        %add3A_417 = arith.addi %squeeze3A_347, %add3A_416 : i32
        %get3A_418 = arith.index_cast %add3A_415 : i32 to index
        %get3A_419 = arith.index_cast %add3A_417 : i32 to index
        %get3A_420 = tpu.vector_load %arg11[%get3A_418, %get3A_419] {strides = array<i32>} : memref<320x128xf32, #tpu.memory_space<vmem>>, vector<1x16xf32>,
        %get3A_421 = vector.shape_cast %get3A_420 : vector<1x16xf32> to vector<16xf32>
        %add3A_422 = arith.addf %add3A_411, %get3A_421 : vector<16xf32>
        %mul3A_423 = arith.constant 20 : i32
        %mul3A_424 = arith.muli %scan3A_333, %mul3A_423 : i32
        %add3A_425 = arith.constant 2 : i32
        %add3A_426 = arith.addi %mul3A_424, %add3A_425 : i32
        %add3A_427 = arith.constant 0 : i32
        %add3A_428 = arith.addi %squeeze3A_349, %add3A_427 : i32
        %get3A_429 = arith.index_cast %add3A_426 : i32 to index
        %get3A_430 = arith.index_cast %add3A_428 : i32 to index
        %get3A_431 = tpu.vector_load %arg11[%get3A_429, %get3A_430] {strides = array<i32>} : memref<320x128xf32, #tpu.memory_space<vmem>>, vector<1x16xf32>,
        %get3A_432 = vector.shape_cast %get3A_431 : vector<1x16xf32> to vector<16xf32>
        %add3A_433 = arith.addf %add3A_422, %get3A_432 : vector<16xf32>
        %mul3A_434 = arith.constant 20 : i32
        %mul3A_435 = arith.muli %scan3A_333, %mul3A_434 : i32
        %add3A_436 = arith.constant 3 : i32
        %add3A_437 = arith.addi %mul3A_435, %add3A_436 : i32
        %add3A_438 = arith.constant 0 : i32
        %add3A_439 = arith.addi %squeeze3A_351, %add3A_438 : i32
        %get3A_440 = arith.index_cast %add3A_437 : i32 to index
        %get3A_441 = arith.index_cast %add3A_439 : i32 to index
        %get3A_442 = tpu.vector_load %arg11[%get3A_440, %get3A_441] {strides = array<i32>} : memref<320x128xf32, #tpu.memory_space<vmem>>, vector<1x16xf32>,
        %get3A_443 = vector.shape_cast %get3A_442 : vector<1x16xf32> to vector<16xf32>
        %add3A_444 = arith.addf %add3A_433, %get3A_443 : vector<16xf32>
        %mul3A_445 = arith.constant 20 : i32
        %mul3A_446 = arith.muli %scan3A_333, %mul3A_445 : i32
        %add3A_447 = arith.constant 4 : i32
        %add3A_448 = arith.addi %mul3A_446, %add3A_447 : i32
        %add3A_449 = arith.constant 0 : i32
        %add3A_450 = arith.addi %squeeze3A_353, %add3A_449 : i32
        %get3A_451 = arith.index_cast %add3A_448 : i32 to index
        %get3A_452 = arith.index_cast %add3A_450 : i32 to index
        %get3A_453 = tpu.vector_load %arg11[%get3A_451, %get3A_452] {strides = array<i32>} : memref<320x128xf32, #tpu.memory_space<vmem>>, vector<1x16xf32>,
        %get3A_454 = vector.shape_cast %get3A_453 : vector<1x16xf32> to vector<16xf32>
        %add3A_455 = arith.addf %add3A_444, %get3A_454 : vector<16xf32>
        %mul3A_456 = arith.constant 20 : i32
        %mul3A_457 = arith.muli %scan3A_333, %mul3A_456 : i32
        %add3A_458 = arith.constant 5 : i32
        %add3A_459 = arith.addi %mul3A_457, %add3A_458 : i32
        %add3A_460 = arith.constant 0 : i32
        %add3A_461 = arith.addi %squeeze3A_355, %add3A_460 : i32
        %get3A_462 = arith.index_cast %add3A_459 : i32 to index
        %get3A_463 = arith.index_cast %add3A_461 : i32 to index
        %get3A_464 = tpu.vector_load %arg11[%get3A_462, %get3A_463] {strides = array<i32>} : memref<320x128xf32, #tpu.memory_space<vmem>>, vector<1x16xf32>,
        %get3A_465 = vector.shape_cast %get3A_464 : vector<1x16xf32> to vector<16xf32>
        %add3A_466 = arith.addf %add3A_455, %get3A_465 : vector<16xf32>
        %mul3A_467 = arith.constant 20 : i32
        %mul3A_468 = arith.muli %scan3A_333, %mul3A_467 : i32
        %add3A_469 = arith.constant 6 : i32
        %add3A_470 = arith.addi %mul3A_468, %add3A_469 : i32
        %add3A_471 = arith.constant 0 : i32
        %add3A_472 = arith.addi %squeeze3A_357, %add3A_471 : i32
        %get3A_473 = arith.index_cast %add3A_470 : i32 to index
        %get3A_474 = arith.index_cast %add3A_472 : i32 to index
        %get3A_475 = tpu.vector_load %arg11[%get3A_473, %get3A_474] {strides = array<i32>} : memref<320x128xf32, #tpu.memory_space<vmem>>, vector<1x16xf32>,
        %get3A_476 = vector.shape_cast %get3A_475 : vector<1x16xf32> to vector<16xf32>
        %add3A_477 = arith.addf %add3A_466, %get3A_476 : vector<16xf32>
        %mul3A_478 = arith.constant 20 : i32
        %mul3A_479 = arith.muli %scan3A_333, %mul3A_478 : i32
        %add3A_480 = arith.constant 7 : i32
        %add3A_481 = arith.addi %mul3A_479, %add3A_480 : i32
        %add3A_482 = arith.constant 0 : i32
        %add3A_483 = arith.addi %squeeze3A_359, %add3A_482 : i32
        %get3A_484 = arith.index_cast %add3A_481 : i32 to index
        %get3A_485 = arith.index_cast %add3A_483 : i32 to index
        %get3A_486 = tpu.vector_load %arg11[%get3A_484, %get3A_485] {strides = array<i32>} : memref<320x128xf32, #tpu.memory_space<vmem>>, vector<1x16xf32>,
        %get3A_487 = vector.shape_cast %get3A_486 : vector<1x16xf32> to vector<16xf32>
        %add3A_488 = arith.addf %add3A_477, %get3A_487 : vector<16xf32>
        %mul3A_489 = arith.constant 20 : i32
        %mul3A_490 = arith.muli %scan3A_333, %mul3A_489 : i32
        %add3A_491 = arith.constant 8 : i32
        %add3A_492 = arith.addi %mul3A_490, %add3A_491 : i32
        %add3A_493 = arith.constant 0 : i32
        %add3A_494 = arith.addi %squeeze3A_361, %add3A_493 : i32
        %get3A_495 = arith.index_cast %add3A_492 : i32 to index
        %get3A_496 = arith.index_cast %add3A_494 : i32 to index
        %get3A_497 = tpu.vector_load %arg11[%get3A_495, %get3A_496] {strides = array<i32>} : memref<320x128xf32, #tpu.memory_space<vmem>>, vector<1x16xf32>,
        %get3A_498 = vector.shape_cast %get3A_497 : vector<1x16xf32> to vector<16xf32>
        %add3A_499 = arith.addf %add3A_488, %get3A_498 : vector<16xf32>
        %mul3A_500 = arith.constant 20 : i32
        %mul3A_501 = arith.muli %scan3A_333, %mul3A_500 : i32
        %add3A_502 = arith.constant 9 : i32
        %add3A_503 = arith.addi %mul3A_501, %add3A_502 : i32
        %add3A_504 = arith.constant 0 : i32
        %add3A_505 = arith.addi %squeeze3A_363, %add3A_504 : i32
        %get3A_506 = arith.index_cast %add3A_503 : i32 to index
        %get3A_507 = arith.index_cast %add3A_505 : i32 to index
        %get3A_508 = tpu.vector_load %arg11[%get3A_506, %get3A_507] {strides = array<i32>} : memref<320x128xf32, #tpu.memory_space<vmem>>, vector<1x16xf32>,
        %get3A_509 = vector.shape_cast %get3A_508 : vector<1x16xf32> to vector<16xf32>
        %add3A_510 = arith.addf %add3A_499, %get3A_509 : vector<16xf32>
        %mul3A_511 = arith.constant 20 : i32
        %mul3A_512 = arith.muli %scan3A_333, %mul3A_511 : i32
        %add3A_513 = arith.constant 10 : i32
        %add3A_514 = arith.addi %mul3A_512, %add3A_513 : i32
        %add3A_515 = arith.constant 0 : i32
        %add3A_516 = arith.addi %squeeze3A_365, %add3A_515 : i32
        %get3A_517 = arith.index_cast %add3A_514 : i32 to index
        %get3A_518 = arith.index_cast %add3A_516 : i32 to index
        %get3A_519 = tpu.vector_load %arg11[%get3A_517, %get3A_518] {strides = array<i32>} : memref<320x128xf32, #tpu.memory_space<vmem>>, vector<1x16xf32>,
        %get3A_520 = vector.shape_cast %get3A_519 : vector<1x16xf32> to vector<16xf32>
        %add3A_521 = arith.addf %add3A_510, %get3A_520 : vector<16xf32>
        %mul3A_522 = arith.constant 20 : i32
        %mul3A_523 = arith.muli %scan3A_333, %mul3A_522 : i32
        %add3A_524 = arith.constant 11 : i32
        %add3A_525 = arith.addi %mul3A_523, %add3A_524 : i32
        %add3A_526 = arith.constant 0 : i32
        %add3A_527 = arith.addi %squeeze3A_367, %add3A_526 : i32
        %get3A_528 = arith.index_cast %add3A_525 : i32 to index
        %get3A_529 = arith.index_cast %add3A_527 : i32 to index
        %get3A_530 = tpu.vector_load %arg11[%get3A_528, %get3A_529] {strides = array<i32>} : memref<320x128xf32, #tpu.memory_space<vmem>>, vector<1x16xf32>,
        %get3A_531 = vector.shape_cast %get3A_530 : vector<1x16xf32> to vector<16xf32>
        %add3A_532 = arith.addf %add3A_521, %get3A_531 : vector<16xf32>
        %mul3A_533 = arith.constant 20 : i32
        %mul3A_534 = arith.muli %scan3A_333, %mul3A_533 : i32
        %add3A_535 = arith.constant 12 : i32
        %add3A_536 = arith.addi %mul3A_534, %add3A_535 : i32
        %add3A_537 = arith.constant 0 : i32
        %add3A_538 = arith.addi %squeeze3A_369, %add3A_537 : i32
        %get3A_539 = arith.index_cast %add3A_536 : i32 to index
        %get3A_540 = arith.index_cast %add3A_538 : i32 to index
        %get3A_541 = tpu.vector_load %arg11[%get3A_539, %get3A_540] {strides = array<i32>} : memref<320x128xf32, #tpu.memory_space<vmem>>, vector<1x16xf32>,
        %get3A_542 = vector.shape_cast %get3A_541 : vector<1x16xf32> to vector<16xf32>
        %add3A_543 = arith.addf %add3A_532, %get3A_542 : vector<16xf32>
        %mul3A_544 = arith.constant 20 : i32
        %mul3A_545 = arith.muli %scan3A_333, %mul3A_544 : i32
        %add3A_546 = arith.constant 13 : i32
        %add3A_547 = arith.addi %mul3A_545, %add3A_546 : i32
        %add3A_548 = arith.constant 0 : i32
        %add3A_549 = arith.addi %squeeze3A_371, %add3A_548 : i32
        %get3A_550 = arith.index_cast %add3A_547 : i32 to index
        %get3A_551 = arith.index_cast %add3A_549 : i32 to index
        %get3A_552 = tpu.vector_load %arg11[%get3A_550, %get3A_551] {strides = array<i32>} : memref<320x128xf32, #tpu.memory_space<vmem>>, vector<1x16xf32>,
        %get3A_553 = vector.shape_cast %get3A_552 : vector<1x16xf32> to vector<16xf32>
        %add3A_554 = arith.addf %add3A_543, %get3A_553 : vector<16xf32>
        %mul3A_555 = arith.constant 20 : i32
        %mul3A_556 = arith.muli %scan3A_333, %mul3A_555 : i32
        %add3A_557 = arith.constant 14 : i32
        %add3A_558 = arith.addi %mul3A_556, %add3A_557 : i32
        %add3A_559 = arith.constant 0 : i32
        %add3A_560 = arith.addi %squeeze3A_373, %add3A_559 : i32
        %get3A_561 = arith.index_cast %add3A_558 : i32 to index
        %get3A_562 = arith.index_cast %add3A_560 : i32 to index
        %get3A_563 = tpu.vector_load %arg11[%get3A_561, %get3A_562] {strides = array<i32>} : memref<320x128xf32, #tpu.memory_space<vmem>>, vector<1x16xf32>,
        %get3A_564 = vector.shape_cast %get3A_563 : vector<1x16xf32> to vector<16xf32>
        %add3A_565 = arith.addf %add3A_554, %get3A_564 : vector<16xf32>
        %mul3A_566 = arith.constant 20 : i32
        %mul3A_567 = arith.muli %scan3A_333, %mul3A_566 : i32
        %add3A_568 = arith.constant 15 : i32
        %add3A_569 = arith.addi %mul3A_567, %add3A_568 : i32
        %add3A_570 = arith.constant 0 : i32
        %add3A_571 = arith.addi %squeeze3A_375, %add3A_570 : i32
        %get3A_572 = arith.index_cast %add3A_569 : i32 to index
        %get3A_573 = arith.index_cast %add3A_571 : i32 to index
        %get3A_574 = tpu.vector_load %arg11[%get3A_572, %get3A_573] {strides = array<i32>} : memref<320x128xf32, #tpu.memory_space<vmem>>, vector<1x16xf32>,
        %get3A_575 = vector.shape_cast %get3A_574 : vector<1x16xf32> to vector<16xf32>
        %add3A_576 = arith.addf %add3A_565, %get3A_575 : vector<16xf32>
        %mul3A_577 = arith.constant 20 : i32
        %mul3A_578 = arith.muli %scan3A_333, %mul3A_577 : i32
        %add3A_579 = arith.constant 16 : i32
        %add3A_580 = arith.addi %mul3A_578, %add3A_579 : i32
        %add3A_581 = arith.constant 0 : i32
        %add3A_582 = arith.addi %squeeze3A_377, %add3A_581 : i32
        %get3A_583 = arith.index_cast %add3A_580 : i32 to index
        %get3A_584 = arith.index_cast %add3A_582 : i32 to index
        %get3A_585 = tpu.vector_load %arg11[%get3A_583, %get3A_584] {strides = array<i32>} : memref<320x128xf32, #tpu.memory_space<vmem>>, vector<1x16xf32>,
        %get3A_586 = vector.shape_cast %get3A_585 : vector<1x16xf32> to vector<16xf32>
        %add3A_587 = arith.addf %add3A_576, %get3A_586 : vector<16xf32>
        %mul3A_588 = arith.constant 20 : i32
        %mul3A_589 = arith.muli %scan3A_333, %mul3A_588 : i32
        %add3A_590 = arith.constant 17 : i32
        %add3A_591 = arith.addi %mul3A_589, %add3A_590 : i32
        %add3A_592 = arith.constant 0 : i32
        %add3A_593 = arith.addi %squeeze3A_379, %add3A_592 : i32
        %get3A_594 = arith.index_cast %add3A_591 : i32 to index
        %get3A_595 = arith.index_cast %add3A_593 : i32 to index
        %get3A_596 = tpu.vector_load %arg11[%get3A_594, %get3A_595] {strides = array<i32>} : memref<320x128xf32, #tpu.memory_space<vmem>>, vector<1x16xf32>,
        %get3A_597 = vector.shape_cast %get3A_596 : vector<1x16xf32> to vector<16xf32>
        %add3A_598 = arith.addf %add3A_587, %get3A_597 : vector<16xf32>
        %mul3A_599 = arith.constant 20 : i32
        %mul3A_600 = arith.muli %scan3A_333, %mul3A_599 : i32
        %add3A_601 = arith.constant 18 : i32
        %add3A_602 = arith.addi %mul3A_600, %add3A_601 : i32
        %add3A_603 = arith.constant 0 : i32
        %add3A_604 = arith.addi %squeeze3A_381, %add3A_603 : i32
        %get3A_605 = arith.index_cast %add3A_602 : i32 to index
        %get3A_606 = arith.index_cast %add3A_604 : i32 to index
        %get3A_607 = tpu.vector_load %arg11[%get3A_605, %get3A_606] {strides = array<i32>} : memref<320x128xf32, #tpu.memory_space<vmem>>, vector<1x16xf32>,
        %get3A_608 = vector.shape_cast %get3A_607 : vector<1x16xf32> to vector<16xf32>
        %add3A_609 = arith.addf %add3A_598, %get3A_608 : vector<16xf32>
        %mul3A_610 = arith.constant 20 : i32
        %mul3A_611 = arith.muli %scan3A_333, %mul3A_610 : i32
        %add3A_612 = arith.constant 19 : i32
        %add3A_613 = arith.addi %mul3A_611, %add3A_612 : i32
        %add3A_614 = arith.constant 0 : i32
        %add3A_615 = arith.addi %squeeze3A_383, %add3A_614 : i32
        %get3A_616 = arith.index_cast %add3A_613 : i32 to index
        %get3A_617 = arith.index_cast %add3A_615 : i32 to index
        %get3A_618 = tpu.vector_load %arg11[%get3A_616, %get3A_617] {strides = array<i32>} : memref<320x128xf32, #tpu.memory_space<vmem>>, vector<1x16xf32>,
        %get3A_619 = vector.shape_cast %get3A_618 : vector<1x16xf32> to vector<16xf32>
        %add3A_620 = arith.addf %add3A_609, %get3A_619 : vector<16xf32>
        %mul3A_621 = arith.constant 2.500000e-02 : f32
        %mul3A_622 = vector.broadcast %mul3A_621 : f32 to vector<16xf32>
        %mul3A_623 = arith.mulf %add3A_620, %mul3A_622 : vector<16xf32>
        %swap3A = arith.index_cast %scan3A_333 : i32 to index
        %swap3A_624 = arith.constant 0 : index
        %swap3A_625 = tpu.vector_load %arg15[%swap3A, %swap3A_624] {strides = array<i32>} : memref<16x64xf32, #tpu.memory_space<vmem>>, vector<1x16xf32>,
        %swap3A_626 = vector.shape_cast %swap3A_625 : vector<1x16xf32> to vector<16xf32>
        %swap3A_627 = vector.shape_cast %mul3A_623 : vector<16xf32> to vector<1x16xf32>
        tpu.vector_store %arg15[%swap3A, %swap3A_624], %swap3A_627 {strides = array<i32>} : memref<16x64xf32, #tpu.memory_space<vmem>>, vector<1x16xf32>,
        %add3A_628 = arith.constant 16 : i32
        %add3A_629 = arith.addi %squeeze3A_391, %add3A_628 : i32
        %get3A_630 = arith.index_cast %scan3A_333 : i32 to index
        %get3A_631 = arith.index_cast %add3A_629 : i32 to index
        %get3A_632 = tpu.vector_load %arg13[%get3A_630, %get3A_631] {strides = array<i32>} : memref<16x128xf32, #tpu.memory_space<vmem>>, vector<1x16xf32>,
        %get3A_633 = vector.shape_cast %get3A_632 : vector<1x16xf32> to vector<16xf32>
        %mul3A_634 = arith.constant 2.000000e+01 : f32
        %mul3A_635 = vector.broadcast %mul3A_634 : f32 to vector<16xf32>
        %mul3A_636 = arith.mulf %get3A_633, %mul3A_635 : vector<16xf32>
        %mul3A_637 = arith.constant 20 : i32
        %mul3A_638 = arith.muli %scan3A_333, %mul3A_637 : i32
        %add3A_639 = arith.constant 0 : i32
        %add3A_640 = arith.addi %mul3A_638, %add3A_639 : i32
        %add3A_641 = arith.constant 16 : i32
        %add3A_642 = arith.addi %squeeze3A, %add3A_641 : i32
        %get3A_643 = arith.index_cast %add3A_640 : i32 to index
        %get3A_644 = arith.index_cast %add3A_642 : i32 to index
        %get3A_645 = tpu.vector_load %arg11[%get3A_643, %get3A_644] {strides = array<i32>} : memref<320x128xf32, #tpu.memory_space<vmem>>, vector<1x16xf32>,
        %get3A_646 = vector.shape_cast %get3A_645 : vector<1x16xf32> to vector<16xf32>
        %add3A_647 = arith.addf %mul3A_636, %get3A_646 : vector<16xf32>
        %mul3A_648 = arith.constant 20 : i32
        %mul3A_649 = arith.muli %scan3A_333, %mul3A_648 : i32
        %add3A_650 = arith.constant 1 : i32
        %add3A_651 = arith.addi %mul3A_649, %add3A_650 : i32
        %add3A_652 = arith.constant 16 : i32
        %add3A_653 = arith.addi %squeeze3A_347, %add3A_652 : i32
        %get3A_654 = arith.index_cast %add3A_651 : i32 to index
        %get3A_655 = arith.index_cast %add3A_653 : i32 to index
        %get3A_656 = tpu.vector_load %arg11[%get3A_654, %get3A_655] {strides = array<i32>} : memref<320x128xf32, #tpu.memory_space<vmem>>, vector<1x16xf32>,
        %get3A_657 = vector.shape_cast %get3A_656 : vector<1x16xf32> to vector<16xf32>
        %add3A_658 = arith.addf %add3A_647, %get3A_657 : vector<16xf32>
        %mul3A_659 = arith.constant 20 : i32
        %mul3A_660 = arith.muli %scan3A_333, %mul3A_659 : i32
        %add3A_661 = arith.constant 2 : i32
        %add3A_662 = arith.addi %mul3A_660, %add3A_661 : i32
        %add3A_663 = arith.constant 16 : i32
        %add3A_664 = arith.addi %squeeze3A_349, %add3A_663 : i32
        %get3A_665 = arith.index_cast %add3A_662 : i32 to index
        %get3A_666 = arith.index_cast %add3A_664 : i32 to index
        %get3A_667 = tpu.vector_load %arg11[%get3A_665, %get3A_666] {strides = array<i32>} : memref<320x128xf32, #tpu.memory_space<vmem>>, vector<1x16xf32>,
        %get3A_668 = vector.shape_cast %get3A_667 : vector<1x16xf32> to vector<16xf32>
        %add3A_669 = arith.addf %add3A_658, %get3A_668 : vector<16xf32>
        %mul3A_670 = arith.constant 20 : i32
        %mul3A_671 = arith.muli %scan3A_333, %mul3A_670 : i32
        %add3A_672 = arith.constant 3 : i32
        %add3A_673 = arith.addi %mul3A_671, %add3A_672 : i32
        %add3A_674 = arith.constant 16 : i32
        %add3A_675 = arith.addi %squeeze3A_351, %add3A_674 : i32
        %get3A_676 = arith.index_cast %add3A_673 : i32 to index
        %get3A_677 = arith.index_cast %add3A_675 : i32 to index
        %get3A_678 = tpu.vector_load %arg11[%get3A_676, %get3A_677] {strides = array<i32>} : memref<320x128xf32, #tpu.memory_space<vmem>>, vector<1x16xf32>,
        %get3A_679 = vector.shape_cast %get3A_678 : vector<1x16xf32> to vector<16xf32>
        %add3A_680 = arith.addf %add3A_669, %get3A_679 : vector<16xf32>
        %mul3A_681 = arith.constant 20 : i32
        %mul3A_682 = arith.muli %scan3A_333, %mul3A_681 : i32
        %add3A_683 = arith.constant 4 : i32
        %add3A_684 = arith.addi %mul3A_682, %add3A_683 : i32
        %add3A_685 = arith.constant 16 : i32
        %add3A_686 = arith.addi %squeeze3A_353, %add3A_685 : i32
        %get3A_687 = arith.index_cast %add3A_684 : i32 to index
        %get3A_688 = arith.index_cast %add3A_686 : i32 to index
        %get3A_689 = tpu.vector_load %arg11[%get3A_687, %get3A_688] {strides = array<i32>} : memref<320x128xf32, #tpu.memory_space<vmem>>, vector<1x16xf32>,
        %get3A_690 = vector.shape_cast %get3A_689 : vector<1x16xf32> to vector<16xf32>
        %add3A_691 = arith.addf %add3A_680, %get3A_690 : vector<16xf32>
        %mul3A_692 = arith.constant 20 : i32
        %mul3A_693 = arith.muli %scan3A_333, %mul3A_692 : i32
        %add3A_694 = arith.constant 5 : i32
        %add3A_695 = arith.addi %mul3A_693, %add3A_694 : i32
        %add3A_696 = arith.constant 16 : i32
        %add3A_697 = arith.addi %squeeze3A_355, %add3A_696 : i32
        %get3A_698 = arith.index_cast %add3A_695 : i32 to index
        %get3A_699 = arith.index_cast %add3A_697 : i32 to index
        %get3A_700 = tpu.vector_load %arg11[%get3A_698, %get3A_699] {strides = array<i32>} : memref<320x128xf32, #tpu.memory_space<vmem>>, vector<1x16xf32>,
        %get3A_701 = vector.shape_cast %get3A_700 : vector<1x16xf32> to vector<16xf32>
        %add3A_702 = arith.addf %add3A_691, %get3A_701 : vector<16xf32>
        %mul3A_703 = arith.constant 20 : i32
        %mul3A_704 = arith.muli %scan3A_333, %mul3A_703 : i32
        %add3A_705 = arith.constant 6 : i32
        %add3A_706 = arith.addi %mul3A_704, %add3A_705 : i32
        %add3A_707 = arith.constant 16 : i32
        %add3A_708 = arith.addi %squeeze3A_357, %add3A_707 : i32
        %get3A_709 = arith.index_cast %add3A_706 : i32 to index
        %get3A_710 = arith.index_cast %add3A_708 : i32 to index
        %get3A_711 = tpu.vector_load %arg11[%get3A_709, %get3A_710] {strides = array<i32>} : memref<320x128xf32, #tpu.memory_space<vmem>>, vector<1x16xf32>,
        %get3A_712 = vector.shape_cast %get3A_711 : vector<1x16xf32> to vector<16xf32>
        %add3A_713 = arith.addf %add3A_702, %get3A_712 : vector<16xf32>
        %mul3A_714 = arith.constant 20 : i32
        %mul3A_715 = arith.muli %scan3A_333, %mul3A_714 : i32
        %add3A_716 = arith.constant 7 : i32
        %add3A_717 = arith.addi %mul3A_715, %add3A_716 : i32
        %add3A_718 = arith.constant 16 : i32
        %add3A_719 = arith.addi %squeeze3A_359, %add3A_718 : i32
        %get3A_720 = arith.index_cast %add3A_717 : i32 to index
        %get3A_721 = arith.index_cast %add3A_719 : i32 to index
        %get3A_722 = tpu.vector_load %arg11[%get3A_720, %get3A_721] {strides = array<i32>} : memref<320x128xf32, #tpu.memory_space<vmem>>, vector<1x16xf32>,
        %get3A_723 = vector.shape_cast %get3A_722 : vector<1x16xf32> to vector<16xf32>
        %add3A_724 = arith.addf %add3A_713, %get3A_723 : vector<16xf32>
        %mul3A_725 = arith.constant 20 : i32
        %mul3A_726 = arith.muli %scan3A_333, %mul3A_725 : i32
        %add3A_727 = arith.constant 8 : i32
        %add3A_728 = arith.addi %mul3A_726, %add3A_727 : i32
        %add3A_729 = arith.constant 16 : i32
        %add3A_730 = arith.addi %squeeze3A_361, %add3A_729 : i32
        %get3A_731 = arith.index_cast %add3A_728 : i32 to index
        %get3A_732 = arith.index_cast %add3A_730 : i32 to index
        %get3A_733 = tpu.vector_load %arg11[%get3A_731, %get3A_732] {strides = array<i32>} : memref<320x128xf32, #tpu.memory_space<vmem>>, vector<1x16xf32>,
        %get3A_734 = vector.shape_cast %get3A_733 : vector<1x16xf32> to vector<16xf32>
        %add3A_735 = arith.addf %add3A_724, %get3A_734 : vector<16xf32>
        %mul3A_736 = arith.constant 20 : i32
        %mul3A_737 = arith.muli %scan3A_333, %mul3A_736 : i32
        %add3A_738 = arith.constant 9 : i32
        %add3A_739 = arith.addi %mul3A_737, %add3A_738 : i32
        %add3A_740 = arith.constant 16 : i32
        %add3A_741 = arith.addi %squeeze3A_363, %add3A_740 : i32
        %get3A_742 = arith.index_cast %add3A_739 : i32 to index
        %get3A_743 = arith.index_cast %add3A_741 : i32 to index
        %get3A_744 = tpu.vector_load %arg11[%get3A_742, %get3A_743] {strides = array<i32>} : memref<320x128xf32, #tpu.memory_space<vmem>>, vector<1x16xf32>,
        %get3A_745 = vector.shape_cast %get3A_744 : vector<1x16xf32> to vector<16xf32>
        %add3A_746 = arith.addf %add3A_735, %get3A_745 : vector<16xf32>
        %mul3A_747 = arith.constant 20 : i32
        %mul3A_748 = arith.muli %scan3A_333, %mul3A_747 : i32
        %add3A_749 = arith.constant 10 : i32
        %add3A_750 = arith.addi %mul3A_748, %add3A_749 : i32
        %add3A_751 = arith.constant 16 : i32
        %add3A_752 = arith.addi %squeeze3A_365, %add3A_751 : i32
        %get3A_753 = arith.index_cast %add3A_750 : i32 to index
        %get3A_754 = arith.index_cast %add3A_752 : i32 to index
        %get3A_755 = tpu.vector_load %arg11[%get3A_753, %get3A_754] {strides = array<i32>} : memref<320x128xf32, #tpu.memory_space<vmem>>, vector<1x16xf32>,
        %get3A_756 = vector.shape_cast %get3A_755 : vector<1x16xf32> to vector<16xf32>
        %add3A_757 = arith.addf %add3A_746, %get3A_756 : vector<16xf32>
        %mul3A_758 = arith.constant 20 : i32
        %mul3A_759 = arith.muli %scan3A_333, %mul3A_758 : i32
        %add3A_760 = arith.constant 11 : i32
        %add3A_761 = arith.addi %mul3A_759, %add3A_760 : i32
        %add3A_762 = arith.constant 16 : i32
        %add3A_763 = arith.addi %squeeze3A_367, %add3A_762 : i32
        %get3A_764 = arith.index_cast %add3A_761 : i32 to index
        %get3A_765 = arith.index_cast %add3A_763 : i32 to index
        %get3A_766 = tpu.vector_load %arg11[%get3A_764, %get3A_765] {strides = array<i32>} : memref<320x128xf32, #tpu.memory_space<vmem>>, vector<1x16xf32>,
        %get3A_767 = vector.shape_cast %get3A_766 : vector<1x16xf32> to vector<16xf32>
        %add3A_768 = arith.addf %add3A_757, %get3A_767 : vector<16xf32>
        %mul3A_769 = arith.constant 20 : i32
        %mul3A_770 = arith.muli %scan3A_333, %mul3A_769 : i32
        %add3A_771 = arith.constant 12 : i32
        %add3A_772 = arith.addi %mul3A_770, %add3A_771 : i32
        %add3A_773 = arith.constant 16 : i32
        %add3A_774 = arith.addi %squeeze3A_369, %add3A_773 : i32
        %get3A_775 = arith.index_cast %add3A_772 : i32 to index
        %get3A_776 = arith.index_cast %add3A_774 : i32 to index
        %get3A_777 = tpu.vector_load %arg11[%get3A_775, %get3A_776] {strides = array<i32>} : memref<320x128xf32, #tpu.memory_space<vmem>>, vector<1x16xf32>,
        %get3A_778 = vector.shape_cast %get3A_777 : vector<1x16xf32> to vector<16xf32>
        %add3A_779 = arith.addf %add3A_768, %get3A_778 : vector<16xf32>
        %mul3A_780 = arith.constant 20 : i32
        %mul3A_781 = arith.muli %scan3A_333, %mul3A_780 : i32
        %add3A_782 = arith.constant 13 : i32
        %add3A_783 = arith.addi %mul3A_781, %add3A_782 : i32
        %add3A_784 = arith.constant 16 : i32
        %add3A_785 = arith.addi %squeeze3A_371, %add3A_784 : i32
        %get3A_786 = arith.index_cast %add3A_783 : i32 to index
        %get3A_787 = arith.index_cast %add3A_785 : i32 to index
        %get3A_788 = tpu.vector_load %arg11[%get3A_786, %get3A_787] {strides = array<i32>} : memref<320x128xf32, #tpu.memory_space<vmem>>, vector<1x16xf32>,
        %get3A_789 = vector.shape_cast %get3A_788 : vector<1x16xf32> to vector<16xf32>
        %add3A_790 = arith.addf %add3A_779, %get3A_789 : vector<16xf32>
        %mul3A_791 = arith.constant 20 : i32
        %mul3A_792 = arith.muli %scan3A_333, %mul3A_791 : i32
        %add3A_793 = arith.constant 14 : i32
        %add3A_794 = arith.addi %mul3A_792, %add3A_793 : i32
        %add3A_795 = arith.constant 16 : i32
        %add3A_796 = arith.addi %squeeze3A_373, %add3A_795 : i32
        %get3A_797 = arith.index_cast %add3A_794 : i32 to index
        %get3A_798 = arith.index_cast %add3A_796 : i32 to index
        %get3A_799 = tpu.vector_load %arg11[%get3A_797, %get3A_798] {strides = array<i32>} : memref<320x128xf32, #tpu.memory_space<vmem>>, vector<1x16xf32>,
        %get3A_800 = vector.shape_cast %get3A_799 : vector<1x16xf32> to vector<16xf32>
        %add3A_801 = arith.addf %add3A_790, %get3A_800 : vector<16xf32>
        %mul3A_802 = arith.constant 20 : i32
        %mul3A_803 = arith.muli %scan3A_333, %mul3A_802 : i32
        %add3A_804 = arith.constant 15 : i32
        %add3A_805 = arith.addi %mul3A_803, %add3A_804 : i32
        %add3A_806 = arith.constant 16 : i32
        %add3A_807 = arith.addi %squeeze3A_375, %add3A_806 : i32
        %get3A_808 = arith.index_cast %add3A_805 : i32 to index
        %get3A_809 = arith.index_cast %add3A_807 : i32 to index
        %get3A_810 = tpu.vector_load %arg11[%get3A_808, %get3A_809] {strides = array<i32>} : memref<320x128xf32, #tpu.memory_space<vmem>>, vector<1x16xf32>,
        %get3A_811 = vector.shape_cast %get3A_810 : vector<1x16xf32> to vector<16xf32>
        %add3A_812 = arith.addf %add3A_801, %get3A_811 : vector<16xf32>
        %mul3A_813 = arith.constant 20 : i32
        %mul3A_814 = arith.muli %scan3A_333, %mul3A_813 : i32
        %add3A_815 = arith.constant 16 : i32
        %add3A_816 = arith.addi %mul3A_814, %add3A_815 : i32
        %add3A_817 = arith.constant 16 : i32
        %add3A_818 = arith.addi %squeeze3A_377, %add3A_817 : i32
        %get3A_819 = arith.index_cast %add3A_816 : i32 to index
        %get3A_820 = arith.index_cast %add3A_818 : i32 to index
        %get3A_821 = tpu.vector_load %arg11[%get3A_819, %get3A_820] {strides = array<i32>} : memref<320x128xf32, #tpu.memory_space<vmem>>, vector<1x16xf32>,
        %get3A_822 = vector.shape_cast %get3A_821 : vector<1x16xf32> to vector<16xf32>
        %add3A_823 = arith.addf %add3A_812, %get3A_822 : vector<16xf32>
        %mul3A_824 = arith.constant 20 : i32
        %mul3A_825 = arith.muli %scan3A_333, %mul3A_824 : i32
        %add3A_826 = arith.constant 17 : i32
        %add3A_827 = arith.addi %mul3A_825, %add3A_826 : i32
        %add3A_828 = arith.constant 16 : i32
        %add3A_829 = arith.addi %squeeze3A_379, %add3A_828 : i32
        %get3A_830 = arith.index_cast %add3A_827 : i32 to index
        %get3A_831 = arith.index_cast %add3A_829 : i32 to index
        %get3A_832 = tpu.vector_load %arg11[%get3A_830, %get3A_831] {strides = array<i32>} : memref<320x128xf32, #tpu.memory_space<vmem>>, vector<1x16xf32>,
        %get3A_833 = vector.shape_cast %get3A_832 : vector<1x16xf32> to vector<16xf32>
        %add3A_834 = arith.addf %add3A_823, %get3A_833 : vector<16xf32>
        %mul3A_835 = arith.constant 20 : i32
        %mul3A_836 = arith.muli %scan3A_333, %mul3A_835 : i32
        %add3A_837 = arith.constant 18 : i32
        %add3A_838 = arith.addi %mul3A_836, %add3A_837 : i32
        %add3A_839 = arith.constant 16 : i32
        %add3A_840 = arith.addi %squeeze3A_381, %add3A_839 : i32
        %get3A_841 = arith.index_cast %add3A_838 : i32 to index
        %get3A_842 = arith.index_cast %add3A_840 : i32 to index
        %get3A_843 = tpu.vector_load %arg11[%get3A_841, %get3A_842] {strides = array<i32>} : memref<320x128xf32, #tpu.memory_space<vmem>>, vector<1x16xf32>,
        %get3A_844 = vector.shape_cast %get3A_843 : vector<1x16xf32> to vector<16xf32>
        %add3A_845 = arith.addf %add3A_834, %get3A_844 : vector<16xf32>
        %mul3A_846 = arith.constant 20 : i32
        %mul3A_847 = arith.muli %scan3A_333, %mul3A_846 : i32
        %add3A_848 = arith.constant 19 : i32
        %add3A_849 = arith.addi %mul3A_847, %add3A_848 : i32
        %add3A_850 = arith.constant 16 : i32
        %add3A_851 = arith.addi %squeeze3A_383, %add3A_850 : i32
        %get3A_852 = arith.index_cast %add3A_849 : i32 to index
        %get3A_853 = arith.index_cast %add3A_851 : i32 to index
        %get3A_854 = tpu.vector_load %arg11[%get3A_852, %get3A_853] {strides = array<i32>} : memref<320x128xf32, #tpu.memory_space<vmem>>, vector<1x16xf32>,
        %get3A_855 = vector.shape_cast %get3A_854 : vector<1x16xf32> to vector<16xf32>
        %add3A_856 = arith.addf %add3A_845, %get3A_855 : vector<16xf32>
        %mul3A_857 = arith.constant 2.500000e-02 : f32
        %mul3A_858 = vector.broadcast %mul3A_857 : f32 to vector<16xf32>
        %mul3A_859 = arith.mulf %add3A_856, %mul3A_858 : vector<16xf32>
        %swap3A_860 = arith.index_cast %scan3A_333 : i32 to index
        %swap3A_861 = arith.constant 16 : index
        %swap3A_862 = tpu.vector_load %arg15[%swap3A_860, %swap3A_861] {strides = array<i32>} : memref<16x64xf32, #tpu.memory_space<vmem>>, vector<1x16xf32>,
        %swap3A_863 = vector.shape_cast %swap3A_862 : vector<1x16xf32> to vector<16xf32>
        %swap3A_864 = vector.shape_cast %mul3A_859 : vector<16xf32> to vector<1x16xf32>
        tpu.vector_store %arg15[%swap3A_860, %swap3A_861], %swap3A_864 {strides = array<i32>} : memref<16x64xf32, #tpu.memory_space<vmem>>, vector<1x16xf32>,
        %add3A_865 = arith.constant 32 : i32
        %add3A_866 = arith.addi %squeeze3A_391, %add3A_865 : i32
        %get3A_867 = arith.index_cast %scan3A_333 : i32 to index
        %get3A_868 = arith.index_cast %add3A_866 : i32 to index
        %get3A_869 = tpu.vector_load %arg13[%get3A_867, %get3A_868] {strides = array<i32>} : memref<16x128xf32, #tpu.memory_space<vmem>>, vector<1x16xf32>,
        %get3A_870 = vector.shape_cast %get3A_869 : vector<1x16xf32> to vector<16xf32>
        %mul3A_871 = arith.constant 2.000000e+01 : f32
        %mul3A_872 = vector.broadcast %mul3A_871 : f32 to vector<16xf32>
        %mul3A_873 = arith.mulf %get3A_870, %mul3A_872 : vector<16xf32>
        %mul3A_874 = arith.constant 20 : i32
        %mul3A_875 = arith.muli %scan3A_333, %mul3A_874 : i32
        %add3A_876 = arith.constant 0 : i32
        %add3A_877 = arith.addi %mul3A_875, %add3A_876 : i32
        %add3A_878 = arith.constant 32 : i32
        %add3A_879 = arith.addi %squeeze3A, %add3A_878 : i32
        %get3A_880 = arith.index_cast %add3A_877 : i32 to index
        %get3A_881 = arith.index_cast %add3A_879 : i32 to index
        %get3A_882 = tpu.vector_load %arg11[%get3A_880, %get3A_881] {strides = array<i32>} : memref<320x128xf32, #tpu.memory_space<vmem>>, vector<1x16xf32>,
        %get3A_883 = vector.shape_cast %get3A_882 : vector<1x16xf32> to vector<16xf32>
        %add3A_884 = arith.addf %mul3A_873, %get3A_883 : vector<16xf32>
        %mul3A_885 = arith.constant 20 : i32
        %mul3A_886 = arith.muli %scan3A_333, %mul3A_885 : i32
        %add3A_887 = arith.constant 1 : i32
        %add3A_888 = arith.addi %mul3A_886, %add3A_887 : i32
        %add3A_889 = arith.constant 32 : i32
        %add3A_890 = arith.addi %squeeze3A_347, %add3A_889 : i32
        %get3A_891 = arith.index_cast %add3A_888 : i32 to index
        %get3A_892 = arith.index_cast %add3A_890 : i32 to index
        %get3A_893 = tpu.vector_load %arg11[%get3A_891, %get3A_892] {strides = array<i32>} : memref<320x128xf32, #tpu.memory_space<vmem>>, vector<1x16xf32>,
        %get3A_894 = vector.shape_cast %get3A_893 : vector<1x16xf32> to vector<16xf32>
        %add3A_895 = arith.addf %add3A_884, %get3A_894 : vector<16xf32>
        %mul3A_896 = arith.constant 20 : i32
        %mul3A_897 = arith.muli %scan3A_333, %mul3A_896 : i32
        %add3A_898 = arith.constant 2 : i32
        %add3A_899 = arith.addi %mul3A_897, %add3A_898 : i32
        %add3A_900 = arith.constant 32 : i32
        %add3A_901 = arith.addi %squeeze3A_349, %add3A_900 : i32
        %get3A_902 = arith.index_cast %add3A_899 : i32 to index
        %get3A_903 = arith.index_cast %add3A_901 : i32 to index
        %get3A_904 = tpu.vector_load %arg11[%get3A_902, %get3A_903] {strides = array<i32>} : memref<320x128xf32, #tpu.memory_space<vmem>>, vector<1x16xf32>,
        %get3A_905 = vector.shape_cast %get3A_904 : vector<1x16xf32> to vector<16xf32>
        %add3A_906 = arith.addf %add3A_895, %get3A_905 : vector<16xf32>
        %mul3A_907 = arith.constant 20 : i32
        %mul3A_908 = arith.muli %scan3A_333, %mul3A_907 : i32
        %add3A_909 = arith.constant 3 : i32
        %add3A_910 = arith.addi %mul3A_908, %add3A_909 : i32
        %add3A_911 = arith.constant 32 : i32
        %add3A_912 = arith.addi %squeeze3A_351, %add3A_911 : i32
        %get3A_913 = arith.index_cast %add3A_910 : i32 to index
        %get3A_914 = arith.index_cast %add3A_912 : i32 to index
        %get3A_915 = tpu.vector_load %arg11[%get3A_913, %get3A_914] {strides = array<i32>} : memref<320x128xf32, #tpu.memory_space<vmem>>, vector<1x16xf32>,
        %get3A_916 = vector.shape_cast %get3A_915 : vector<1x16xf32> to vector<16xf32>
        %add3A_917 = arith.addf %add3A_906, %get3A_916 : vector<16xf32>
        %mul3A_918 = arith.constant 20 : i32
        %mul3A_919 = arith.muli %scan3A_333, %mul3A_918 : i32
        %add3A_920 = arith.constant 4 : i32
        %add3A_921 = arith.addi %mul3A_919, %add3A_920 : i32
        %add3A_922 = arith.constant 32 : i32
        %add3A_923 = arith.addi %squeeze3A_353, %add3A_922 : i32
        %get3A_924 = arith.index_cast %add3A_921 : i32 to index
        %get3A_925 = arith.index_cast %add3A_923 : i32 to index
        %get3A_926 = tpu.vector_load %arg11[%get3A_924, %get3A_925] {strides = array<i32>} : memref<320x128xf32, #tpu.memory_space<vmem>>, vector<1x16xf32>,
        %get3A_927 = vector.shape_cast %get3A_926 : vector<1x16xf32> to vector<16xf32>
        %add3A_928 = arith.addf %add3A_917, %get3A_927 : vector<16xf32>
        %mul3A_929 = arith.constant 20 : i32
        %mul3A_930 = arith.muli %scan3A_333, %mul3A_929 : i32
        %add3A_931 = arith.constant 5 : i32
        %add3A_932 = arith.addi %mul3A_930, %add3A_931 : i32
        %add3A_933 = arith.constant 32 : i32
        %add3A_934 = arith.addi %squeeze3A_355, %add3A_933 : i32
        %get3A_935 = arith.index_cast %add3A_932 : i32 to index
        %get3A_936 = arith.index_cast %add3A_934 : i32 to index
        %get3A_937 = tpu.vector_load %arg11[%get3A_935, %get3A_936] {strides = array<i32>} : memref<320x128xf32, #tpu.memory_space<vmem>>, vector<1x16xf32>,
        %get3A_938 = vector.shape_cast %get3A_937 : vector<1x16xf32> to vector<16xf32>
        %add3A_939 = arith.addf %add3A_928, %get3A_938 : vector<16xf32>
        %mul3A_940 = arith.constant 20 : i32
        %mul3A_941 = arith.muli %scan3A_333, %mul3A_940 : i32
        %add3A_942 = arith.constant 6 : i32
        %add3A_943 = arith.addi %mul3A_941, %add3A_942 : i32
        %add3A_944 = arith.constant 32 : i32
        %add3A_945 = arith.addi %squeeze3A_357, %add3A_944 : i32
        %get3A_946 = arith.index_cast %add3A_943 : i32 to index
        %get3A_947 = arith.index_cast %add3A_945 : i32 to index
        %get3A_948 = tpu.vector_load %arg11[%get3A_946, %get3A_947] {strides = array<i32>} : memref<320x128xf32, #tpu.memory_space<vmem>>, vector<1x16xf32>,
        %get3A_949 = vector.shape_cast %get3A_948 : vector<1x16xf32> to vector<16xf32>
        %add3A_950 = arith.addf %add3A_939, %get3A_949 : vector<16xf32>
        %mul3A_951 = arith.constant 20 : i32
        %mul3A_952 = arith.muli %scan3A_333, %mul3A_951 : i32
        %add3A_953 = arith.constant 7 : i32
        %add3A_954 = arith.addi %mul3A_952, %add3A_953 : i32
        %add3A_955 = arith.constant 32 : i32
        %add3A_956 = arith.addi %squeeze3A_359, %add3A_955 : i32
        %get3A_957 = arith.index_cast %add3A_954 : i32 to index
        %get3A_958 = arith.index_cast %add3A_956 : i32 to index
        %get3A_959 = tpu.vector_load %arg11[%get3A_957, %get3A_958] {strides = array<i32>} : memref<320x128xf32, #tpu.memory_space<vmem>>, vector<1x16xf32>,
        %get3A_960 = vector.shape_cast %get3A_959 : vector<1x16xf32> to vector<16xf32>
        %add3A_961 = arith.addf %add3A_950, %get3A_960 : vector<16xf32>
        %mul3A_962 = arith.constant 20 : i32
        %mul3A_963 = arith.muli %scan3A_333, %mul3A_962 : i32
        %add3A_964 = arith.constant 8 : i32
        %add3A_965 = arith.addi %mul3A_963, %add3A_964 : i32
        %add3A_966 = arith.constant 32 : i32
        %add3A_967 = arith.addi %squeeze3A_361, %add3A_966 : i32
        %get3A_968 = arith.index_cast %add3A_965 : i32 to index
        %get3A_969 = arith.index_cast %add3A_967 : i32 to index
        %get3A_970 = tpu.vector_load %arg11[%get3A_968, %get3A_969] {strides = array<i32>} : memref<320x128xf32, #tpu.memory_space<vmem>>, vector<1x16xf32>,
        %get3A_971 = vector.shape_cast %get3A_970 : vector<1x16xf32> to vector<16xf32>
        %add3A_972 = arith.addf %add3A_961, %get3A_971 : vector<16xf32>
        %mul3A_973 = arith.constant 20 : i32
        %mul3A_974 = arith.muli %scan3A_333, %mul3A_973 : i32
        %add3A_975 = arith.constant 9 : i32
        %add3A_976 = arith.addi %mul3A_974, %add3A_975 : i32
        %add3A_977 = arith.constant 32 : i32
        %add3A_978 = arith.addi %squeeze3A_363, %add3A_977 : i32
        %get3A_979 = arith.index_cast %add3A_976 : i32 to index
        %get3A_980 = arith.index_cast %add3A_978 : i32 to index
        %get3A_981 = tpu.vector_load %arg11[%get3A_979, %get3A_980] {strides = array<i32>} : memref<320x128xf32, #tpu.memory_space<vmem>>, vector<1x16xf32>,
        %get3A_982 = vector.shape_cast %get3A_981 : vector<1x16xf32> to vector<16xf32>
        %add3A_983 = arith.addf %add3A_972, %get3A_982 : vector<16xf32>
        %mul3A_984 = arith.constant 20 : i32
        %mul3A_985 = arith.muli %scan3A_333, %mul3A_984 : i32
        %add3A_986 = arith.constant 10 : i32
        %add3A_987 = arith.addi %mul3A_985, %add3A_986 : i32
        %add3A_988 = arith.constant 32 : i32
        %add3A_989 = arith.addi %squeeze3A_365, %add3A_988 : i32
        %get3A_990 = arith.index_cast %add3A_987 : i32 to index
        %get3A_991 = arith.index_cast %add3A_989 : i32 to index
        %get3A_992 = tpu.vector_load %arg11[%get3A_990, %get3A_991] {strides = array<i32>} : memref<320x128xf32, #tpu.memory_space<vmem>>, vector<1x16xf32>,
        %get3A_993 = vector.shape_cast %get3A_992 : vector<1x16xf32> to vector<16xf32>
        %add3A_994 = arith.addf %add3A_983, %get3A_993 : vector<16xf32>
        %mul3A_995 = arith.constant 20 : i32
        %mul3A_996 = arith.muli %scan3A_333, %mul3A_995 : i32
        %add3A_997 = arith.constant 11 : i32
        %add3A_998 = arith.addi %mul3A_996, %add3A_997 : i32
        %add3A_999 = arith.constant 32 : i32
        %add3A_1000 = arith.addi %squeeze3A_367, %add3A_999 : i32
        %get3A_1001 = arith.index_cast %add3A_998 : i32 to index
        %get3A_1002 = arith.index_cast %add3A_1000 : i32 to index
        %get3A_1003 = tpu.vector_load %arg11[%get3A_1001, %get3A_1002] {strides = array<i32>} : memref<320x128xf32, #tpu.memory_space<vmem>>, vector<1x16xf32>,
        %get3A_1004 = vector.shape_cast %get3A_1003 : vector<1x16xf32> to vector<16xf32>
        %add3A_1005 = arith.addf %add3A_994, %get3A_1004 : vector<16xf32>
        %mul3A_1006 = arith.constant 20 : i32
        %mul3A_1007 = arith.muli %scan3A_333, %mul3A_1006 : i32
        %add3A_1008 = arith.constant 12 : i32
        %add3A_1009 = arith.addi %mul3A_1007, %add3A_1008 : i32
        %add3A_1010 = arith.constant 32 : i32
        %add3A_1011 = arith.addi %squeeze3A_369, %add3A_1010 : i32
        %get3A_1012 = arith.index_cast %add3A_1009 : i32 to index
        %get3A_1013 = arith.index_cast %add3A_1011 : i32 to index
        %get3A_1014 = tpu.vector_load %arg11[%get3A_1012, %get3A_1013] {strides = array<i32>} : memref<320x128xf32, #tpu.memory_space<vmem>>, vector<1x16xf32>,
        %get3A_1015 = vector.shape_cast %get3A_1014 : vector<1x16xf32> to vector<16xf32>
        %add3A_1016 = arith.addf %add3A_1005, %get3A_1015 : vector<16xf32>
        %mul3A_1017 = arith.constant 20 : i32
        %mul3A_1018 = arith.muli %scan3A_333, %mul3A_1017 : i32
        %add3A_1019 = arith.constant 13 : i32
        %add3A_1020 = arith.addi %mul3A_1018, %add3A_1019 : i32
        %add3A_1021 = arith.constant 32 : i32
        %add3A_1022 = arith.addi %squeeze3A_371, %add3A_1021 : i32
        %get3A_1023 = arith.index_cast %add3A_1020 : i32 to index
        %get3A_1024 = arith.index_cast %add3A_1022 : i32 to index
        %get3A_1025 = tpu.vector_load %arg11[%get3A_1023, %get3A_1024] {strides = array<i32>} : memref<320x128xf32, #tpu.memory_space<vmem>>, vector<1x16xf32>,
        %get3A_1026 = vector.shape_cast %get3A_1025 : vector<1x16xf32> to vector<16xf32>
        %add3A_1027 = arith.addf %add3A_1016, %get3A_1026 : vector<16xf32>
        %mul3A_1028 = arith.constant 20 : i32
        %mul3A_1029 = arith.muli %scan3A_333, %mul3A_1028 : i32
        %add3A_1030 = arith.constant 14 : i32
        %add3A_1031 = arith.addi %mul3A_1029, %add3A_1030 : i32
        %add3A_1032 = arith.constant 32 : i32
        %add3A_1033 = arith.addi %squeeze3A_373, %add3A_1032 : i32
        %get3A_1034 = arith.index_cast %add3A_1031 : i32 to index
        %get3A_1035 = arith.index_cast %add3A_1033 : i32 to index
        %get3A_1036 = tpu.vector_load %arg11[%get3A_1034, %get3A_1035] {strides = array<i32>} : memref<320x128xf32, #tpu.memory_space<vmem>>, vector<1x16xf32>,
        %get3A_1037 = vector.shape_cast %get3A_1036 : vector<1x16xf32> to vector<16xf32>
        %add3A_1038 = arith.addf %add3A_1027, %get3A_1037 : vector<16xf32>
        %mul3A_1039 = arith.constant 20 : i32
        %mul3A_1040 = arith.muli %scan3A_333, %mul3A_1039 : i32
        %add3A_1041 = arith.constant 15 : i32
        %add3A_1042 = arith.addi %mul3A_1040, %add3A_1041 : i32
        %add3A_1043 = arith.constant 32 : i32
        %add3A_1044 = arith.addi %squeeze3A_375, %add3A_1043 : i32
        %get3A_1045 = arith.index_cast %add3A_1042 : i32 to index
        %get3A_1046 = arith.index_cast %add3A_1044 : i32 to index
        %get3A_1047 = tpu.vector_load %arg11[%get3A_1045, %get3A_1046] {strides = array<i32>} : memref<320x128xf32, #tpu.memory_space<vmem>>, vector<1x16xf32>,
        %get3A_1048 = vector.shape_cast %get3A_1047 : vector<1x16xf32> to vector<16xf32>
        %add3A_1049 = arith.addf %add3A_1038, %get3A_1048 : vector<16xf32>
        %mul3A_1050 = arith.constant 20 : i32
        %mul3A_1051 = arith.muli %scan3A_333, %mul3A_1050 : i32
        %add3A_1052 = arith.constant 16 : i32
        %add3A_1053 = arith.addi %mul3A_1051, %add3A_1052 : i32
        %add3A_1054 = arith.constant 32 : i32
        %add3A_1055 = arith.addi %squeeze3A_377, %add3A_1054 : i32
        %get3A_1056 = arith.index_cast %add3A_1053 : i32 to index
        %get3A_1057 = arith.index_cast %add3A_1055 : i32 to index
        %get3A_1058 = tpu.vector_load %arg11[%get3A_1056, %get3A_1057] {strides = array<i32>} : memref<320x128xf32, #tpu.memory_space<vmem>>, vector<1x16xf32>,
        %get3A_1059 = vector.shape_cast %get3A_1058 : vector<1x16xf32> to vector<16xf32>
        %add3A_1060 = arith.addf %add3A_1049, %get3A_1059 : vector<16xf32>
        %mul3A_1061 = arith.constant 20 : i32
        %mul3A_1062 = arith.muli %scan3A_333, %mul3A_1061 : i32
        %add3A_1063 = arith.constant 17 : i32
        %add3A_1064 = arith.addi %mul3A_1062, %add3A_1063 : i32
        %add3A_1065 = arith.constant 32 : i32
        %add3A_1066 = arith.addi %squeeze3A_379, %add3A_1065 : i32
        %get3A_1067 = arith.index_cast %add3A_1064 : i32 to index
        %get3A_1068 = arith.index_cast %add3A_1066 : i32 to index
        %get3A_1069 = tpu.vector_load %arg11[%get3A_1067, %get3A_1068] {strides = array<i32>} : memref<320x128xf32, #tpu.memory_space<vmem>>, vector<1x16xf32>,
        %get3A_1070 = vector.shape_cast %get3A_1069 : vector<1x16xf32> to vector<16xf32>
        %add3A_1071 = arith.addf %add3A_1060, %get3A_1070 : vector<16xf32>
        %mul3A_1072 = arith.constant 20 : i32
        %mul3A_1073 = arith.muli %scan3A_333, %mul3A_1072 : i32
        %add3A_1074 = arith.constant 18 : i32
        %add3A_1075 = arith.addi %mul3A_1073, %add3A_1074 : i32
        %add3A_1076 = arith.constant 32 : i32
        %add3A_1077 = arith.addi %squeeze3A_381, %add3A_1076 : i32
        %get3A_1078 = arith.index_cast %add3A_1075 : i32 to index
        %get3A_1079 = arith.index_cast %add3A_1077 : i32 to index
        %get3A_1080 = tpu.vector_load %arg11[%get3A_1078, %get3A_1079] {strides = array<i32>} : memref<320x128xf32, #tpu.memory_space<vmem>>, vector<1x16xf32>,
        %get3A_1081 = vector.shape_cast %get3A_1080 : vector<1x16xf32> to vector<16xf32>
        %add3A_1082 = arith.addf %add3A_1071, %get3A_1081 : vector<16xf32>
        %mul3A_1083 = arith.constant 20 : i32
        %mul3A_1084 = arith.muli %scan3A_333, %mul3A_1083 : i32
        %add3A_1085 = arith.constant 19 : i32
        %add3A_1086 = arith.addi %mul3A_1084, %add3A_1085 : i32
        %add3A_1087 = arith.constant 32 : i32
        %add3A_1088 = arith.addi %squeeze3A_383, %add3A_1087 : i32
        %get3A_1089 = arith.index_cast %add3A_1086 : i32 to index
        %get3A_1090 = arith.index_cast %add3A_1088 : i32 to index
        %get3A_1091 = tpu.vector_load %arg11[%get3A_1089, %get3A_1090] {strides = array<i32>} : memref<320x128xf32, #tpu.memory_space<vmem>>, vector<1x16xf32>,
        %get3A_1092 = vector.shape_cast %get3A_1091 : vector<1x16xf32> to vector<16xf32>
        %add3A_1093 = arith.addf %add3A_1082, %get3A_1092 : vector<16xf32>
        %mul3A_1094 = arith.constant 2.500000e-02 : f32
        %mul3A_1095 = vector.broadcast %mul3A_1094 : f32 to vector<16xf32>
        %mul3A_1096 = arith.mulf %add3A_1093, %mul3A_1095 : vector<16xf32>
        %swap3A_1097 = arith.index_cast %scan3A_333 : i32 to index
        %swap3A_1098 = arith.constant 32 : index
        %swap3A_1099 = tpu.vector_load %arg15[%swap3A_1097, %swap3A_1098] {strides = array<i32>} : memref<16x64xf32, #tpu.memory_space<vmem>>, vector<1x16xf32>,
        %swap3A_1100 = vector.shape_cast %swap3A_1099 : vector<1x16xf32> to vector<16xf32>
        %swap3A_1101 = vector.shape_cast %mul3A_1096 : vector<16xf32> to vector<1x16xf32>
        tpu.vector_store %arg15[%swap3A_1097, %swap3A_1098], %swap3A_1101 {strides = array<i32>} : memref<16x64xf32, #tpu.memory_space<vmem>>, vector<1x16xf32>,
        %add3A_1102 = arith.constant 48 : i32
        %add3A_1103 = arith.addi %squeeze3A_391, %add3A_1102 : i32
        %get3A_1104 = arith.index_cast %scan3A_333 : i32 to index
        %get3A_1105 = arith.index_cast %add3A_1103 : i32 to index
        %get3A_1106 = tpu.vector_load %arg13[%get3A_1104, %get3A_1105] {strides = array<i32>} : memref<16x128xf32, #tpu.memory_space<vmem>>, vector<1x16xf32>,
        %get3A_1107 = vector.shape_cast %get3A_1106 : vector<1x16xf32> to vector<16xf32>
        %mul3A_1108 = arith.constant 2.000000e+01 : f32
        %mul3A_1109 = vector.broadcast %mul3A_1108 : f32 to vector<16xf32>
        %mul3A_1110 = arith.mulf %get3A_1107, %mul3A_1109 : vector<16xf32>
        %mul3A_1111 = arith.constant 20 : i32
        %mul3A_1112 = arith.muli %scan3A_333, %mul3A_1111 : i32
        %add3A_1113 = arith.constant 0 : i32
        %add3A_1114 = arith.addi %mul3A_1112, %add3A_1113 : i32
        %add3A_1115 = arith.constant 48 : i32
        %add3A_1116 = arith.addi %squeeze3A, %add3A_1115 : i32
        %get3A_1117 = arith.index_cast %add3A_1114 : i32 to index
        %get3A_1118 = arith.index_cast %add3A_1116 : i32 to index
        %get3A_1119 = tpu.vector_load %arg11[%get3A_1117, %get3A_1118] {strides = array<i32>} : memref<320x128xf32, #tpu.memory_space<vmem>>, vector<1x16xf32>,
        %get3A_1120 = vector.shape_cast %get3A_1119 : vector<1x16xf32> to vector<16xf32>
        %add3A_1121 = arith.addf %mul3A_1110, %get3A_1120 : vector<16xf32>
        %mul3A_1122 = arith.constant 20 : i32
        %mul3A_1123 = arith.muli %scan3A_333, %mul3A_1122 : i32
        %add3A_1124 = arith.constant 1 : i32
        %add3A_1125 = arith.addi %mul3A_1123, %add3A_1124 : i32
        %add3A_1126 = arith.constant 48 : i32
        %add3A_1127 = arith.addi %squeeze3A_347, %add3A_1126 : i32
        %get3A_1128 = arith.index_cast %add3A_1125 : i32 to index
        %get3A_1129 = arith.index_cast %add3A_1127 : i32 to index
        %get3A_1130 = tpu.vector_load %arg11[%get3A_1128, %get3A_1129] {strides = array<i32>} : memref<320x128xf32, #tpu.memory_space<vmem>>, vector<1x16xf32>,
        %get3A_1131 = vector.shape_cast %get3A_1130 : vector<1x16xf32> to vector<16xf32>
        %add3A_1132 = arith.addf %add3A_1121, %get3A_1131 : vector<16xf32>
        %mul3A_1133 = arith.constant 20 : i32
        %mul3A_1134 = arith.muli %scan3A_333, %mul3A_1133 : i32
        %add3A_1135 = arith.constant 2 : i32
        %add3A_1136 = arith.addi %mul3A_1134, %add3A_1135 : i32
        %add3A_1137 = arith.constant 48 : i32
        %add3A_1138 = arith.addi %squeeze3A_349, %add3A_1137 : i32
        %get3A_1139 = arith.index_cast %add3A_1136 : i32 to index
        %get3A_1140 = arith.index_cast %add3A_1138 : i32 to index
        %get3A_1141 = tpu.vector_load %arg11[%get3A_1139, %get3A_1140] {strides = array<i32>} : memref<320x128xf32, #tpu.memory_space<vmem>>, vector<1x16xf32>,
        %get3A_1142 = vector.shape_cast %get3A_1141 : vector<1x16xf32> to vector<16xf32>
        %add3A_1143 = arith.addf %add3A_1132, %get3A_1142 : vector<16xf32>
        %mul3A_1144 = arith.constant 20 : i32
        %mul3A_1145 = arith.muli %scan3A_333, %mul3A_1144 : i32
        %add3A_1146 = arith.constant 3 : i32
        %add3A_1147 = arith.addi %mul3A_1145, %add3A_1146 : i32
        %add3A_1148 = arith.constant 48 : i32
        %add3A_1149 = arith.addi %squeeze3A_351, %add3A_1148 : i32
        %get3A_1150 = arith.index_cast %add3A_1147 : i32 to index
        %get3A_1151 = arith.index_cast %add3A_1149 : i32 to index
        %get3A_1152 = tpu.vector_load %arg11[%get3A_1150, %get3A_1151] {strides = array<i32>} : memref<320x128xf32, #tpu.memory_space<vmem>>, vector<1x16xf32>,
        %get3A_1153 = vector.shape_cast %get3A_1152 : vector<1x16xf32> to vector<16xf32>
        %add3A_1154 = arith.addf %add3A_1143, %get3A_1153 : vector<16xf32>
        %mul3A_1155 = arith.constant 20 : i32
        %mul3A_1156 = arith.muli %scan3A_333, %mul3A_1155 : i32
        %add3A_1157 = arith.constant 4 : i32
        %add3A_1158 = arith.addi %mul3A_1156, %add3A_1157 : i32
        %add3A_1159 = arith.constant 48 : i32
        %add3A_1160 = arith.addi %squeeze3A_353, %add3A_1159 : i32
        %get3A_1161 = arith.index_cast %add3A_1158 : i32 to index
        %get3A_1162 = arith.index_cast %add3A_1160 : i32 to index
        %get3A_1163 = tpu.vector_load %arg11[%get3A_1161, %get3A_1162] {strides = array<i32>} : memref<320x128xf32, #tpu.memory_space<vmem>>, vector<1x16xf32>,
        %get3A_1164 = vector.shape_cast %get3A_1163 : vector<1x16xf32> to vector<16xf32>
        %add3A_1165 = arith.addf %add3A_1154, %get3A_1164 : vector<16xf32>
        %mul3A_1166 = arith.constant 20 : i32
        %mul3A_1167 = arith.muli %scan3A_333, %mul3A_1166 : i32
        %add3A_1168 = arith.constant 5 : i32
        %add3A_1169 = arith.addi %mul3A_1167, %add3A_1168 : i32
        %add3A_1170 = arith.constant 48 : i32
        %add3A_1171 = arith.addi %squeeze3A_355, %add3A_1170 : i32
        %get3A_1172 = arith.index_cast %add3A_1169 : i32 to index
        %get3A_1173 = arith.index_cast %add3A_1171 : i32 to index
        %get3A_1174 = tpu.vector_load %arg11[%get3A_1172, %get3A_1173] {strides = array<i32>} : memref<320x128xf32, #tpu.memory_space<vmem>>, vector<1x16xf32>,
        %get3A_1175 = vector.shape_cast %get3A_1174 : vector<1x16xf32> to vector<16xf32>
        %add3A_1176 = arith.addf %add3A_1165, %get3A_1175 : vector<16xf32>
        %mul3A_1177 = arith.constant 20 : i32
        %mul3A_1178 = arith.muli %scan3A_333, %mul3A_1177 : i32
        %add3A_1179 = arith.constant 6 : i32
        %add3A_1180 = arith.addi %mul3A_1178, %add3A_1179 : i32
        %add3A_1181 = arith.constant 48 : i32
        %add3A_1182 = arith.addi %squeeze3A_357, %add3A_1181 : i32
        %get3A_1183 = arith.index_cast %add3A_1180 : i32 to index
        %get3A_1184 = arith.index_cast %add3A_1182 : i32 to index
        %get3A_1185 = tpu.vector_load %arg11[%get3A_1183, %get3A_1184] {strides = array<i32>} : memref<320x128xf32, #tpu.memory_space<vmem>>, vector<1x16xf32>,
        %get3A_1186 = vector.shape_cast %get3A_1185 : vector<1x16xf32> to vector<16xf32>
        %add3A_1187 = arith.addf %add3A_1176, %get3A_1186 : vector<16xf32>
        %mul3A_1188 = arith.constant 20 : i32
        %mul3A_1189 = arith.muli %scan3A_333, %mul3A_1188 : i32
        %add3A_1190 = arith.constant 7 : i32
        %add3A_1191 = arith.addi %mul3A_1189, %add3A_1190 : i32
        %add3A_1192 = arith.constant 48 : i32
        %add3A_1193 = arith.addi %squeeze3A_359, %add3A_1192 : i32
        %get3A_1194 = arith.index_cast %add3A_1191 : i32 to index
        %get3A_1195 = arith.index_cast %add3A_1193 : i32 to index
        %get3A_1196 = tpu.vector_load %arg11[%get3A_1194, %get3A_1195] {strides = array<i32>} : memref<320x128xf32, #tpu.memory_space<vmem>>, vector<1x16xf32>,
        %get3A_1197 = vector.shape_cast %get3A_1196 : vector<1x16xf32> to vector<16xf32>
        %add3A_1198 = arith.addf %add3A_1187, %get3A_1197 : vector<16xf32>
        %mul3A_1199 = arith.constant 20 : i32
        %mul3A_1200 = arith.muli %scan3A_333, %mul3A_1199 : i32
        %add3A_1201 = arith.constant 8 : i32
        %add3A_1202 = arith.addi %mul3A_1200, %add3A_1201 : i32
        %add3A_1203 = arith.constant 48 : i32
        %add3A_1204 = arith.addi %squeeze3A_361, %add3A_1203 : i32
        %get3A_1205 = arith.index_cast %add3A_1202 : i32 to index
        %get3A_1206 = arith.index_cast %add3A_1204 : i32 to index
        %get3A_1207 = tpu.vector_load %arg11[%get3A_1205, %get3A_1206] {strides = array<i32>} : memref<320x128xf32, #tpu.memory_space<vmem>>, vector<1x16xf32>,
        %get3A_1208 = vector.shape_cast %get3A_1207 : vector<1x16xf32> to vector<16xf32>
        %add3A_1209 = arith.addf %add3A_1198, %get3A_1208 : vector<16xf32>
        %mul3A_1210 = arith.constant 20 : i32
        %mul3A_1211 = arith.muli %scan3A_333, %mul3A_1210 : i32
        %add3A_1212 = arith.constant 9 : i32
        %add3A_1213 = arith.addi %mul3A_1211, %add3A_1212 : i32
        %add3A_1214 = arith.constant 48 : i32
        %add3A_1215 = arith.addi %squeeze3A_363, %add3A_1214 : i32
        %get3A_1216 = arith.index_cast %add3A_1213 : i32 to index
        %get3A_1217 = arith.index_cast %add3A_1215 : i32 to index
        %get3A_1218 = tpu.vector_load %arg11[%get3A_1216, %get3A_1217] {strides = array<i32>} : memref<320x128xf32, #tpu.memory_space<vmem>>, vector<1x16xf32>,
        %get3A_1219 = vector.shape_cast %get3A_1218 : vector<1x16xf32> to vector<16xf32>
        %add3A_1220 = arith.addf %add3A_1209, %get3A_1219 : vector<16xf32>
        %mul3A_1221 = arith.constant 20 : i32
        %mul3A_1222 = arith.muli %scan3A_333, %mul3A_1221 : i32
        %add3A_1223 = arith.constant 10 : i32
        %add3A_1224 = arith.addi %mul3A_1222, %add3A_1223 : i32
        %add3A_1225 = arith.constant 48 : i32
        %add3A_1226 = arith.addi %squeeze3A_365, %add3A_1225 : i32
        %get3A_1227 = arith.index_cast %add3A_1224 : i32 to index
        %get3A_1228 = arith.index_cast %add3A_1226 : i32 to index
        %get3A_1229 = tpu.vector_load %arg11[%get3A_1227, %get3A_1228] {strides = array<i32>} : memref<320x128xf32, #tpu.memory_space<vmem>>, vector<1x16xf32>,
        %get3A_1230 = vector.shape_cast %get3A_1229 : vector<1x16xf32> to vector<16xf32>
        %add3A_1231 = arith.addf %add3A_1220, %get3A_1230 : vector<16xf32>
        %mul3A_1232 = arith.constant 20 : i32
        %mul3A_1233 = arith.muli %scan3A_333, %mul3A_1232 : i32
        %add3A_1234 = arith.constant 11 : i32
        %add3A_1235 = arith.addi %mul3A_1233, %add3A_1234 : i32
        %add3A_1236 = arith.constant 48 : i32
        %add3A_1237 = arith.addi %squeeze3A_367, %add3A_1236 : i32
        %get3A_1238 = arith.index_cast %add3A_1235 : i32 to index
        %get3A_1239 = arith.index_cast %add3A_1237 : i32 to index
        %get3A_1240 = tpu.vector_load %arg11[%get3A_1238, %get3A_1239] {strides = array<i32>} : memref<320x128xf32, #tpu.memory_space<vmem>>, vector<1x16xf32>,
        %get3A_1241 = vector.shape_cast %get3A_1240 : vector<1x16xf32> to vector<16xf32>
        %add3A_1242 = arith.addf %add3A_1231, %get3A_1241 : vector<16xf32>
        %mul3A_1243 = arith.constant 20 : i32
        %mul3A_1244 = arith.muli %scan3A_333, %mul3A_1243 : i32
        %add3A_1245 = arith.constant 12 : i32
        %add3A_1246 = arith.addi %mul3A_1244, %add3A_1245 : i32
        %add3A_1247 = arith.constant 48 : i32
        %add3A_1248 = arith.addi %squeeze3A_369, %add3A_1247 : i32
        %get3A_1249 = arith.index_cast %add3A_1246 : i32 to index
        %get3A_1250 = arith.index_cast %add3A_1248 : i32 to index
        %get3A_1251 = tpu.vector_load %arg11[%get3A_1249, %get3A_1250] {strides = array<i32>} : memref<320x128xf32, #tpu.memory_space<vmem>>, vector<1x16xf32>,
        %get3A_1252 = vector.shape_cast %get3A_1251 : vector<1x16xf32> to vector<16xf32>
        %add3A_1253 = arith.addf %add3A_1242, %get3A_1252 : vector<16xf32>
        %mul3A_1254 = arith.constant 20 : i32
        %mul3A_1255 = arith.muli %scan3A_333, %mul3A_1254 : i32
        %add3A_1256 = arith.constant 13 : i32
        %add3A_1257 = arith.addi %mul3A_1255, %add3A_1256 : i32
        %add3A_1258 = arith.constant 48 : i32
        %add3A_1259 = arith.addi %squeeze3A_371, %add3A_1258 : i32
        %get3A_1260 = arith.index_cast %add3A_1257 : i32 to index
        %get3A_1261 = arith.index_cast %add3A_1259 : i32 to index
        %get3A_1262 = tpu.vector_load %arg11[%get3A_1260, %get3A_1261] {strides = array<i32>} : memref<320x128xf32, #tpu.memory_space<vmem>>, vector<1x16xf32>,
        %get3A_1263 = vector.shape_cast %get3A_1262 : vector<1x16xf32> to vector<16xf32>
        %add3A_1264 = arith.addf %add3A_1253, %get3A_1263 : vector<16xf32>
        %mul3A_1265 = arith.constant 20 : i32
        %mul3A_1266 = arith.muli %scan3A_333, %mul3A_1265 : i32
        %add3A_1267 = arith.constant 14 : i32
        %add3A_1268 = arith.addi %mul3A_1266, %add3A_1267 : i32
        %add3A_1269 = arith.constant 48 : i32
        %add3A_1270 = arith.addi %squeeze3A_373, %add3A_1269 : i32
        %get3A_1271 = arith.index_cast %add3A_1268 : i32 to index
        %get3A_1272 = arith.index_cast %add3A_1270 : i32 to index
        %get3A_1273 = tpu.vector_load %arg11[%get3A_1271, %get3A_1272] {strides = array<i32>} : memref<320x128xf32, #tpu.memory_space<vmem>>, vector<1x16xf32>,
        %get3A_1274 = vector.shape_cast %get3A_1273 : vector<1x16xf32> to vector<16xf32>
        %add3A_1275 = arith.addf %add3A_1264, %get3A_1274 : vector<16xf32>
        %mul3A_1276 = arith.constant 20 : i32
        %mul3A_1277 = arith.muli %scan3A_333, %mul3A_1276 : i32
        %add3A_1278 = arith.constant 15 : i32
        %add3A_1279 = arith.addi %mul3A_1277, %add3A_1278 : i32
        %add3A_1280 = arith.constant 48 : i32
        %add3A_1281 = arith.addi %squeeze3A_375, %add3A_1280 : i32
        %get3A_1282 = arith.index_cast %add3A_1279 : i32 to index
        %get3A_1283 = arith.index_cast %add3A_1281 : i32 to index
        %get3A_1284 = tpu.vector_load %arg11[%get3A_1282, %get3A_1283] {strides = array<i32>} : memref<320x128xf32, #tpu.memory_space<vmem>>, vector<1x16xf32>,
        %get3A_1285 = vector.shape_cast %get3A_1284 : vector<1x16xf32> to vector<16xf32>
        %add3A_1286 = arith.addf %add3A_1275, %get3A_1285 : vector<16xf32>
        %mul3A_1287 = arith.constant 20 : i32
        %mul3A_1288 = arith.muli %scan3A_333, %mul3A_1287 : i32
        %add3A_1289 = arith.constant 16 : i32
        %add3A_1290 = arith.addi %mul3A_1288, %add3A_1289 : i32
        %add3A_1291 = arith.constant 48 : i32
        %add3A_1292 = arith.addi %squeeze3A_377, %add3A_1291 : i32
        %get3A_1293 = arith.index_cast %add3A_1290 : i32 to index
        %get3A_1294 = arith.index_cast %add3A_1292 : i32 to index
        %get3A_1295 = tpu.vector_load %arg11[%get3A_1293, %get3A_1294] {strides = array<i32>} : memref<320x128xf32, #tpu.memory_space<vmem>>, vector<1x16xf32>,
        %get3A_1296 = vector.shape_cast %get3A_1295 : vector<1x16xf32> to vector<16xf32>
        %add3A_1297 = arith.addf %add3A_1286, %get3A_1296 : vector<16xf32>
        %mul3A_1298 = arith.constant 20 : i32
        %mul3A_1299 = arith.muli %scan3A_333, %mul3A_1298 : i32
        %add3A_1300 = arith.constant 17 : i32
        %add3A_1301 = arith.addi %mul3A_1299, %add3A_1300 : i32
        %add3A_1302 = arith.constant 48 : i32
        %add3A_1303 = arith.addi %squeeze3A_379, %add3A_1302 : i32
        %get3A_1304 = arith.index_cast %add3A_1301 : i32 to index
        %get3A_1305 = arith.index_cast %add3A_1303 : i32 to index
        %get3A_1306 = tpu.vector_load %arg11[%get3A_1304, %get3A_1305] {strides = array<i32>} : memref<320x128xf32, #tpu.memory_space<vmem>>, vector<1x16xf32>,
        %get3A_1307 = vector.shape_cast %get3A_1306 : vector<1x16xf32> to vector<16xf32>
        %add3A_1308 = arith.addf %add3A_1297, %get3A_1307 : vector<16xf32>
        %mul3A_1309 = arith.constant 20 : i32
        %mul3A_1310 = arith.muli %scan3A_333, %mul3A_1309 : i32
        %add3A_1311 = arith.constant 18 : i32
        %add3A_1312 = arith.addi %mul3A_1310, %add3A_1311 : i32
        %add3A_1313 = arith.constant 48 : i32
        %add3A_1314 = arith.addi %squeeze3A_381, %add3A_1313 : i32
        %get3A_1315 = arith.index_cast %add3A_1312 : i32 to index
        %get3A_1316 = arith.index_cast %add3A_1314 : i32 to index
        %get3A_1317 = tpu.vector_load %arg11[%get3A_1315, %get3A_1316] {strides = array<i32>} : memref<320x128xf32, #tpu.memory_space<vmem>>, vector<1x16xf32>,
        %get3A_1318 = vector.shape_cast %get3A_1317 : vector<1x16xf32> to vector<16xf32>
        %add3A_1319 = arith.addf %add3A_1308, %get3A_1318 : vector<16xf32>
        %mul3A_1320 = arith.constant 20 : i32
        %mul3A_1321 = arith.muli %scan3A_333, %mul3A_1320 : i32
        %add3A_1322 = arith.constant 19 : i32
        %add3A_1323 = arith.addi %mul3A_1321, %add3A_1322 : i32
        %add3A_1324 = arith.constant 48 : i32
        %add3A_1325 = arith.addi %squeeze3A_383, %add3A_1324 : i32
        %get3A_1326 = arith.index_cast %add3A_1323 : i32 to index
        %get3A_1327 = arith.index_cast %add3A_1325 : i32 to index
        %get3A_1328 = tpu.vector_load %arg11[%get3A_1326, %get3A_1327] {strides = array<i32>} : memref<320x128xf32, #tpu.memory_space<vmem>>, vector<1x16xf32>,
        %get3A_1329 = vector.shape_cast %get3A_1328 : vector<1x16xf32> to vector<16xf32>
        %add3A_1330 = arith.addf %add3A_1319, %get3A_1329 : vector<16xf32>
        %mul3A_1331 = arith.constant 2.500000e-02 : f32
        %mul3A_1332 = vector.broadcast %mul3A_1331 : f32 to vector<16xf32>
        %mul3A_1333 = arith.mulf %add3A_1330, %mul3A_1332 : vector<16xf32>
        %swap3A_1334 = arith.index_cast %scan3A_333 : i32 to index
        %swap3A_1335 = arith.constant 48 : index
        %swap3A_1336 = tpu.vector_load %arg15[%swap3A_1334, %swap3A_1335] {strides = array<i32>} : memref<16x64xf32, #tpu.memory_space<vmem>>, vector<1x16xf32>,
        %swap3A_1337 = vector.shape_cast %swap3A_1336 : vector<1x16xf32> to vector<16xf32>
        %swap3A_1338 = vector.shape_cast %mul3A_1333 : vector<16xf32> to vector<1x16xf32>
        tpu.vector_store %arg15[%swap3A_1334, %swap3A_1335], %swap3A_1338 {strides = array<i32>} : memref<16x64xf32, #tpu.memory_space<vmem>>, vector<1x16xf32>,
      }
      %scan3A_224 = arith.constant 16 : i32
      %mul3A_225 = arith.constant 16 : i32
      %mul3A_226 = arith.muli %add3A_150, %mul3A_225 : i32
      %add3A_227 = arith.addi %mul3A_2, %mul3A_226 : i32
      %dma_start3A_228 = arith.constant 0 : i32
      %dma_start3A_229 = tpu.memref_slice %arg6[%add3A_227, %dma_start3A_228] : memref<16384x64xf32, #tpu.memory_space<hbm>> -> memref<16x64xf32, #tpu.memory_space<hbm>>
      %dma_start3A_230 = arith.constant 0 : i32
      %dma_start3A_231 = tpu.memref_slice %arg6[%add3A_227, %dma_start3A_230] : memref<16384x64xf32, #tpu.memory_space<hbm>> -> memref<16x64xf32, #tpu.memory_space<hbm>>
      tpu.enqueue_dma source(%arg15 : memref<16x64xf32, #tpu.memory_space<vmem>>) target(%dma_start3A_231 : memref<16x64xf32, #tpu.memory_space<hbm>>) target_semaphore(%arg21 : memref<!tpu.dma_semaphore, #tpu.memory_space<semaphore_mem>>)
      %add3A_232 = arith.constant 2 : i32
      %add3A_233 = arith.addi %add3A_150, %add3A_232 : i32
      %lt3A = arith.constant 32 : i32
      %lt3A_234 = arith.cmpi slt, %add3A_233, %lt3A : i32
      %convert_element_type3A_235 = arith.extui %lt3A_234 : i1 to i32
      %cond3A_236 = arith.constant 0 : i32
      %cond3A_237 = arith.cmpi ne, %convert_element_type3A_235, %cond3A_236 : i32
      scf.if %cond3A_237 {
        %add3A_333 = arith.constant 2 : i32
        %add3A_334 = arith.addi %add3A_150, %add3A_333 : i32
        %mul3A_335 = arith.constant 5 : i32
        %mul3A_336 = arith.muli %add3A_334, %mul3A_335 : i32
        %add3A_337 = arith.constant 0 : i32
        %add3A_338 = arith.addi %mul3A_336, %add3A_337 : i32
        %dma_start3A_339 = arith.constant 0 : i32
        %dma_start3A_340 = arith.constant 0 : i32
        %dma_start3A_341 = tpu.memref_slice %arg11[%dma_start3A_339, %dma_start3A_340] : memref<320x128xf32, #tpu.memory_space<vmem>> -> memref<64x128xf32, #tpu.memory_space<vmem>>
        %dma_start3A_342 = arith.constant 0 : i32
        %dma_start3A_343 = tpu.memref_slice %arg9[%add3A_338, %dma_start3A_342] : memref<160x64xi32, #tpu.memory_space<vmem>> -> memref<1x64xi32, #tpu.memory_space<vmem>>
        %dma_start3A_344 = tpu.memref_squeeze %dma_start3A_343 : memref<1x64xi32, #tpu.memory_space<vmem>> -> memref<64xi32, #tpu.memory_space<vmem>>
        %dma_start3A_345 = arith.constant 0 : i32
        %dma_start3A_346 = arith.constant 0 : i32
        %dma_start3A_347 = tpu.memref_slice %arg5[%dma_start3A_345, %dma_start3A_346] : memref<500000x128xf32, #tpu.memory_space<hbm>> -> memref<500000x128xf32, #tpu.memory_space<hbm>>
        tpu.enqueue_indirect_dma source(%dma_start3A_347 : memref<500000x128xf32, #tpu.memory_space<hbm>>) target(%dma_start3A_341 : memref<64x128xf32, #tpu.memory_space<vmem>>) offsets(%dma_start3A_344 : memref<64xi32, #tpu.memory_space<vmem>>) semaphore(%arg17 : memref<!tpu.dma_semaphore, #tpu.memory_space<semaphore_mem>>)
        %add3A_348 = arith.constant 2 : i32
        %add3A_349 = arith.addi %add3A_150, %add3A_348 : i32
        %mul3A_350 = arith.constant 5 : i32
        %mul3A_351 = arith.muli %add3A_349, %mul3A_350 : i32
        %add3A_352 = arith.constant 1 : i32
        %add3A_353 = arith.addi %mul3A_351, %add3A_352 : i32
        %dma_start3A_354 = arith.constant 64 : i32
        %dma_start3A_355 = arith.constant 0 : i32
        %dma_start3A_356 = tpu.memref_slice %arg11[%dma_start3A_354, %dma_start3A_355] : memref<320x128xf32, #tpu.memory_space<vmem>> -> memref<64x128xf32, #tpu.memory_space<vmem>>
        %dma_start3A_357 = arith.constant 0 : i32
        %dma_start3A_358 = tpu.memref_slice %arg9[%add3A_353, %dma_start3A_357] : memref<160x64xi32, #tpu.memory_space<vmem>> -> memref<1x64xi32, #tpu.memory_space<vmem>>
        %dma_start3A_359 = tpu.memref_squeeze %dma_start3A_358 : memref<1x64xi32, #tpu.memory_space<vmem>> -> memref<64xi32, #tpu.memory_space<vmem>>
        %dma_start3A_360 = arith.constant 0 : i32
        %dma_start3A_361 = arith.constant 0 : i32
        %dma_start3A_362 = tpu.memref_slice %arg5[%dma_start3A_360, %dma_start3A_361] : memref<500000x128xf32, #tpu.memory_space<hbm>> -> memref<500000x128xf32, #tpu.memory_space<hbm>>
        tpu.enqueue_indirect_dma source(%dma_start3A_362 : memref<500000x128xf32, #tpu.memory_space<hbm>>) target(%dma_start3A_356 : memref<64x128xf32, #tpu.memory_space<vmem>>) offsets(%dma_start3A_359 : memref<64xi32, #tpu.memory_space<vmem>>) semaphore(%arg17 : memref<!tpu.dma_semaphore, #tpu.memory_space<semaphore_mem>>)
        %add3A_363 = arith.constant 2 : i32
        %add3A_364 = arith.addi %add3A_150, %add3A_363 : i32
        %mul3A_365 = arith.constant 5 : i32
        %mul3A_366 = arith.muli %add3A_364, %mul3A_365 : i32
        %add3A_367 = arith.constant 2 : i32
        %add3A_368 = arith.addi %mul3A_366, %add3A_367 : i32
        %dma_start3A_369 = arith.constant 128 : i32
        %dma_start3A_370 = arith.constant 0 : i32
        %dma_start3A_371 = tpu.memref_slice %arg11[%dma_start3A_369, %dma_start3A_370] : memref<320x128xf32, #tpu.memory_space<vmem>> -> memref<64x128xf32, #tpu.memory_space<vmem>>
        %dma_start3A_372 = arith.constant 0 : i32
        %dma_start3A_373 = tpu.memref_slice %arg9[%add3A_368, %dma_start3A_372] : memref<160x64xi32, #tpu.memory_space<vmem>> -> memref<1x64xi32, #tpu.memory_space<vmem>>
        %dma_start3A_374 = tpu.memref_squeeze %dma_start3A_373 : memref<1x64xi32, #tpu.memory_space<vmem>> -> memref<64xi32, #tpu.memory_space<vmem>>
        %dma_start3A_375 = arith.constant 0 : i32
        %dma_start3A_376 = arith.constant 0 : i32
        %dma_start3A_377 = tpu.memref_slice %arg5[%dma_start3A_375, %dma_start3A_376] : memref<500000x128xf32, #tpu.memory_space<hbm>> -> memref<500000x128xf32, #tpu.memory_space<hbm>>
        tpu.enqueue_indirect_dma source(%dma_start3A_377 : memref<500000x128xf32, #tpu.memory_space<hbm>>) target(%dma_start3A_371 : memref<64x128xf32, #tpu.memory_space<vmem>>) offsets(%dma_start3A_374 : memref<64xi32, #tpu.memory_space<vmem>>) semaphore(%arg17 : memref<!tpu.dma_semaphore, #tpu.memory_space<semaphore_mem>>)
        %add3A_378 = arith.constant 2 : i32
        %add3A_379 = arith.addi %add3A_150, %add3A_378 : i32
        %mul3A_380 = arith.constant 5 : i32
        %mul3A_381 = arith.muli %add3A_379, %mul3A_380 : i32
        %add3A_382 = arith.constant 3 : i32
        %add3A_383 = arith.addi %mul3A_381, %add3A_382 : i32
        %dma_start3A_384 = arith.constant 192 : i32
        %dma_start3A_385 = arith.constant 0 : i32
        %dma_start3A_386 = tpu.memref_slice %arg11[%dma_start3A_384, %dma_start3A_385] : memref<320x128xf32, #tpu.memory_space<vmem>> -> memref<64x128xf32, #tpu.memory_space<vmem>>
        %dma_start3A_387 = arith.constant 0 : i32
        %dma_start3A_388 = tpu.memref_slice %arg9[%add3A_383, %dma_start3A_387] : memref<160x64xi32, #tpu.memory_space<vmem>> -> memref<1x64xi32, #tpu.memory_space<vmem>>
        %dma_start3A_389 = tpu.memref_squeeze %dma_start3A_388 : memref<1x64xi32, #tpu.memory_space<vmem>> -> memref<64xi32, #tpu.memory_space<vmem>>
        %dma_start3A_390 = arith.constant 0 : i32
        %dma_start3A_391 = arith.constant 0 : i32
        %dma_start3A_392 = tpu.memref_slice %arg5[%dma_start3A_390, %dma_start3A_391] : memref<500000x128xf32, #tpu.memory_space<hbm>> -> memref<500000x128xf32, #tpu.memory_space<hbm>>
        tpu.enqueue_indirect_dma source(%dma_start3A_392 : memref<500000x128xf32, #tpu.memory_space<hbm>>) target(%dma_start3A_386 : memref<64x128xf32, #tpu.memory_space<vmem>>) offsets(%dma_start3A_389 : memref<64xi32, #tpu.memory_space<vmem>>) semaphore(%arg17 : memref<!tpu.dma_semaphore, #tpu.memory_space<semaphore_mem>>)
        %add3A_393 = arith.constant 2 : i32
        %add3A_394 = arith.addi %add3A_150, %add3A_393 : i32
        %mul3A_395 = arith.constant 5 : i32
        %mul3A_396 = arith.muli %add3A_394, %mul3A_395 : i32
        %add3A_397 = arith.constant 4 : i32
        %add3A_398 = arith.addi %mul3A_396, %add3A_397 : i32
        %dma_start3A_399 = arith.constant 256 : i32
        %dma_start3A_400 = arith.constant 0 : i32
        %dma_start3A_401 = tpu.memref_slice %arg11[%dma_start3A_399, %dma_start3A_400] : memref<320x128xf32, #tpu.memory_space<vmem>> -> memref<64x128xf32, #tpu.memory_space<vmem>>
        %dma_start3A_402 = arith.constant 0 : i32
        %dma_start3A_403 = tpu.memref_slice %arg9[%add3A_398, %dma_start3A_402] : memref<160x64xi32, #tpu.memory_space<vmem>> -> memref<1x64xi32, #tpu.memory_space<vmem>>
        %dma_start3A_404 = tpu.memref_squeeze %dma_start3A_403 : memref<1x64xi32, #tpu.memory_space<vmem>> -> memref<64xi32, #tpu.memory_space<vmem>>
        %dma_start3A_405 = arith.constant 0 : i32
        %dma_start3A_406 = arith.constant 0 : i32
        %dma_start3A_407 = tpu.memref_slice %arg5[%dma_start3A_405, %dma_start3A_406] : memref<500000x128xf32, #tpu.memory_space<hbm>> -> memref<500000x128xf32, #tpu.memory_space<hbm>>
        tpu.enqueue_indirect_dma source(%dma_start3A_407 : memref<500000x128xf32, #tpu.memory_space<hbm>>) target(%dma_start3A_401 : memref<64x128xf32, #tpu.memory_space<vmem>>) offsets(%dma_start3A_404 : memref<64xi32, #tpu.memory_space<vmem>>) semaphore(%arg17 : memref<!tpu.dma_semaphore, #tpu.memory_space<semaphore_mem>>)
        %add3A_408 = arith.constant 2 : i32
        %add3A_409 = arith.addi %add3A_150, %add3A_408 : i32
        %dma_start3A_410 = arith.constant 0 : i32
        %dma_start3A_411 = tpu.memref_slice %arg7[%add3A_409, %dma_start3A_410] : memref<32x16xi32, #tpu.memory_space<vmem>> -> memref<1x16xi32, #tpu.memory_space<vmem>>
        %dma_start3A_412 = tpu.memref_squeeze %dma_start3A_411 : memref<1x16xi32, #tpu.memory_space<vmem>> -> memref<16xi32, #tpu.memory_space<vmem>>
        %dma_start3A_413 = arith.constant 0 : i32
        %dma_start3A_414 = arith.constant 0 : i32
        %dma_start3A_415 = tpu.memref_slice %arg4[%dma_start3A_413, %dma_start3A_414] : memref<50000x128xf32, #tpu.memory_space<hbm>> -> memref<50000x128xf32, #tpu.memory_space<hbm>>
        tpu.enqueue_indirect_dma source(%dma_start3A_415 : memref<50000x128xf32, #tpu.memory_space<hbm>>) target(%arg13 : memref<16x128xf32, #tpu.memory_space<vmem>>) offsets(%dma_start3A_412 : memref<16xi32, #tpu.memory_space<vmem>>) semaphore(%arg19 : memref<!tpu.dma_semaphore, #tpu.memory_space<semaphore_mem>>)
      } else {
      }
      %mul3A_238 = arith.constant 2 : i32
      %mul3A_239 = arith.muli %scan3A_146, %mul3A_238 : i32
      %add3A_240 = arith.constant 1 : i32
      %add3A_241 = arith.addi %mul3A_239, %add3A_240 : i32
      %dma_wait3A_242 = arith.constant 0 : i32
      %dma_wait3A_243 = arith.constant 0 : i32
      %dma_wait3A_244 = tpu.memref_slice %arg12[%dma_wait3A_242, %dma_wait3A_243] : memref<320x128xf32, #tpu.memory_space<vmem>> -> memref<64x128xf32, #tpu.memory_space<vmem>>
      %dma_wait3A_245 = arith.constant 0 : i32
      %dma_wait3A_246 = arith.constant 0 : i32
      %dma_wait3A_247 = tpu.memref_slice %arg5[%dma_wait3A_245, %dma_wait3A_246] : memref<500000x128xf32, #tpu.memory_space<hbm>> -> memref<64x128xf32, #tpu.memory_space<hbm>>
      %dma_wait3A_248 = arith.constant 0 : i32
      %dma_wait3A_249 = arith.constant 0 : i32
      %dma_wait3A_250 = tpu.memref_slice %arg12[%dma_wait3A_248, %dma_wait3A_249] : memref<320x128xf32, #tpu.memory_space<vmem>> -> memref<64x128xf32, #tpu.memory_space<vmem>>
      %dma_wait3A_251 = arith.constant 0 : i32
      %dma_wait3A_252 = arith.constant 0 : i32
      %dma_wait3A_253 = tpu.memref_slice %arg5[%dma_wait3A_251, %dma_wait3A_252] : memref<500000x128xf32, #tpu.memory_space<hbm>> -> memref<64x128xf32, #tpu.memory_space<hbm>>
      tpu.wait_dma2 semaphore(%arg18 : memref<!tpu.dma_semaphore, #tpu.memory_space<semaphore_mem>>) src(%dma_wait3A_253 : memref<64x128xf32, #tpu.memory_space<hbm>>) dst(%dma_wait3A_250 : memref<64x128xf32, #tpu.memory_space<vmem>>)
      %dma_wait3A_254 = arith.constant 64 : i32
      %dma_wait3A_255 = arith.constant 0 : i32
      %dma_wait3A_256 = tpu.memref_slice %arg12[%dma_wait3A_254, %dma_wait3A_255] : memref<320x128xf32, #tpu.memory_space<vmem>> -> memref<64x128xf32, #tpu.memory_space<vmem>>
      %dma_wait3A_257 = arith.constant 0 : i32
      %dma_wait3A_258 = arith.constant 0 : i32
      %dma_wait3A_259 = tpu.memref_slice %arg5[%dma_wait3A_257, %dma_wait3A_258] : memref<500000x128xf32, #tpu.memory_space<hbm>> -> memref<64x128xf32, #tpu.memory_space<hbm>>
      %dma_wait3A_260 = arith.constant 64 : i32
      %dma_wait3A_261 = arith.constant 0 : i32
      %dma_wait3A_262 = tpu.memref_slice %arg12[%dma_wait3A_260, %dma_wait3A_261] : memref<320x128xf32, #tpu.memory_space<vmem>> -> memref<64x128xf32, #tpu.memory_space<vmem>>
      %dma_wait3A_263 = arith.constant 0 : i32
      %dma_wait3A_264 = arith.constant 0 : i32
      %dma_wait3A_265 = tpu.memref_slice %arg5[%dma_wait3A_263, %dma_wait3A_264] : memref<500000x128xf32, #tpu.memory_space<hbm>> -> memref<64x128xf32, #tpu.memory_space<hbm>>
      tpu.wait_dma2 semaphore(%arg18 : memref<!tpu.dma_semaphore, #tpu.memory_space<semaphore_mem>>) src(%dma_wait3A_265 : memref<64x128xf32, #tpu.memory_space<hbm>>) dst(%dma_wait3A_262 : memref<64x128xf32, #tpu.memory_space<vmem>>)
      %dma_wait3A_266 = arith.constant 128 : i32
      %dma_wait3A_267 = arith.constant 0 : i32
      %dma_wait3A_268 = tpu.memref_slice %arg12[%dma_wait3A_266, %dma_wait3A_267] : memref<320x128xf32, #tpu.memory_space<vmem>> -> memref<64x128xf32, #tpu.memory_space<vmem>>
      %dma_wait3A_269 = arith.constant 0 : i32
      %dma_wait3A_270 = arith.constant 0 : i32
      %dma_wait3A_271 = tpu.memref_slice %arg5[%dma_wait3A_269, %dma_wait3A_270] : memref<500000x128xf32, #tpu.memory_space<hbm>> -> memref<64x128xf32, #tpu.memory_space<hbm>>
      %dma_wait3A_272 = arith.constant 128 : i32
      %dma_wait3A_273 = arith.constant 0 : i32
      %dma_wait3A_274 = tpu.memref_slice %arg12[%dma_wait3A_272, %dma_wait3A_273] : memref<320x128xf32, #tpu.memory_space<vmem>> -> memref<64x128xf32, #tpu.memory_space<vmem>>
      %dma_wait3A_275 = arith.constant 0 : i32
      %dma_wait3A_276 = arith.constant 0 : i32
      %dma_wait3A_277 = tpu.memref_slice %arg5[%dma_wait3A_275, %dma_wait3A_276] : memref<500000x128xf32, #tpu.memory_space<hbm>> -> memref<64x128xf32, #tpu.memory_space<hbm>>
      tpu.wait_dma2 semaphore(%arg18 : memref<!tpu.dma_semaphore, #tpu.memory_space<semaphore_mem>>) src(%dma_wait3A_277 : memref<64x128xf32, #tpu.memory_space<hbm>>) dst(%dma_wait3A_274 : memref<64x128xf32, #tpu.memory_space<vmem>>)
      %dma_wait3A_278 = arith.constant 192 : i32
      %dma_wait3A_279 = arith.constant 0 : i32
      %dma_wait3A_280 = tpu.memref_slice %arg12[%dma_wait3A_278, %dma_wait3A_279] : memref<320x128xf32, #tpu.memory_space<vmem>> -> memref<64x128xf32, #tpu.memory_space<vmem>>
      %dma_wait3A_281 = arith.constant 0 : i32
      %dma_wait3A_282 = arith.constant 0 : i32
      %dma_wait3A_283 = tpu.memref_slice %arg5[%dma_wait3A_281, %dma_wait3A_282] : memref<500000x128xf32, #tpu.memory_space<hbm>> -> memref<64x128xf32, #tpu.memory_space<hbm>>
      %dma_wait3A_284 = arith.constant 192 : i32
      %dma_wait3A_285 = arith.constant 0 : i32
      %dma_wait3A_286 = tpu.memref_slice %arg12[%dma_wait3A_284, %dma_wait3A_285] : memref<320x128xf32, #tpu.memory_space<vmem>> -> memref<64x128xf32, #tpu.memory_space<vmem>>
      %dma_wait3A_287 = arith.constant 0 : i32
      %dma_wait3A_288 = arith.constant 0 : i32
      %dma_wait3A_289 = tpu.memref_slice %arg5[%dma_wait3A_287, %dma_wait3A_288] : memref<500000x128xf32, #tpu.memory_space<hbm>> -> memref<64x128xf32, #tpu.memory_space<hbm>>
      tpu.wait_dma2 semaphore(%arg18 : memref<!tpu.dma_semaphore, #tpu.memory_space<semaphore_mem>>) src(%dma_wait3A_289 : memref<64x128xf32, #tpu.memory_space<hbm>>) dst(%dma_wait3A_286 : memref<64x128xf32, #tpu.memory_space<vmem>>)
      %dma_wait3A_290 = arith.constant 256 : i32
      %dma_wait3A_291 = arith.constant 0 : i32
      %dma_wait3A_292 = tpu.memref_slice %arg12[%dma_wait3A_290, %dma_wait3A_291] : memref<320x128xf32, #tpu.memory_space<vmem>> -> memref<64x128xf32, #tpu.memory_space<vmem>>
      %dma_wait3A_293 = arith.constant 0 : i32
      %dma_wait3A_294 = arith.constant 0 : i32
      %dma_wait3A_295 = tpu.memref_slice %arg5[%dma_wait3A_293, %dma_wait3A_294] : memref<500000x128xf32, #tpu.memory_space<hbm>> -> memref<64x128xf32, #tpu.memory_space<hbm>>
      %dma_wait3A_296 = arith.constant 256 : i32
      %dma_wait3A_297 = arith.constant 0 : i32
      %dma_wait3A_298 = tpu.memref_slice %arg12[%dma_wait3A_296, %dma_wait3A_297] : memref<320x128xf32, #tpu.memory_space<vmem>> -> memref<64x128xf32, #tpu.memory_space<vmem>>
      %dma_wait3A_299 = arith.constant 0 : i32
      %dma_wait3A_300 = arith.constant 0 : i32
      %dma_wait3A_301 = tpu.memref_slice %arg5[%dma_wait3A_299, %dma_wait3A_300] : memref<500000x128xf32, #tpu.memory_space<hbm>> -> memref<64x128xf32, #tpu.memory_space<hbm>>
      tpu.wait_dma2 semaphore(%arg18 : memref<!tpu.dma_semaphore, #tpu.memory_space<semaphore_mem>>) src(%dma_wait3A_301 : memref<64x128xf32, #tpu.memory_space<hbm>>) dst(%dma_wait3A_298 : memref<64x128xf32, #tpu.memory_space<vmem>>)
      %dma_wait3A_302 = arith.constant 0 : i32
      %dma_wait3A_303 = arith.constant 0 : i32
      %dma_wait3A_304 = tpu.memref_slice %arg4[%dma_wait3A_302, %dma_wait3A_303] : memref<50000x128xf32, #tpu.memory_space<hbm>> -> memref<16x128xf32, #tpu.memory_space<hbm>>
      %dma_wait3A_305 = arith.constant 0 : i32
      %dma_wait3A_306 = arith.constant 0 : i32
      %dma_wait3A_307 = tpu.memref_slice %arg4[%dma_wait3A_305, %dma_wait3A_306] : memref<50000x128xf32, #tpu.memory_space<hbm>> -> memref<16x128xf32, #tpu.memory_space<hbm>>
      tpu.wait_dma2 semaphore(%arg20 : memref<!tpu.dma_semaphore, #tpu.memory_space<semaphore_mem>>) src(%dma_wait3A_307 : memref<16x128xf32, #tpu.memory_space<hbm>>) dst(%arg14 : memref<16x128xf32, #tpu.memory_space<vmem>>)
      %ge3A_308 = arith.constant 2 : i32
      %ge3A_309 = arith.cmpi sge, %add3A_241, %ge3A_308 : i32
      %convert_element_type3A_310 = arith.extui %ge3A_309 : i1 to i32
      %cond3A_311 = arith.constant 0 : i32
      %cond3A_312 = arith.cmpi ne, %convert_element_type3A_310, %cond3A_311 : i32
      scf.if %cond3A_312 {
        %dma_wait3A_333 = arith.constant 0 : i32
        %dma_wait3A_334 = tpu.memref_slice %arg6[%mul3A_2, %dma_wait3A_333] : memref<16384x64xf32, #tpu.memory_space<hbm>> -> memref<16x64xf32, #tpu.memory_space<hbm>>
        %dma_wait3A_335 = arith.constant 0 : i32
        %dma_wait3A_336 = tpu.memref_slice %arg6[%mul3A_2, %dma_wait3A_335] : memref<16384x64xf32, #tpu.memory_space<hbm>> -> memref<16x64xf32, #tpu.memory_space<hbm>>
        tpu.wait_dma2 semaphore(%arg22 : memref<!tpu.dma_semaphore, #tpu.memory_space<semaphore_mem>>) src(%arg16 : memref<16x64xf32, #tpu.memory_space<vmem>>) dst(%dma_wait3A_336 : memref<16x64xf32, #tpu.memory_space<hbm>>)
      } else {
      }
      %scan3A_313 = arith.constant 0 : i32
      %scan3A_314 = arith.constant 0 : i32
      %scan3A_315 = arith.constant 16 : i32
      %scan3A_316 = arith.addi %scan3A_314, %scan3A_315 : i32
      %scan3A_317 = arith.constant 1 : i32
      scf.for %scan3A_333 = %scan3A_314 to %scan3A_316 step %scan3A_317  : i32 {
        %mul3A_334 = arith.constant 320 : i32
        %mul3A_335 = arith.muli %add3A_241, %mul3A_334 : i32
        %mul3A_336 = arith.constant 20 : i32
        %mul3A_337 = arith.muli %scan3A_333, %mul3A_336 : i32
        %add3A_338 = arith.addi %mul3A_335, %mul3A_337 : i32
        %get3A = arith.index_cast %add3A_338 : i32 to index
        %get3A_339 = tpu.vector_load %arg10[%get3A] {strides = array<i32>} : memref<10272xi32, #tpu.memory_space<vmem>>, vector<16xi32>,
        %get3A_340 = vector.shape_cast %get3A_339 : vector<16xi32> to vector<16xi32>
        %add3A_341 = arith.constant 16 : i32
        %add3A_342 = arith.addi %add3A_338, %add3A_341 : i32
        %get3A_343 = arith.index_cast %add3A_342 : i32 to index
        %get3A_344 = tpu.vector_load %arg10[%get3A_343] {strides = array<i32>} : memref<10272xi32, #tpu.memory_space<vmem>>, vector<16xi32>,
        %get3A_345 = vector.shape_cast %get3A_344 : vector<16xi32> to vector<16xi32>
        %slice3A = vector.extract_strided_slice %get3A_340 {offsets = [0], sizes = [1], strides = [1]} : vector<16xi32> to vector<1xi32>
        %squeeze3A = vector.extract %slice3A[0] : i32 from vector<1xi32>
        %slice3A_346 = vector.extract_strided_slice %get3A_340 {offsets = [1], sizes = [1], strides = [1]} : vector<16xi32> to vector<1xi32>
        %squeeze3A_347 = vector.extract %slice3A_346[0] : i32 from vector<1xi32>
        %slice3A_348 = vector.extract_strided_slice %get3A_340 {offsets = [2], sizes = [1], strides = [1]} : vector<16xi32> to vector<1xi32>
        %squeeze3A_349 = vector.extract %slice3A_348[0] : i32 from vector<1xi32>
        %slice3A_350 = vector.extract_strided_slice %get3A_340 {offsets = [3], sizes = [1], strides = [1]} : vector<16xi32> to vector<1xi32>
        %squeeze3A_351 = vector.extract %slice3A_350[0] : i32 from vector<1xi32>
        %slice3A_352 = vector.extract_strided_slice %get3A_340 {offsets = [4], sizes = [1], strides = [1]} : vector<16xi32> to vector<1xi32>
        %squeeze3A_353 = vector.extract %slice3A_352[0] : i32 from vector<1xi32>
        %slice3A_354 = vector.extract_strided_slice %get3A_340 {offsets = [5], sizes = [1], strides = [1]} : vector<16xi32> to vector<1xi32>
        %squeeze3A_355 = vector.extract %slice3A_354[0] : i32 from vector<1xi32>
        %slice3A_356 = vector.extract_strided_slice %get3A_340 {offsets = [6], sizes = [1], strides = [1]} : vector<16xi32> to vector<1xi32>
        %squeeze3A_357 = vector.extract %slice3A_356[0] : i32 from vector<1xi32>
        %slice3A_358 = vector.extract_strided_slice %get3A_340 {offsets = [7], sizes = [1], strides = [1]} : vector<16xi32> to vector<1xi32>
        %squeeze3A_359 = vector.extract %slice3A_358[0] : i32 from vector<1xi32>
        %slice3A_360 = vector.extract_strided_slice %get3A_340 {offsets = [8], sizes = [1], strides = [1]} : vector<16xi32> to vector<1xi32>
        %squeeze3A_361 = vector.extract %slice3A_360[0] : i32 from vector<1xi32>
        %slice3A_362 = vector.extract_strided_slice %get3A_340 {offsets = [9], sizes = [1], strides = [1]} : vector<16xi32> to vector<1xi32>
        %squeeze3A_363 = vector.extract %slice3A_362[0] : i32 from vector<1xi32>
        %slice3A_364 = vector.extract_strided_slice %get3A_340 {offsets = [10], sizes = [1], strides = [1]} : vector<16xi32> to vector<1xi32>
        %squeeze3A_365 = vector.extract %slice3A_364[0] : i32 from vector<1xi32>
        %slice3A_366 = vector.extract_strided_slice %get3A_340 {offsets = [11], sizes = [1], strides = [1]} : vector<16xi32> to vector<1xi32>
        %squeeze3A_367 = vector.extract %slice3A_366[0] : i32 from vector<1xi32>
        %slice3A_368 = vector.extract_strided_slice %get3A_340 {offsets = [12], sizes = [1], strides = [1]} : vector<16xi32> to vector<1xi32>
        %squeeze3A_369 = vector.extract %slice3A_368[0] : i32 from vector<1xi32>
        %slice3A_370 = vector.extract_strided_slice %get3A_340 {offsets = [13], sizes = [1], strides = [1]} : vector<16xi32> to vector<1xi32>
        %squeeze3A_371 = vector.extract %slice3A_370[0] : i32 from vector<1xi32>
        %slice3A_372 = vector.extract_strided_slice %get3A_340 {offsets = [14], sizes = [1], strides = [1]} : vector<16xi32> to vector<1xi32>
        %squeeze3A_373 = vector.extract %slice3A_372[0] : i32 from vector<1xi32>
        %slice3A_374 = vector.extract_strided_slice %get3A_340 {offsets = [15], sizes = [1], strides = [1]} : vector<16xi32> to vector<1xi32>
        %squeeze3A_375 = vector.extract %slice3A_374[0] : i32 from vector<1xi32>
        %slice3A_376 = vector.extract_strided_slice %get3A_345 {offsets = [0], sizes = [1], strides = [1]} : vector<16xi32> to vector<1xi32>
        %squeeze3A_377 = vector.extract %slice3A_376[0] : i32 from vector<1xi32>
        %slice3A_378 = vector.extract_strided_slice %get3A_345 {offsets = [1], sizes = [1], strides = [1]} : vector<16xi32> to vector<1xi32>
        %squeeze3A_379 = vector.extract %slice3A_378[0] : i32 from vector<1xi32>
        %slice3A_380 = vector.extract_strided_slice %get3A_345 {offsets = [2], sizes = [1], strides = [1]} : vector<16xi32> to vector<1xi32>
        %squeeze3A_381 = vector.extract %slice3A_380[0] : i32 from vector<1xi32>
        %slice3A_382 = vector.extract_strided_slice %get3A_345 {offsets = [3], sizes = [1], strides = [1]} : vector<16xi32> to vector<1xi32>
        %squeeze3A_383 = vector.extract %slice3A_382[0] : i32 from vector<1xi32>
        %mul3A_384 = arith.constant 16 : i32
        %mul3A_385 = arith.muli %add3A_241, %mul3A_384 : i32
        %add3A_386 = arith.addi %mul3A_385, %scan3A_333 : i32
        %get3A_387 = arith.index_cast %add3A_386 : i32 to index
        %get3A_388 = tpu.vector_load %arg8[%get3A_387] {strides = array<i32>} : memref<528xi32, #tpu.memory_space<vmem>>, vector<16xi32>,
        %get3A_389 = vector.shape_cast %get3A_388 : vector<16xi32> to vector<16xi32>
        %slice3A_390 = vector.extract_strided_slice %get3A_389 {offsets = [0], sizes = [1], strides = [1]} : vector<16xi32> to vector<1xi32>
        %squeeze3A_391 = vector.extract %slice3A_390[0] : i32 from vector<1xi32>
        %add3A_392 = arith.constant 0 : i32
        %add3A_393 = arith.addi %squeeze3A_391, %add3A_392 : i32
        %get3A_394 = arith.index_cast %scan3A_333 : i32 to index
        %get3A_395 = arith.index_cast %add3A_393 : i32 to index
        %get3A_396 = tpu.vector_load %arg14[%get3A_394, %get3A_395] {strides = array<i32>} : memref<16x128xf32, #tpu.memory_space<vmem>>, vector<1x16xf32>,
        %get3A_397 = vector.shape_cast %get3A_396 : vector<1x16xf32> to vector<16xf32>
        %mul3A_398 = arith.constant 2.000000e+01 : f32
        %mul3A_399 = vector.broadcast %mul3A_398 : f32 to vector<16xf32>
        %mul3A_400 = arith.mulf %get3A_397, %mul3A_399 : vector<16xf32>
        %mul3A_401 = arith.constant 20 : i32
        %mul3A_402 = arith.muli %scan3A_333, %mul3A_401 : i32
        %add3A_403 = arith.constant 0 : i32
        %add3A_404 = arith.addi %mul3A_402, %add3A_403 : i32
        %add3A_405 = arith.constant 0 : i32
        %add3A_406 = arith.addi %squeeze3A, %add3A_405 : i32
        %get3A_407 = arith.index_cast %add3A_404 : i32 to index
        %get3A_408 = arith.index_cast %add3A_406 : i32 to index
        %get3A_409 = tpu.vector_load %arg12[%get3A_407, %get3A_408] {strides = array<i32>} : memref<320x128xf32, #tpu.memory_space<vmem>>, vector<1x16xf32>,
        %get3A_410 = vector.shape_cast %get3A_409 : vector<1x16xf32> to vector<16xf32>
        %add3A_411 = arith.addf %mul3A_400, %get3A_410 : vector<16xf32>
        %mul3A_412 = arith.constant 20 : i32
        %mul3A_413 = arith.muli %scan3A_333, %mul3A_412 : i32
        %add3A_414 = arith.constant 1 : i32
        %add3A_415 = arith.addi %mul3A_413, %add3A_414 : i32
        %add3A_416 = arith.constant 0 : i32
        %add3A_417 = arith.addi %squeeze3A_347, %add3A_416 : i32
        %get3A_418 = arith.index_cast %add3A_415 : i32 to index
        %get3A_419 = arith.index_cast %add3A_417 : i32 to index
        %get3A_420 = tpu.vector_load %arg12[%get3A_418, %get3A_419] {strides = array<i32>} : memref<320x128xf32, #tpu.memory_space<vmem>>, vector<1x16xf32>,
        %get3A_421 = vector.shape_cast %get3A_420 : vector<1x16xf32> to vector<16xf32>
        %add3A_422 = arith.addf %add3A_411, %get3A_421 : vector<16xf32>
        %mul3A_423 = arith.constant 20 : i32
        %mul3A_424 = arith.muli %scan3A_333, %mul3A_423 : i32
        %add3A_425 = arith.constant 2 : i32
        %add3A_426 = arith.addi %mul3A_424, %add3A_425 : i32
        %add3A_427 = arith.constant 0 : i32
        %add3A_428 = arith.addi %squeeze3A_349, %add3A_427 : i32
        %get3A_429 = arith.index_cast %add3A_426 : i32 to index
        %get3A_430 = arith.index_cast %add3A_428 : i32 to index
        %get3A_431 = tpu.vector_load %arg12[%get3A_429, %get3A_430] {strides = array<i32>} : memref<320x128xf32, #tpu.memory_space<vmem>>, vector<1x16xf32>,
        %get3A_432 = vector.shape_cast %get3A_431 : vector<1x16xf32> to vector<16xf32>
        %add3A_433 = arith.addf %add3A_422, %get3A_432 : vector<16xf32>
        %mul3A_434 = arith.constant 20 : i32
        %mul3A_435 = arith.muli %scan3A_333, %mul3A_434 : i32
        %add3A_436 = arith.constant 3 : i32
        %add3A_437 = arith.addi %mul3A_435, %add3A_436 : i32
        %add3A_438 = arith.constant 0 : i32
        %add3A_439 = arith.addi %squeeze3A_351, %add3A_438 : i32
        %get3A_440 = arith.index_cast %add3A_437 : i32 to index
        %get3A_441 = arith.index_cast %add3A_439 : i32 to index
        %get3A_442 = tpu.vector_load %arg12[%get3A_440, %get3A_441] {strides = array<i32>} : memref<320x128xf32, #tpu.memory_space<vmem>>, vector<1x16xf32>,
        %get3A_443 = vector.shape_cast %get3A_442 : vector<1x16xf32> to vector<16xf32>
        %add3A_444 = arith.addf %add3A_433, %get3A_443 : vector<16xf32>
        %mul3A_445 = arith.constant 20 : i32
        %mul3A_446 = arith.muli %scan3A_333, %mul3A_445 : i32
        %add3A_447 = arith.constant 4 : i32
        %add3A_448 = arith.addi %mul3A_446, %add3A_447 : i32
        %add3A_449 = arith.constant 0 : i32
        %add3A_450 = arith.addi %squeeze3A_353, %add3A_449 : i32
        %get3A_451 = arith.index_cast %add3A_448 : i32 to index
        %get3A_452 = arith.index_cast %add3A_450 : i32 to index
        %get3A_453 = tpu.vector_load %arg12[%get3A_451, %get3A_452] {strides = array<i32>} : memref<320x128xf32, #tpu.memory_space<vmem>>, vector<1x16xf32>,
        %get3A_454 = vector.shape_cast %get3A_453 : vector<1x16xf32> to vector<16xf32>
        %add3A_455 = arith.addf %add3A_444, %get3A_454 : vector<16xf32>
        %mul3A_456 = arith.constant 20 : i32
        %mul3A_457 = arith.muli %scan3A_333, %mul3A_456 : i32
        %add3A_458 = arith.constant 5 : i32
        %add3A_459 = arith.addi %mul3A_457, %add3A_458 : i32
        %add3A_460 = arith.constant 0 : i32
        %add3A_461 = arith.addi %squeeze3A_355, %add3A_460 : i32
        %get3A_462 = arith.index_cast %add3A_459 : i32 to index
        %get3A_463 = arith.index_cast %add3A_461 : i32 to index
        %get3A_464 = tpu.vector_load %arg12[%get3A_462, %get3A_463] {strides = array<i32>} : memref<320x128xf32, #tpu.memory_space<vmem>>, vector<1x16xf32>,
        %get3A_465 = vector.shape_cast %get3A_464 : vector<1x16xf32> to vector<16xf32>
        %add3A_466 = arith.addf %add3A_455, %get3A_465 : vector<16xf32>
        %mul3A_467 = arith.constant 20 : i32
        %mul3A_468 = arith.muli %scan3A_333, %mul3A_467 : i32
        %add3A_469 = arith.constant 6 : i32
        %add3A_470 = arith.addi %mul3A_468, %add3A_469 : i32
        %add3A_471 = arith.constant 0 : i32
        %add3A_472 = arith.addi %squeeze3A_357, %add3A_471 : i32
        %get3A_473 = arith.index_cast %add3A_470 : i32 to index
        %get3A_474 = arith.index_cast %add3A_472 : i32 to index
        %get3A_475 = tpu.vector_load %arg12[%get3A_473, %get3A_474] {strides = array<i32>} : memref<320x128xf32, #tpu.memory_space<vmem>>, vector<1x16xf32>,
        %get3A_476 = vector.shape_cast %get3A_475 : vector<1x16xf32> to vector<16xf32>
        %add3A_477 = arith.addf %add3A_466, %get3A_476 : vector<16xf32>
        %mul3A_478 = arith.constant 20 : i32
        %mul3A_479 = arith.muli %scan3A_333, %mul3A_478 : i32
        %add3A_480 = arith.constant 7 : i32
        %add3A_481 = arith.addi %mul3A_479, %add3A_480 : i32
        %add3A_482 = arith.constant 0 : i32
        %add3A_483 = arith.addi %squeeze3A_359, %add3A_482 : i32
        %get3A_484 = arith.index_cast %add3A_481 : i32 to index
        %get3A_485 = arith.index_cast %add3A_483 : i32 to index
        %get3A_486 = tpu.vector_load %arg12[%get3A_484, %get3A_485] {strides = array<i32>} : memref<320x128xf32, #tpu.memory_space<vmem>>, vector<1x16xf32>,
        %get3A_487 = vector.shape_cast %get3A_486 : vector<1x16xf32> to vector<16xf32>
        %add3A_488 = arith.addf %add3A_477, %get3A_487 : vector<16xf32>
        %mul3A_489 = arith.constant 20 : i32
        %mul3A_490 = arith.muli %scan3A_333, %mul3A_489 : i32
        %add3A_491 = arith.constant 8 : i32
        %add3A_492 = arith.addi %mul3A_490, %add3A_491 : i32
        %add3A_493 = arith.constant 0 : i32
        %add3A_494 = arith.addi %squeeze3A_361, %add3A_493 : i32
        %get3A_495 = arith.index_cast %add3A_492 : i32 to index
        %get3A_496 = arith.index_cast %add3A_494 : i32 to index
        %get3A_497 = tpu.vector_load %arg12[%get3A_495, %get3A_496] {strides = array<i32>} : memref<320x128xf32, #tpu.memory_space<vmem>>, vector<1x16xf32>,
        %get3A_498 = vector.shape_cast %get3A_497 : vector<1x16xf32> to vector<16xf32>
        %add3A_499 = arith.addf %add3A_488, %get3A_498 : vector<16xf32>
        %mul3A_500 = arith.constant 20 : i32
        %mul3A_501 = arith.muli %scan3A_333, %mul3A_500 : i32
        %add3A_502 = arith.constant 9 : i32
        %add3A_503 = arith.addi %mul3A_501, %add3A_502 : i32
        %add3A_504 = arith.constant 0 : i32
        %add3A_505 = arith.addi %squeeze3A_363, %add3A_504 : i32
        %get3A_506 = arith.index_cast %add3A_503 : i32 to index
        %get3A_507 = arith.index_cast %add3A_505 : i32 to index
        %get3A_508 = tpu.vector_load %arg12[%get3A_506, %get3A_507] {strides = array<i32>} : memref<320x128xf32, #tpu.memory_space<vmem>>, vector<1x16xf32>,
        %get3A_509 = vector.shape_cast %get3A_508 : vector<1x16xf32> to vector<16xf32>
        %add3A_510 = arith.addf %add3A_499, %get3A_509 : vector<16xf32>
        %mul3A_511 = arith.constant 20 : i32
        %mul3A_512 = arith.muli %scan3A_333, %mul3A_511 : i32
        %add3A_513 = arith.constant 10 : i32
        %add3A_514 = arith.addi %mul3A_512, %add3A_513 : i32
        %add3A_515 = arith.constant 0 : i32
        %add3A_516 = arith.addi %squeeze3A_365, %add3A_515 : i32
        %get3A_517 = arith.index_cast %add3A_514 : i32 to index
        %get3A_518 = arith.index_cast %add3A_516 : i32 to index
        %get3A_519 = tpu.vector_load %arg12[%get3A_517, %get3A_518] {strides = array<i32>} : memref<320x128xf32, #tpu.memory_space<vmem>>, vector<1x16xf32>,
        %get3A_520 = vector.shape_cast %get3A_519 : vector<1x16xf32> to vector<16xf32>
        %add3A_521 = arith.addf %add3A_510, %get3A_520 : vector<16xf32>
        %mul3A_522 = arith.constant 20 : i32
        %mul3A_523 = arith.muli %scan3A_333, %mul3A_522 : i32
        %add3A_524 = arith.constant 11 : i32
        %add3A_525 = arith.addi %mul3A_523, %add3A_524 : i32
        %add3A_526 = arith.constant 0 : i32
        %add3A_527 = arith.addi %squeeze3A_367, %add3A_526 : i32
        %get3A_528 = arith.index_cast %add3A_525 : i32 to index
        %get3A_529 = arith.index_cast %add3A_527 : i32 to index
        %get3A_530 = tpu.vector_load %arg12[%get3A_528, %get3A_529] {strides = array<i32>} : memref<320x128xf32, #tpu.memory_space<vmem>>, vector<1x16xf32>,
        %get3A_531 = vector.shape_cast %get3A_530 : vector<1x16xf32> to vector<16xf32>
        %add3A_532 = arith.addf %add3A_521, %get3A_531 : vector<16xf32>
        %mul3A_533 = arith.constant 20 : i32
        %mul3A_534 = arith.muli %scan3A_333, %mul3A_533 : i32
        %add3A_535 = arith.constant 12 : i32
        %add3A_536 = arith.addi %mul3A_534, %add3A_535 : i32
        %add3A_537 = arith.constant 0 : i32
        %add3A_538 = arith.addi %squeeze3A_369, %add3A_537 : i32
        %get3A_539 = arith.index_cast %add3A_536 : i32 to index
        %get3A_540 = arith.index_cast %add3A_538 : i32 to index
        %get3A_541 = tpu.vector_load %arg12[%get3A_539, %get3A_540] {strides = array<i32>} : memref<320x128xf32, #tpu.memory_space<vmem>>, vector<1x16xf32>,
        %get3A_542 = vector.shape_cast %get3A_541 : vector<1x16xf32> to vector<16xf32>
        %add3A_543 = arith.addf %add3A_532, %get3A_542 : vector<16xf32>
        %mul3A_544 = arith.constant 20 : i32
        %mul3A_545 = arith.muli %scan3A_333, %mul3A_544 : i32
        %add3A_546 = arith.constant 13 : i32
        %add3A_547 = arith.addi %mul3A_545, %add3A_546 : i32
        %add3A_548 = arith.constant 0 : i32
        %add3A_549 = arith.addi %squeeze3A_371, %add3A_548 : i32
        %get3A_550 = arith.index_cast %add3A_547 : i32 to index
        %get3A_551 = arith.index_cast %add3A_549 : i32 to index
        %get3A_552 = tpu.vector_load %arg12[%get3A_550, %get3A_551] {strides = array<i32>} : memref<320x128xf32, #tpu.memory_space<vmem>>, vector<1x16xf32>,
        %get3A_553 = vector.shape_cast %get3A_552 : vector<1x16xf32> to vector<16xf32>
        %add3A_554 = arith.addf %add3A_543, %get3A_553 : vector<16xf32>
        %mul3A_555 = arith.constant 20 : i32
        %mul3A_556 = arith.muli %scan3A_333, %mul3A_555 : i32
        %add3A_557 = arith.constant 14 : i32
        %add3A_558 = arith.addi %mul3A_556, %add3A_557 : i32
        %add3A_559 = arith.constant 0 : i32
        %add3A_560 = arith.addi %squeeze3A_373, %add3A_559 : i32
        %get3A_561 = arith.index_cast %add3A_558 : i32 to index
        %get3A_562 = arith.index_cast %add3A_560 : i32 to index
        %get3A_563 = tpu.vector_load %arg12[%get3A_561, %get3A_562] {strides = array<i32>} : memref<320x128xf32, #tpu.memory_space<vmem>>, vector<1x16xf32>,
        %get3A_564 = vector.shape_cast %get3A_563 : vector<1x16xf32> to vector<16xf32>
        %add3A_565 = arith.addf %add3A_554, %get3A_564 : vector<16xf32>
        %mul3A_566 = arith.constant 20 : i32
        %mul3A_567 = arith.muli %scan3A_333, %mul3A_566 : i32
        %add3A_568 = arith.constant 15 : i32
        %add3A_569 = arith.addi %mul3A_567, %add3A_568 : i32
        %add3A_570 = arith.constant 0 : i32
        %add3A_571 = arith.addi %squeeze3A_375, %add3A_570 : i32
        %get3A_572 = arith.index_cast %add3A_569 : i32 to index
        %get3A_573 = arith.index_cast %add3A_571 : i32 to index
        %get3A_574 = tpu.vector_load %arg12[%get3A_572, %get3A_573] {strides = array<i32>} : memref<320x128xf32, #tpu.memory_space<vmem>>, vector<1x16xf32>,
        %get3A_575 = vector.shape_cast %get3A_574 : vector<1x16xf32> to vector<16xf32>
        %add3A_576 = arith.addf %add3A_565, %get3A_575 : vector<16xf32>
        %mul3A_577 = arith.constant 20 : i32
        %mul3A_578 = arith.muli %scan3A_333, %mul3A_577 : i32
        %add3A_579 = arith.constant 16 : i32
        %add3A_580 = arith.addi %mul3A_578, %add3A_579 : i32
        %add3A_581 = arith.constant 0 : i32
        %add3A_582 = arith.addi %squeeze3A_377, %add3A_581 : i32
        %get3A_583 = arith.index_cast %add3A_580 : i32 to index
        %get3A_584 = arith.index_cast %add3A_582 : i32 to index
        %get3A_585 = tpu.vector_load %arg12[%get3A_583, %get3A_584] {strides = array<i32>} : memref<320x128xf32, #tpu.memory_space<vmem>>, vector<1x16xf32>,
        %get3A_586 = vector.shape_cast %get3A_585 : vector<1x16xf32> to vector<16xf32>
        %add3A_587 = arith.addf %add3A_576, %get3A_586 : vector<16xf32>
        %mul3A_588 = arith.constant 20 : i32
        %mul3A_589 = arith.muli %scan3A_333, %mul3A_588 : i32
        %add3A_590 = arith.constant 17 : i32
        %add3A_591 = arith.addi %mul3A_589, %add3A_590 : i32
        %add3A_592 = arith.constant 0 : i32
        %add3A_593 = arith.addi %squeeze3A_379, %add3A_592 : i32
        %get3A_594 = arith.index_cast %add3A_591 : i32 to index
        %get3A_595 = arith.index_cast %add3A_593 : i32 to index
        %get3A_596 = tpu.vector_load %arg12[%get3A_594, %get3A_595] {strides = array<i32>} : memref<320x128xf32, #tpu.memory_space<vmem>>, vector<1x16xf32>,
        %get3A_597 = vector.shape_cast %get3A_596 : vector<1x16xf32> to vector<16xf32>
        %add3A_598 = arith.addf %add3A_587, %get3A_597 : vector<16xf32>
        %mul3A_599 = arith.constant 20 : i32
        %mul3A_600 = arith.muli %scan3A_333, %mul3A_599 : i32
        %add3A_601 = arith.constant 18 : i32
        %add3A_602 = arith.addi %mul3A_600, %add3A_601 : i32
        %add3A_603 = arith.constant 0 : i32
        %add3A_604 = arith.addi %squeeze3A_381, %add3A_603 : i32
        %get3A_605 = arith.index_cast %add3A_602 : i32 to index
        %get3A_606 = arith.index_cast %add3A_604 : i32 to index
        %get3A_607 = tpu.vector_load %arg12[%get3A_605, %get3A_606] {strides = array<i32>} : memref<320x128xf32, #tpu.memory_space<vmem>>, vector<1x16xf32>,
        %get3A_608 = vector.shape_cast %get3A_607 : vector<1x16xf32> to vector<16xf32>
        %add3A_609 = arith.addf %add3A_598, %get3A_608 : vector<16xf32>
        %mul3A_610 = arith.constant 20 : i32
        %mul3A_611 = arith.muli %scan3A_333, %mul3A_610 : i32
        %add3A_612 = arith.constant 19 : i32
        %add3A_613 = arith.addi %mul3A_611, %add3A_612 : i32
        %add3A_614 = arith.constant 0 : i32
        %add3A_615 = arith.addi %squeeze3A_383, %add3A_614 : i32
        %get3A_616 = arith.index_cast %add3A_613 : i32 to index
        %get3A_617 = arith.index_cast %add3A_615 : i32 to index
        %get3A_618 = tpu.vector_load %arg12[%get3A_616, %get3A_617] {strides = array<i32>} : memref<320x128xf32, #tpu.memory_space<vmem>>, vector<1x16xf32>,
        %get3A_619 = vector.shape_cast %get3A_618 : vector<1x16xf32> to vector<16xf32>
        %add3A_620 = arith.addf %add3A_609, %get3A_619 : vector<16xf32>
        %mul3A_621 = arith.constant 2.500000e-02 : f32
        %mul3A_622 = vector.broadcast %mul3A_621 : f32 to vector<16xf32>
        %mul3A_623 = arith.mulf %add3A_620, %mul3A_622 : vector<16xf32>
        %swap3A = arith.index_cast %scan3A_333 : i32 to index
        %swap3A_624 = arith.constant 0 : index
        %swap3A_625 = tpu.vector_load %arg16[%swap3A, %swap3A_624] {strides = array<i32>} : memref<16x64xf32, #tpu.memory_space<vmem>>, vector<1x16xf32>,
        %swap3A_626 = vector.shape_cast %swap3A_625 : vector<1x16xf32> to vector<16xf32>
        %swap3A_627 = vector.shape_cast %mul3A_623 : vector<16xf32> to vector<1x16xf32>
        tpu.vector_store %arg16[%swap3A, %swap3A_624], %swap3A_627 {strides = array<i32>} : memref<16x64xf32, #tpu.memory_space<vmem>>, vector<1x16xf32>,
        %add3A_628 = arith.constant 16 : i32
        %add3A_629 = arith.addi %squeeze3A_391, %add3A_628 : i32
        %get3A_630 = arith.index_cast %scan3A_333 : i32 to index
        %get3A_631 = arith.index_cast %add3A_629 : i32 to index
        %get3A_632 = tpu.vector_load %arg14[%get3A_630, %get3A_631] {strides = array<i32>} : memref<16x128xf32, #tpu.memory_space<vmem>>, vector<1x16xf32>,
        %get3A_633 = vector.shape_cast %get3A_632 : vector<1x16xf32> to vector<16xf32>
        %mul3A_634 = arith.constant 2.000000e+01 : f32
        %mul3A_635 = vector.broadcast %mul3A_634 : f32 to vector<16xf32>
        %mul3A_636 = arith.mulf %get3A_633, %mul3A_635 : vector<16xf32>
        %mul3A_637 = arith.constant 20 : i32
        %mul3A_638 = arith.muli %scan3A_333, %mul3A_637 : i32
        %add3A_639 = arith.constant 0 : i32
        %add3A_640 = arith.addi %mul3A_638, %add3A_639 : i32
        %add3A_641 = arith.constant 16 : i32
        %add3A_642 = arith.addi %squeeze3A, %add3A_641 : i32
        %get3A_643 = arith.index_cast %add3A_640 : i32 to index
        %get3A_644 = arith.index_cast %add3A_642 : i32 to index
        %get3A_645 = tpu.vector_load %arg12[%get3A_643, %get3A_644] {strides = array<i32>} : memref<320x128xf32, #tpu.memory_space<vmem>>, vector<1x16xf32>,
        %get3A_646 = vector.shape_cast %get3A_645 : vector<1x16xf32> to vector<16xf32>
        %add3A_647 = arith.addf %mul3A_636, %get3A_646 : vector<16xf32>
        %mul3A_648 = arith.constant 20 : i32
        %mul3A_649 = arith.muli %scan3A_333, %mul3A_648 : i32
        %add3A_650 = arith.constant 1 : i32
        %add3A_651 = arith.addi %mul3A_649, %add3A_650 : i32
        %add3A_652 = arith.constant 16 : i32
        %add3A_653 = arith.addi %squeeze3A_347, %add3A_652 : i32
        %get3A_654 = arith.index_cast %add3A_651 : i32 to index
        %get3A_655 = arith.index_cast %add3A_653 : i32 to index
        %get3A_656 = tpu.vector_load %arg12[%get3A_654, %get3A_655] {strides = array<i32>} : memref<320x128xf32, #tpu.memory_space<vmem>>, vector<1x16xf32>,
        %get3A_657 = vector.shape_cast %get3A_656 : vector<1x16xf32> to vector<16xf32>
        %add3A_658 = arith.addf %add3A_647, %get3A_657 : vector<16xf32>
        %mul3A_659 = arith.constant 20 : i32
        %mul3A_660 = arith.muli %scan3A_333, %mul3A_659 : i32
        %add3A_661 = arith.constant 2 : i32
        %add3A_662 = arith.addi %mul3A_660, %add3A_661 : i32
        %add3A_663 = arith.constant 16 : i32
        %add3A_664 = arith.addi %squeeze3A_349, %add3A_663 : i32
        %get3A_665 = arith.index_cast %add3A_662 : i32 to index
        %get3A_666 = arith.index_cast %add3A_664 : i32 to index
        %get3A_667 = tpu.vector_load %arg12[%get3A_665, %get3A_666] {strides = array<i32>} : memref<320x128xf32, #tpu.memory_space<vmem>>, vector<1x16xf32>,
        %get3A_668 = vector.shape_cast %get3A_667 : vector<1x16xf32> to vector<16xf32>
        %add3A_669 = arith.addf %add3A_658, %get3A_668 : vector<16xf32>
        %mul3A_670 = arith.constant 20 : i32
        %mul3A_671 = arith.muli %scan3A_333, %mul3A_670 : i32
        %add3A_672 = arith.constant 3 : i32
        %add3A_673 = arith.addi %mul3A_671, %add3A_672 : i32
        %add3A_674 = arith.constant 16 : i32
        %add3A_675 = arith.addi %squeeze3A_351, %add3A_674 : i32
        %get3A_676 = arith.index_cast %add3A_673 : i32 to index
        %get3A_677 = arith.index_cast %add3A_675 : i32 to index
        %get3A_678 = tpu.vector_load %arg12[%get3A_676, %get3A_677] {strides = array<i32>} : memref<320x128xf32, #tpu.memory_space<vmem>>, vector<1x16xf32>,
        %get3A_679 = vector.shape_cast %get3A_678 : vector<1x16xf32> to vector<16xf32>
        %add3A_680 = arith.addf %add3A_669, %get3A_679 : vector<16xf32>
        %mul3A_681 = arith.constant 20 : i32
        %mul3A_682 = arith.muli %scan3A_333, %mul3A_681 : i32
        %add3A_683 = arith.constant 4 : i32
        %add3A_684 = arith.addi %mul3A_682, %add3A_683 : i32
        %add3A_685 = arith.constant 16 : i32
        %add3A_686 = arith.addi %squeeze3A_353, %add3A_685 : i32
        %get3A_687 = arith.index_cast %add3A_684 : i32 to index
        %get3A_688 = arith.index_cast %add3A_686 : i32 to index
        %get3A_689 = tpu.vector_load %arg12[%get3A_687, %get3A_688] {strides = array<i32>} : memref<320x128xf32, #tpu.memory_space<vmem>>, vector<1x16xf32>,
        %get3A_690 = vector.shape_cast %get3A_689 : vector<1x16xf32> to vector<16xf32>
        %add3A_691 = arith.addf %add3A_680, %get3A_690 : vector<16xf32>
        %mul3A_692 = arith.constant 20 : i32
        %mul3A_693 = arith.muli %scan3A_333, %mul3A_692 : i32
        %add3A_694 = arith.constant 5 : i32
        %add3A_695 = arith.addi %mul3A_693, %add3A_694 : i32
        %add3A_696 = arith.constant 16 : i32
        %add3A_697 = arith.addi %squeeze3A_355, %add3A_696 : i32
        %get3A_698 = arith.index_cast %add3A_695 : i32 to index
        %get3A_699 = arith.index_cast %add3A_697 : i32 to index
        %get3A_700 = tpu.vector_load %arg12[%get3A_698, %get3A_699] {strides = array<i32>} : memref<320x128xf32, #tpu.memory_space<vmem>>, vector<1x16xf32>,
        %get3A_701 = vector.shape_cast %get3A_700 : vector<1x16xf32> to vector<16xf32>
        %add3A_702 = arith.addf %add3A_691, %get3A_701 : vector<16xf32>
        %mul3A_703 = arith.constant 20 : i32
        %mul3A_704 = arith.muli %scan3A_333, %mul3A_703 : i32
        %add3A_705 = arith.constant 6 : i32
        %add3A_706 = arith.addi %mul3A_704, %add3A_705 : i32
        %add3A_707 = arith.constant 16 : i32
        %add3A_708 = arith.addi %squeeze3A_357, %add3A_707 : i32
        %get3A_709 = arith.index_cast %add3A_706 : i32 to index
        %get3A_710 = arith.index_cast %add3A_708 : i32 to index
        %get3A_711 = tpu.vector_load %arg12[%get3A_709, %get3A_710] {strides = array<i32>} : memref<320x128xf32, #tpu.memory_space<vmem>>, vector<1x16xf32>,
        %get3A_712 = vector.shape_cast %get3A_711 : vector<1x16xf32> to vector<16xf32>
        %add3A_713 = arith.addf %add3A_702, %get3A_712 : vector<16xf32>
        %mul3A_714 = arith.constant 20 : i32
        %mul3A_715 = arith.muli %scan3A_333, %mul3A_714 : i32
        %add3A_716 = arith.constant 7 : i32
        %add3A_717 = arith.addi %mul3A_715, %add3A_716 : i32
        %add3A_718 = arith.constant 16 : i32
        %add3A_719 = arith.addi %squeeze3A_359, %add3A_718 : i32
        %get3A_720 = arith.index_cast %add3A_717 : i32 to index
        %get3A_721 = arith.index_cast %add3A_719 : i32 to index
        %get3A_722 = tpu.vector_load %arg12[%get3A_720, %get3A_721] {strides = array<i32>} : memref<320x128xf32, #tpu.memory_space<vmem>>, vector<1x16xf32>,
        %get3A_723 = vector.shape_cast %get3A_722 : vector<1x16xf32> to vector<16xf32>
        %add3A_724 = arith.addf %add3A_713, %get3A_723 : vector<16xf32>
        %mul3A_725 = arith.constant 20 : i32
        %mul3A_726 = arith.muli %scan3A_333, %mul3A_725 : i32
        %add3A_727 = arith.constant 8 : i32
        %add3A_728 = arith.addi %mul3A_726, %add3A_727 : i32
        %add3A_729 = arith.constant 16 : i32
        %add3A_730 = arith.addi %squeeze3A_361, %add3A_729 : i32
        %get3A_731 = arith.index_cast %add3A_728 : i32 to index
        %get3A_732 = arith.index_cast %add3A_730 : i32 to index
        %get3A_733 = tpu.vector_load %arg12[%get3A_731, %get3A_732] {strides = array<i32>} : memref<320x128xf32, #tpu.memory_space<vmem>>, vector<1x16xf32>,
        %get3A_734 = vector.shape_cast %get3A_733 : vector<1x16xf32> to vector<16xf32>
        %add3A_735 = arith.addf %add3A_724, %get3A_734 : vector<16xf32>
        %mul3A_736 = arith.constant 20 : i32
        %mul3A_737 = arith.muli %scan3A_333, %mul3A_736 : i32
        %add3A_738 = arith.constant 9 : i32
        %add3A_739 = arith.addi %mul3A_737, %add3A_738 : i32
        %add3A_740 = arith.constant 16 : i32
        %add3A_741 = arith.addi %squeeze3A_363, %add3A_740 : i32
        %get3A_742 = arith.index_cast %add3A_739 : i32 to index
        %get3A_743 = arith.index_cast %add3A_741 : i32 to index
        %get3A_744 = tpu.vector_load %arg12[%get3A_742, %get3A_743] {strides = array<i32>} : memref<320x128xf32, #tpu.memory_space<vmem>>, vector<1x16xf32>,
        %get3A_745 = vector.shape_cast %get3A_744 : vector<1x16xf32> to vector<16xf32>
        %add3A_746 = arith.addf %add3A_735, %get3A_745 : vector<16xf32>
        %mul3A_747 = arith.constant 20 : i32
        %mul3A_748 = arith.muli %scan3A_333, %mul3A_747 : i32
        %add3A_749 = arith.constant 10 : i32
        %add3A_750 = arith.addi %mul3A_748, %add3A_749 : i32
        %add3A_751 = arith.constant 16 : i32
        %add3A_752 = arith.addi %squeeze3A_365, %add3A_751 : i32
        %get3A_753 = arith.index_cast %add3A_750 : i32 to index
        %get3A_754 = arith.index_cast %add3A_752 : i32 to index
        %get3A_755 = tpu.vector_load %arg12[%get3A_753, %get3A_754] {strides = array<i32>} : memref<320x128xf32, #tpu.memory_space<vmem>>, vector<1x16xf32>,
        %get3A_756 = vector.shape_cast %get3A_755 : vector<1x16xf32> to vector<16xf32>
        %add3A_757 = arith.addf %add3A_746, %get3A_756 : vector<16xf32>
        %mul3A_758 = arith.constant 20 : i32
        %mul3A_759 = arith.muli %scan3A_333, %mul3A_758 : i32
        %add3A_760 = arith.constant 11 : i32
        %add3A_761 = arith.addi %mul3A_759, %add3A_760 : i32
        %add3A_762 = arith.constant 16 : i32
        %add3A_763 = arith.addi %squeeze3A_367, %add3A_762 : i32
        %get3A_764 = arith.index_cast %add3A_761 : i32 to index
        %get3A_765 = arith.index_cast %add3A_763 : i32 to index
        %get3A_766 = tpu.vector_load %arg12[%get3A_764, %get3A_765] {strides = array<i32>} : memref<320x128xf32, #tpu.memory_space<vmem>>, vector<1x16xf32>,
        %get3A_767 = vector.shape_cast %get3A_766 : vector<1x16xf32> to vector<16xf32>
        %add3A_768 = arith.addf %add3A_757, %get3A_767 : vector<16xf32>
        %mul3A_769 = arith.constant 20 : i32
        %mul3A_770 = arith.muli %scan3A_333, %mul3A_769 : i32
        %add3A_771 = arith.constant 12 : i32
        %add3A_772 = arith.addi %mul3A_770, %add3A_771 : i32
        %add3A_773 = arith.constant 16 : i32
        %add3A_774 = arith.addi %squeeze3A_369, %add3A_773 : i32
        %get3A_775 = arith.index_cast %add3A_772 : i32 to index
        %get3A_776 = arith.index_cast %add3A_774 : i32 to index
        %get3A_777 = tpu.vector_load %arg12[%get3A_775, %get3A_776] {strides = array<i32>} : memref<320x128xf32, #tpu.memory_space<vmem>>, vector<1x16xf32>,
        %get3A_778 = vector.shape_cast %get3A_777 : vector<1x16xf32> to vector<16xf32>
        %add3A_779 = arith.addf %add3A_768, %get3A_778 : vector<16xf32>
        %mul3A_780 = arith.constant 20 : i32
        %mul3A_781 = arith.muli %scan3A_333, %mul3A_780 : i32
        %add3A_782 = arith.constant 13 : i32
        %add3A_783 = arith.addi %mul3A_781, %add3A_782 : i32
        %add3A_784 = arith.constant 16 : i32
        %add3A_785 = arith.addi %squeeze3A_371, %add3A_784 : i32
        %get3A_786 = arith.index_cast %add3A_783 : i32 to index
        %get3A_787 = arith.index_cast %add3A_785 : i32 to index
        %get3A_788 = tpu.vector_load %arg12[%get3A_786, %get3A_787] {strides = array<i32>} : memref<320x128xf32, #tpu.memory_space<vmem>>, vector<1x16xf32>,
        %get3A_789 = vector.shape_cast %get3A_788 : vector<1x16xf32> to vector<16xf32>
        %add3A_790 = arith.addf %add3A_779, %get3A_789 : vector<16xf32>
        %mul3A_791 = arith.constant 20 : i32
        %mul3A_792 = arith.muli %scan3A_333, %mul3A_791 : i32
        %add3A_793 = arith.constant 14 : i32
        %add3A_794 = arith.addi %mul3A_792, %add3A_793 : i32
        %add3A_795 = arith.constant 16 : i32
        %add3A_796 = arith.addi %squeeze3A_373, %add3A_795 : i32
        %get3A_797 = arith.index_cast %add3A_794 : i32 to index
        %get3A_798 = arith.index_cast %add3A_796 : i32 to index
        %get3A_799 = tpu.vector_load %arg12[%get3A_797, %get3A_798] {strides = array<i32>} : memref<320x128xf32, #tpu.memory_space<vmem>>, vector<1x16xf32>,
        %get3A_800 = vector.shape_cast %get3A_799 : vector<1x16xf32> to vector<16xf32>
        %add3A_801 = arith.addf %add3A_790, %get3A_800 : vector<16xf32>
        %mul3A_802 = arith.constant 20 : i32
        %mul3A_803 = arith.muli %scan3A_333, %mul3A_802 : i32
        %add3A_804 = arith.constant 15 : i32
        %add3A_805 = arith.addi %mul3A_803, %add3A_804 : i32
        %add3A_806 = arith.constant 16 : i32
        %add3A_807 = arith.addi %squeeze3A_375, %add3A_806 : i32
        %get3A_808 = arith.index_cast %add3A_805 : i32 to index
        %get3A_809 = arith.index_cast %add3A_807 : i32 to index
        %get3A_810 = tpu.vector_load %arg12[%get3A_808, %get3A_809] {strides = array<i32>} : memref<320x128xf32, #tpu.memory_space<vmem>>, vector<1x16xf32>,
        %get3A_811 = vector.shape_cast %get3A_810 : vector<1x16xf32> to vector<16xf32>
        %add3A_812 = arith.addf %add3A_801, %get3A_811 : vector<16xf32>
        %mul3A_813 = arith.constant 20 : i32
        %mul3A_814 = arith.muli %scan3A_333, %mul3A_813 : i32
        %add3A_815 = arith.constant 16 : i32
        %add3A_816 = arith.addi %mul3A_814, %add3A_815 : i32
        %add3A_817 = arith.constant 16 : i32
        %add3A_818 = arith.addi %squeeze3A_377, %add3A_817 : i32
        %get3A_819 = arith.index_cast %add3A_816 : i32 to index
        %get3A_820 = arith.index_cast %add3A_818 : i32 to index
        %get3A_821 = tpu.vector_load %arg12[%get3A_819, %get3A_820] {strides = array<i32>} : memref<320x128xf32, #tpu.memory_space<vmem>>, vector<1x16xf32>,
        %get3A_822 = vector.shape_cast %get3A_821 : vector<1x16xf32> to vector<16xf32>
        %add3A_823 = arith.addf %add3A_812, %get3A_822 : vector<16xf32>
        %mul3A_824 = arith.constant 20 : i32
        %mul3A_825 = arith.muli %scan3A_333, %mul3A_824 : i32
        %add3A_826 = arith.constant 17 : i32
        %add3A_827 = arith.addi %mul3A_825, %add3A_826 : i32
        %add3A_828 = arith.constant 16 : i32
        %add3A_829 = arith.addi %squeeze3A_379, %add3A_828 : i32
        %get3A_830 = arith.index_cast %add3A_827 : i32 to index
        %get3A_831 = arith.index_cast %add3A_829 : i32 to index
        %get3A_832 = tpu.vector_load %arg12[%get3A_830, %get3A_831] {strides = array<i32>} : memref<320x128xf32, #tpu.memory_space<vmem>>, vector<1x16xf32>,
        %get3A_833 = vector.shape_cast %get3A_832 : vector<1x16xf32> to vector<16xf32>
        %add3A_834 = arith.addf %add3A_823, %get3A_833 : vector<16xf32>
        %mul3A_835 = arith.constant 20 : i32
        %mul3A_836 = arith.muli %scan3A_333, %mul3A_835 : i32
        %add3A_837 = arith.constant 18 : i32
        %add3A_838 = arith.addi %mul3A_836, %add3A_837 : i32
        %add3A_839 = arith.constant 16 : i32
        %add3A_840 = arith.addi %squeeze3A_381, %add3A_839 : i32
        %get3A_841 = arith.index_cast %add3A_838 : i32 to index
        %get3A_842 = arith.index_cast %add3A_840 : i32 to index
        %get3A_843 = tpu.vector_load %arg12[%get3A_841, %get3A_842] {strides = array<i32>} : memref<320x128xf32, #tpu.memory_space<vmem>>, vector<1x16xf32>,
        %get3A_844 = vector.shape_cast %get3A_843 : vector<1x16xf32> to vector<16xf32>
        %add3A_845 = arith.addf %add3A_834, %get3A_844 : vector<16xf32>
        %mul3A_846 = arith.constant 20 : i32
        %mul3A_847 = arith.muli %scan3A_333, %mul3A_846 : i32
        %add3A_848 = arith.constant 19 : i32
        %add3A_849 = arith.addi %mul3A_847, %add3A_848 : i32
        %add3A_850 = arith.constant 16 : i32
        %add3A_851 = arith.addi %squeeze3A_383, %add3A_850 : i32
        %get3A_852 = arith.index_cast %add3A_849 : i32 to index
        %get3A_853 = arith.index_cast %add3A_851 : i32 to index
        %get3A_854 = tpu.vector_load %arg12[%get3A_852, %get3A_853] {strides = array<i32>} : memref<320x128xf32, #tpu.memory_space<vmem>>, vector<1x16xf32>,
        %get3A_855 = vector.shape_cast %get3A_854 : vector<1x16xf32> to vector<16xf32>
        %add3A_856 = arith.addf %add3A_845, %get3A_855 : vector<16xf32>
        %mul3A_857 = arith.constant 2.500000e-02 : f32
        %mul3A_858 = vector.broadcast %mul3A_857 : f32 to vector<16xf32>
        %mul3A_859 = arith.mulf %add3A_856, %mul3A_858 : vector<16xf32>
        %swap3A_860 = arith.index_cast %scan3A_333 : i32 to index
        %swap3A_861 = arith.constant 16 : index
        %swap3A_862 = tpu.vector_load %arg16[%swap3A_860, %swap3A_861] {strides = array<i32>} : memref<16x64xf32, #tpu.memory_space<vmem>>, vector<1x16xf32>,
        %swap3A_863 = vector.shape_cast %swap3A_862 : vector<1x16xf32> to vector<16xf32>
        %swap3A_864 = vector.shape_cast %mul3A_859 : vector<16xf32> to vector<1x16xf32>
        tpu.vector_store %arg16[%swap3A_860, %swap3A_861], %swap3A_864 {strides = array<i32>} : memref<16x64xf32, #tpu.memory_space<vmem>>, vector<1x16xf32>,
        %add3A_865 = arith.constant 32 : i32
        %add3A_866 = arith.addi %squeeze3A_391, %add3A_865 : i32
        %get3A_867 = arith.index_cast %scan3A_333 : i32 to index
        %get3A_868 = arith.index_cast %add3A_866 : i32 to index
        %get3A_869 = tpu.vector_load %arg14[%get3A_867, %get3A_868] {strides = array<i32>} : memref<16x128xf32, #tpu.memory_space<vmem>>, vector<1x16xf32>,
        %get3A_870 = vector.shape_cast %get3A_869 : vector<1x16xf32> to vector<16xf32>
        %mul3A_871 = arith.constant 2.000000e+01 : f32
        %mul3A_872 = vector.broadcast %mul3A_871 : f32 to vector<16xf32>
        %mul3A_873 = arith.mulf %get3A_870, %mul3A_872 : vector<16xf32>
        %mul3A_874 = arith.constant 20 : i32
        %mul3A_875 = arith.muli %scan3A_333, %mul3A_874 : i32
        %add3A_876 = arith.constant 0 : i32
        %add3A_877 = arith.addi %mul3A_875, %add3A_876 : i32
        %add3A_878 = arith.constant 32 : i32
        %add3A_879 = arith.addi %squeeze3A, %add3A_878 : i32
        %get3A_880 = arith.index_cast %add3A_877 : i32 to index
        %get3A_881 = arith.index_cast %add3A_879 : i32 to index
        %get3A_882 = tpu.vector_load %arg12[%get3A_880, %get3A_881] {strides = array<i32>} : memref<320x128xf32, #tpu.memory_space<vmem>>, vector<1x16xf32>,
        %get3A_883 = vector.shape_cast %get3A_882 : vector<1x16xf32> to vector<16xf32>
        %add3A_884 = arith.addf %mul3A_873, %get3A_883 : vector<16xf32>
        %mul3A_885 = arith.constant 20 : i32
        %mul3A_886 = arith.muli %scan3A_333, %mul3A_885 : i32
        %add3A_887 = arith.constant 1 : i32
        %add3A_888 = arith.addi %mul3A_886, %add3A_887 : i32
        %add3A_889 = arith.constant 32 : i32
        %add3A_890 = arith.addi %squeeze3A_347, %add3A_889 : i32
        %get3A_891 = arith.index_cast %add3A_888 : i32 to index
        %get3A_892 = arith.index_cast %add3A_890 : i32 to index
        %get3A_893 = tpu.vector_load %arg12[%get3A_891, %get3A_892] {strides = array<i32>} : memref<320x128xf32, #tpu.memory_space<vmem>>, vector<1x16xf32>,
        %get3A_894 = vector.shape_cast %get3A_893 : vector<1x16xf32> to vector<16xf32>
        %add3A_895 = arith.addf %add3A_884, %get3A_894 : vector<16xf32>
        %mul3A_896 = arith.constant 20 : i32
        %mul3A_897 = arith.muli %scan3A_333, %mul3A_896 : i32
        %add3A_898 = arith.constant 2 : i32
        %add3A_899 = arith.addi %mul3A_897, %add3A_898 : i32
        %add3A_900 = arith.constant 32 : i32
        %add3A_901 = arith.addi %squeeze3A_349, %add3A_900 : i32
        %get3A_902 = arith.index_cast %add3A_899 : i32 to index
        %get3A_903 = arith.index_cast %add3A_901 : i32 to index
        %get3A_904 = tpu.vector_load %arg12[%get3A_902, %get3A_903] {strides = array<i32>} : memref<320x128xf32, #tpu.memory_space<vmem>>, vector<1x16xf32>,
        %get3A_905 = vector.shape_cast %get3A_904 : vector<1x16xf32> to vector<16xf32>
        %add3A_906 = arith.addf %add3A_895, %get3A_905 : vector<16xf32>
        %mul3A_907 = arith.constant 20 : i32
        %mul3A_908 = arith.muli %scan3A_333, %mul3A_907 : i32
        %add3A_909 = arith.constant 3 : i32
        %add3A_910 = arith.addi %mul3A_908, %add3A_909 : i32
        %add3A_911 = arith.constant 32 : i32
        %add3A_912 = arith.addi %squeeze3A_351, %add3A_911 : i32
        %get3A_913 = arith.index_cast %add3A_910 : i32 to index
        %get3A_914 = arith.index_cast %add3A_912 : i32 to index
        %get3A_915 = tpu.vector_load %arg12[%get3A_913, %get3A_914] {strides = array<i32>} : memref<320x128xf32, #tpu.memory_space<vmem>>, vector<1x16xf32>,
        %get3A_916 = vector.shape_cast %get3A_915 : vector<1x16xf32> to vector<16xf32>
        %add3A_917 = arith.addf %add3A_906, %get3A_916 : vector<16xf32>
        %mul3A_918 = arith.constant 20 : i32
        %mul3A_919 = arith.muli %scan3A_333, %mul3A_918 : i32
        %add3A_920 = arith.constant 4 : i32
        %add3A_921 = arith.addi %mul3A_919, %add3A_920 : i32
        %add3A_922 = arith.constant 32 : i32
        %add3A_923 = arith.addi %squeeze3A_353, %add3A_922 : i32
        %get3A_924 = arith.index_cast %add3A_921 : i32 to index
        %get3A_925 = arith.index_cast %add3A_923 : i32 to index
        %get3A_926 = tpu.vector_load %arg12[%get3A_924, %get3A_925] {strides = array<i32>} : memref<320x128xf32, #tpu.memory_space<vmem>>, vector<1x16xf32>,
        %get3A_927 = vector.shape_cast %get3A_926 : vector<1x16xf32> to vector<16xf32>
        %add3A_928 = arith.addf %add3A_917, %get3A_927 : vector<16xf32>
        %mul3A_929 = arith.constant 20 : i32
        %mul3A_930 = arith.muli %scan3A_333, %mul3A_929 : i32
        %add3A_931 = arith.constant 5 : i32
        %add3A_932 = arith.addi %mul3A_930, %add3A_931 : i32
        %add3A_933 = arith.constant 32 : i32
        %add3A_934 = arith.addi %squeeze3A_355, %add3A_933 : i32
        %get3A_935 = arith.index_cast %add3A_932 : i32 to index
        %get3A_936 = arith.index_cast %add3A_934 : i32 to index
        %get3A_937 = tpu.vector_load %arg12[%get3A_935, %get3A_936] {strides = array<i32>} : memref<320x128xf32, #tpu.memory_space<vmem>>, vector<1x16xf32>,
        %get3A_938 = vector.shape_cast %get3A_937 : vector<1x16xf32> to vector<16xf32>
        %add3A_939 = arith.addf %add3A_928, %get3A_938 : vector<16xf32>
        %mul3A_940 = arith.constant 20 : i32
        %mul3A_941 = arith.muli %scan3A_333, %mul3A_940 : i32
        %add3A_942 = arith.constant 6 : i32
        %add3A_943 = arith.addi %mul3A_941, %add3A_942 : i32
        %add3A_944 = arith.constant 32 : i32
        %add3A_945 = arith.addi %squeeze3A_357, %add3A_944 : i32
        %get3A_946 = arith.index_cast %add3A_943 : i32 to index
        %get3A_947 = arith.index_cast %add3A_945 : i32 to index
        %get3A_948 = tpu.vector_load %arg12[%get3A_946, %get3A_947] {strides = array<i32>} : memref<320x128xf32, #tpu.memory_space<vmem>>, vector<1x16xf32>,
        %get3A_949 = vector.shape_cast %get3A_948 : vector<1x16xf32> to vector<16xf32>
        %add3A_950 = arith.addf %add3A_939, %get3A_949 : vector<16xf32>
        %mul3A_951 = arith.constant 20 : i32
        %mul3A_952 = arith.muli %scan3A_333, %mul3A_951 : i32
        %add3A_953 = arith.constant 7 : i32
        %add3A_954 = arith.addi %mul3A_952, %add3A_953 : i32
        %add3A_955 = arith.constant 32 : i32
        %add3A_956 = arith.addi %squeeze3A_359, %add3A_955 : i32
        %get3A_957 = arith.index_cast %add3A_954 : i32 to index
        %get3A_958 = arith.index_cast %add3A_956 : i32 to index
        %get3A_959 = tpu.vector_load %arg12[%get3A_957, %get3A_958] {strides = array<i32>} : memref<320x128xf32, #tpu.memory_space<vmem>>, vector<1x16xf32>,
        %get3A_960 = vector.shape_cast %get3A_959 : vector<1x16xf32> to vector<16xf32>
        %add3A_961 = arith.addf %add3A_950, %get3A_960 : vector<16xf32>
        %mul3A_962 = arith.constant 20 : i32
        %mul3A_963 = arith.muli %scan3A_333, %mul3A_962 : i32
        %add3A_964 = arith.constant 8 : i32
        %add3A_965 = arith.addi %mul3A_963, %add3A_964 : i32
        %add3A_966 = arith.constant 32 : i32
        %add3A_967 = arith.addi %squeeze3A_361, %add3A_966 : i32
        %get3A_968 = arith.index_cast %add3A_965 : i32 to index
        %get3A_969 = arith.index_cast %add3A_967 : i32 to index
        %get3A_970 = tpu.vector_load %arg12[%get3A_968, %get3A_969] {strides = array<i32>} : memref<320x128xf32, #tpu.memory_space<vmem>>, vector<1x16xf32>,
        %get3A_971 = vector.shape_cast %get3A_970 : vector<1x16xf32> to vector<16xf32>
        %add3A_972 = arith.addf %add3A_961, %get3A_971 : vector<16xf32>
        %mul3A_973 = arith.constant 20 : i32
        %mul3A_974 = arith.muli %scan3A_333, %mul3A_973 : i32
        %add3A_975 = arith.constant 9 : i32
        %add3A_976 = arith.addi %mul3A_974, %add3A_975 : i32
        %add3A_977 = arith.constant 32 : i32
        %add3A_978 = arith.addi %squeeze3A_363, %add3A_977 : i32
        %get3A_979 = arith.index_cast %add3A_976 : i32 to index
        %get3A_980 = arith.index_cast %add3A_978 : i32 to index
        %get3A_981 = tpu.vector_load %arg12[%get3A_979, %get3A_980] {strides = array<i32>} : memref<320x128xf32, #tpu.memory_space<vmem>>, vector<1x16xf32>,
        %get3A_982 = vector.shape_cast %get3A_981 : vector<1x16xf32> to vector<16xf32>
        %add3A_983 = arith.addf %add3A_972, %get3A_982 : vector<16xf32>
        %mul3A_984 = arith.constant 20 : i32
        %mul3A_985 = arith.muli %scan3A_333, %mul3A_984 : i32
        %add3A_986 = arith.constant 10 : i32
        %add3A_987 = arith.addi %mul3A_985, %add3A_986 : i32
        %add3A_988 = arith.constant 32 : i32
        %add3A_989 = arith.addi %squeeze3A_365, %add3A_988 : i32
        %get3A_990 = arith.index_cast %add3A_987 : i32 to index
        %get3A_991 = arith.index_cast %add3A_989 : i32 to index
        %get3A_992 = tpu.vector_load %arg12[%get3A_990, %get3A_991] {strides = array<i32>} : memref<320x128xf32, #tpu.memory_space<vmem>>, vector<1x16xf32>,
        %get3A_993 = vector.shape_cast %get3A_992 : vector<1x16xf32> to vector<16xf32>
        %add3A_994 = arith.addf %add3A_983, %get3A_993 : vector<16xf32>
        %mul3A_995 = arith.constant 20 : i32
        %mul3A_996 = arith.muli %scan3A_333, %mul3A_995 : i32
        %add3A_997 = arith.constant 11 : i32
        %add3A_998 = arith.addi %mul3A_996, %add3A_997 : i32
        %add3A_999 = arith.constant 32 : i32
        %add3A_1000 = arith.addi %squeeze3A_367, %add3A_999 : i32
        %get3A_1001 = arith.index_cast %add3A_998 : i32 to index
        %get3A_1002 = arith.index_cast %add3A_1000 : i32 to index
        %get3A_1003 = tpu.vector_load %arg12[%get3A_1001, %get3A_1002] {strides = array<i32>} : memref<320x128xf32, #tpu.memory_space<vmem>>, vector<1x16xf32>,
        %get3A_1004 = vector.shape_cast %get3A_1003 : vector<1x16xf32> to vector<16xf32>
        %add3A_1005 = arith.addf %add3A_994, %get3A_1004 : vector<16xf32>
        %mul3A_1006 = arith.constant 20 : i32
        %mul3A_1007 = arith.muli %scan3A_333, %mul3A_1006 : i32
        %add3A_1008 = arith.constant 12 : i32
        %add3A_1009 = arith.addi %mul3A_1007, %add3A_1008 : i32
        %add3A_1010 = arith.constant 32 : i32
        %add3A_1011 = arith.addi %squeeze3A_369, %add3A_1010 : i32
        %get3A_1012 = arith.index_cast %add3A_1009 : i32 to index
        %get3A_1013 = arith.index_cast %add3A_1011 : i32 to index
        %get3A_1014 = tpu.vector_load %arg12[%get3A_1012, %get3A_1013] {strides = array<i32>} : memref<320x128xf32, #tpu.memory_space<vmem>>, vector<1x16xf32>,
        %get3A_1015 = vector.shape_cast %get3A_1014 : vector<1x16xf32> to vector<16xf32>
        %add3A_1016 = arith.addf %add3A_1005, %get3A_1015 : vector<16xf32>
        %mul3A_1017 = arith.constant 20 : i32
        %mul3A_1018 = arith.muli %scan3A_333, %mul3A_1017 : i32
        %add3A_1019 = arith.constant 13 : i32
        %add3A_1020 = arith.addi %mul3A_1018, %add3A_1019 : i32
        %add3A_1021 = arith.constant 32 : i32
        %add3A_1022 = arith.addi %squeeze3A_371, %add3A_1021 : i32
        %get3A_1023 = arith.index_cast %add3A_1020 : i32 to index
        %get3A_1024 = arith.index_cast %add3A_1022 : i32 to index
        %get3A_1025 = tpu.vector_load %arg12[%get3A_1023, %get3A_1024] {strides = array<i32>} : memref<320x128xf32, #tpu.memory_space<vmem>>, vector<1x16xf32>,
        %get3A_1026 = vector.shape_cast %get3A_1025 : vector<1x16xf32> to vector<16xf32>
        %add3A_1027 = arith.addf %add3A_1016, %get3A_1026 : vector<16xf32>
        %mul3A_1028 = arith.constant 20 : i32
        %mul3A_1029 = arith.muli %scan3A_333, %mul3A_1028 : i32
        %add3A_1030 = arith.constant 14 : i32
        %add3A_1031 = arith.addi %mul3A_1029, %add3A_1030 : i32
        %add3A_1032 = arith.constant 32 : i32
        %add3A_1033 = arith.addi %squeeze3A_373, %add3A_1032 : i32
        %get3A_1034 = arith.index_cast %add3A_1031 : i32 to index
        %get3A_1035 = arith.index_cast %add3A_1033 : i32 to index
        %get3A_1036 = tpu.vector_load %arg12[%get3A_1034, %get3A_1035] {strides = array<i32>} : memref<320x128xf32, #tpu.memory_space<vmem>>, vector<1x16xf32>,
        %get3A_1037 = vector.shape_cast %get3A_1036 : vector<1x16xf32> to vector<16xf32>
        %add3A_1038 = arith.addf %add3A_1027, %get3A_1037 : vector<16xf32>
        %mul3A_1039 = arith.constant 20 : i32
        %mul3A_1040 = arith.muli %scan3A_333, %mul3A_1039 : i32
        %add3A_1041 = arith.constant 15 : i32
        %add3A_1042 = arith.addi %mul3A_1040, %add3A_1041 : i32
        %add3A_1043 = arith.constant 32 : i32
        %add3A_1044 = arith.addi %squeeze3A_375, %add3A_1043 : i32
        %get3A_1045 = arith.index_cast %add3A_1042 : i32 to index
        %get3A_1046 = arith.index_cast %add3A_1044 : i32 to index
        %get3A_1047 = tpu.vector_load %arg12[%get3A_1045, %get3A_1046] {strides = array<i32>} : memref<320x128xf32, #tpu.memory_space<vmem>>, vector<1x16xf32>,
        %get3A_1048 = vector.shape_cast %get3A_1047 : vector<1x16xf32> to vector<16xf32>
        %add3A_1049 = arith.addf %add3A_1038, %get3A_1048 : vector<16xf32>
        %mul3A_1050 = arith.constant 20 : i32
        %mul3A_1051 = arith.muli %scan3A_333, %mul3A_1050 : i32
        %add3A_1052 = arith.constant 16 : i32
        %add3A_1053 = arith.addi %mul3A_1051, %add3A_1052 : i32
        %add3A_1054 = arith.constant 32 : i32
        %add3A_1055 = arith.addi %squeeze3A_377, %add3A_1054 : i32
        %get3A_1056 = arith.index_cast %add3A_1053 : i32 to index
        %get3A_1057 = arith.index_cast %add3A_1055 : i32 to index
        %get3A_1058 = tpu.vector_load %arg12[%get3A_1056, %get3A_1057] {strides = array<i32>} : memref<320x128xf32, #tpu.memory_space<vmem>>, vector<1x16xf32>,
        %get3A_1059 = vector.shape_cast %get3A_1058 : vector<1x16xf32> to vector<16xf32>
        %add3A_1060 = arith.addf %add3A_1049, %get3A_1059 : vector<16xf32>
        %mul3A_1061 = arith.constant 20 : i32
        %mul3A_1062 = arith.muli %scan3A_333, %mul3A_1061 : i32
        %add3A_1063 = arith.constant 17 : i32
        %add3A_1064 = arith.addi %mul3A_1062, %add3A_1063 : i32
        %add3A_1065 = arith.constant 32 : i32
        %add3A_1066 = arith.addi %squeeze3A_379, %add3A_1065 : i32
        %get3A_1067 = arith.index_cast %add3A_1064 : i32 to index
        %get3A_1068 = arith.index_cast %add3A_1066 : i32 to index
        %get3A_1069 = tpu.vector_load %arg12[%get3A_1067, %get3A_1068] {strides = array<i32>} : memref<320x128xf32, #tpu.memory_space<vmem>>, vector<1x16xf32>,
        %get3A_1070 = vector.shape_cast %get3A_1069 : vector<1x16xf32> to vector<16xf32>
        %add3A_1071 = arith.addf %add3A_1060, %get3A_1070 : vector<16xf32>
        %mul3A_1072 = arith.constant 20 : i32
        %mul3A_1073 = arith.muli %scan3A_333, %mul3A_1072 : i32
        %add3A_1074 = arith.constant 18 : i32
        %add3A_1075 = arith.addi %mul3A_1073, %add3A_1074 : i32
        %add3A_1076 = arith.constant 32 : i32
        %add3A_1077 = arith.addi %squeeze3A_381, %add3A_1076 : i32
        %get3A_1078 = arith.index_cast %add3A_1075 : i32 to index
        %get3A_1079 = arith.index_cast %add3A_1077 : i32 to index
        %get3A_1080 = tpu.vector_load %arg12[%get3A_1078, %get3A_1079] {strides = array<i32>} : memref<320x128xf32, #tpu.memory_space<vmem>>, vector<1x16xf32>,
        %get3A_1081 = vector.shape_cast %get3A_1080 : vector<1x16xf32> to vector<16xf32>
        %add3A_1082 = arith.addf %add3A_1071, %get3A_1081 : vector<16xf32>
        %mul3A_1083 = arith.constant 20 : i32
        %mul3A_1084 = arith.muli %scan3A_333, %mul3A_1083 : i32
        %add3A_1085 = arith.constant 19 : i32
        %add3A_1086 = arith.addi %mul3A_1084, %add3A_1085 : i32
        %add3A_1087 = arith.constant 32 : i32
        %add3A_1088 = arith.addi %squeeze3A_383, %add3A_1087 : i32
        %get3A_1089 = arith.index_cast %add3A_1086 : i32 to index
        %get3A_1090 = arith.index_cast %add3A_1088 : i32 to index
        %get3A_1091 = tpu.vector_load %arg12[%get3A_1089, %get3A_1090] {strides = array<i32>} : memref<320x128xf32, #tpu.memory_space<vmem>>, vector<1x16xf32>,
        %get3A_1092 = vector.shape_cast %get3A_1091 : vector<1x16xf32> to vector<16xf32>
        %add3A_1093 = arith.addf %add3A_1082, %get3A_1092 : vector<16xf32>
        %mul3A_1094 = arith.constant 2.500000e-02 : f32
        %mul3A_1095 = vector.broadcast %mul3A_1094 : f32 to vector<16xf32>
        %mul3A_1096 = arith.mulf %add3A_1093, %mul3A_1095 : vector<16xf32>
        %swap3A_1097 = arith.index_cast %scan3A_333 : i32 to index
        %swap3A_1098 = arith.constant 32 : index
        %swap3A_1099 = tpu.vector_load %arg16[%swap3A_1097, %swap3A_1098] {strides = array<i32>} : memref<16x64xf32, #tpu.memory_space<vmem>>, vector<1x16xf32>,
        %swap3A_1100 = vector.shape_cast %swap3A_1099 : vector<1x16xf32> to vector<16xf32>
        %swap3A_1101 = vector.shape_cast %mul3A_1096 : vector<16xf32> to vector<1x16xf32>
        tpu.vector_store %arg16[%swap3A_1097, %swap3A_1098], %swap3A_1101 {strides = array<i32>} : memref<16x64xf32, #tpu.memory_space<vmem>>, vector<1x16xf32>,
        %add3A_1102 = arith.constant 48 : i32
        %add3A_1103 = arith.addi %squeeze3A_391, %add3A_1102 : i32
        %get3A_1104 = arith.index_cast %scan3A_333 : i32 to index
        %get3A_1105 = arith.index_cast %add3A_1103 : i32 to index
        %get3A_1106 = tpu.vector_load %arg14[%get3A_1104, %get3A_1105] {strides = array<i32>} : memref<16x128xf32, #tpu.memory_space<vmem>>, vector<1x16xf32>,
        %get3A_1107 = vector.shape_cast %get3A_1106 : vector<1x16xf32> to vector<16xf32>
        %mul3A_1108 = arith.constant 2.000000e+01 : f32
        %mul3A_1109 = vector.broadcast %mul3A_1108 : f32 to vector<16xf32>
        %mul3A_1110 = arith.mulf %get3A_1107, %mul3A_1109 : vector<16xf32>
        %mul3A_1111 = arith.constant 20 : i32
        %mul3A_1112 = arith.muli %scan3A_333, %mul3A_1111 : i32
        %add3A_1113 = arith.constant 0 : i32
        %add3A_1114 = arith.addi %mul3A_1112, %add3A_1113 : i32
        %add3A_1115 = arith.constant 48 : i32
        %add3A_1116 = arith.addi %squeeze3A, %add3A_1115 : i32
        %get3A_1117 = arith.index_cast %add3A_1114 : i32 to index
        %get3A_1118 = arith.index_cast %add3A_1116 : i32 to index
        %get3A_1119 = tpu.vector_load %arg12[%get3A_1117, %get3A_1118] {strides = array<i32>} : memref<320x128xf32, #tpu.memory_space<vmem>>, vector<1x16xf32>,
        %get3A_1120 = vector.shape_cast %get3A_1119 : vector<1x16xf32> to vector<16xf32>
        %add3A_1121 = arith.addf %mul3A_1110, %get3A_1120 : vector<16xf32>
        %mul3A_1122 = arith.constant 20 : i32
        %mul3A_1123 = arith.muli %scan3A_333, %mul3A_1122 : i32
        %add3A_1124 = arith.constant 1 : i32
        %add3A_1125 = arith.addi %mul3A_1123, %add3A_1124 : i32
        %add3A_1126 = arith.constant 48 : i32
        %add3A_1127 = arith.addi %squeeze3A_347, %add3A_1126 : i32
        %get3A_1128 = arith.index_cast %add3A_1125 : i32 to index
        %get3A_1129 = arith.index_cast %add3A_1127 : i32 to index
        %get3A_1130 = tpu.vector_load %arg12[%get3A_1128, %get3A_1129] {strides = array<i32>} : memref<320x128xf32, #tpu.memory_space<vmem>>, vector<1x16xf32>,
        %get3A_1131 = vector.shape_cast %get3A_1130 : vector<1x16xf32> to vector<16xf32>
        %add3A_1132 = arith.addf %add3A_1121, %get3A_1131 : vector<16xf32>
        %mul3A_1133 = arith.constant 20 : i32
        %mul3A_1134 = arith.muli %scan3A_333, %mul3A_1133 : i32
        %add3A_1135 = arith.constant 2 : i32
        %add3A_1136 = arith.addi %mul3A_1134, %add3A_1135 : i32
        %add3A_1137 = arith.constant 48 : i32
        %add3A_1138 = arith.addi %squeeze3A_349, %add3A_1137 : i32
        %get3A_1139 = arith.index_cast %add3A_1136 : i32 to index
        %get3A_1140 = arith.index_cast %add3A_1138 : i32 to index
        %get3A_1141 = tpu.vector_load %arg12[%get3A_1139, %get3A_1140] {strides = array<i32>} : memref<320x128xf32, #tpu.memory_space<vmem>>, vector<1x16xf32>,
        %get3A_1142 = vector.shape_cast %get3A_1141 : vector<1x16xf32> to vector<16xf32>
        %add3A_1143 = arith.addf %add3A_1132, %get3A_1142 : vector<16xf32>
        %mul3A_1144 = arith.constant 20 : i32
        %mul3A_1145 = arith.muli %scan3A_333, %mul3A_1144 : i32
        %add3A_1146 = arith.constant 3 : i32
        %add3A_1147 = arith.addi %mul3A_1145, %add3A_1146 : i32
        %add3A_1148 = arith.constant 48 : i32
        %add3A_1149 = arith.addi %squeeze3A_351, %add3A_1148 : i32
        %get3A_1150 = arith.index_cast %add3A_1147 : i32 to index
        %get3A_1151 = arith.index_cast %add3A_1149 : i32 to index
        %get3A_1152 = tpu.vector_load %arg12[%get3A_1150, %get3A_1151] {strides = array<i32>} : memref<320x128xf32, #tpu.memory_space<vmem>>, vector<1x16xf32>,
        %get3A_1153 = vector.shape_cast %get3A_1152 : vector<1x16xf32> to vector<16xf32>
        %add3A_1154 = arith.addf %add3A_1143, %get3A_1153 : vector<16xf32>
        %mul3A_1155 = arith.constant 20 : i32
        %mul3A_1156 = arith.muli %scan3A_333, %mul3A_1155 : i32
        %add3A_1157 = arith.constant 4 : i32
        %add3A_1158 = arith.addi %mul3A_1156, %add3A_1157 : i32
        %add3A_1159 = arith.constant 48 : i32
        %add3A_1160 = arith.addi %squeeze3A_353, %add3A_1159 : i32
        %get3A_1161 = arith.index_cast %add3A_1158 : i32 to index
        %get3A_1162 = arith.index_cast %add3A_1160 : i32 to index
        %get3A_1163 = tpu.vector_load %arg12[%get3A_1161, %get3A_1162] {strides = array<i32>} : memref<320x128xf32, #tpu.memory_space<vmem>>, vector<1x16xf32>,
        %get3A_1164 = vector.shape_cast %get3A_1163 : vector<1x16xf32> to vector<16xf32>
        %add3A_1165 = arith.addf %add3A_1154, %get3A_1164 : vector<16xf32>
        %mul3A_1166 = arith.constant 20 : i32
        %mul3A_1167 = arith.muli %scan3A_333, %mul3A_1166 : i32
        %add3A_1168 = arith.constant 5 : i32
        %add3A_1169 = arith.addi %mul3A_1167, %add3A_1168 : i32
        %add3A_1170 = arith.constant 48 : i32
        %add3A_1171 = arith.addi %squeeze3A_355, %add3A_1170 : i32
        %get3A_1172 = arith.index_cast %add3A_1169 : i32 to index
        %get3A_1173 = arith.index_cast %add3A_1171 : i32 to index
        %get3A_1174 = tpu.vector_load %arg12[%get3A_1172, %get3A_1173] {strides = array<i32>} : memref<320x128xf32, #tpu.memory_space<vmem>>, vector<1x16xf32>,
        %get3A_1175 = vector.shape_cast %get3A_1174 : vector<1x16xf32> to vector<16xf32>
        %add3A_1176 = arith.addf %add3A_1165, %get3A_1175 : vector<16xf32>
        %mul3A_1177 = arith.constant 20 : i32
        %mul3A_1178 = arith.muli %scan3A_333, %mul3A_1177 : i32
        %add3A_1179 = arith.constant 6 : i32
        %add3A_1180 = arith.addi %mul3A_1178, %add3A_1179 : i32
        %add3A_1181 = arith.constant 48 : i32
        %add3A_1182 = arith.addi %squeeze3A_357, %add3A_1181 : i32
        %get3A_1183 = arith.index_cast %add3A_1180 : i32 to index
        %get3A_1184 = arith.index_cast %add3A_1182 : i32 to index
        %get3A_1185 = tpu.vector_load %arg12[%get3A_1183, %get3A_1184] {strides = array<i32>} : memref<320x128xf32, #tpu.memory_space<vmem>>, vector<1x16xf32>,
        %get3A_1186 = vector.shape_cast %get3A_1185 : vector<1x16xf32> to vector<16xf32>
        %add3A_1187 = arith.addf %add3A_1176, %get3A_1186 : vector<16xf32>
        %mul3A_1188 = arith.constant 20 : i32
        %mul3A_1189 = arith.muli %scan3A_333, %mul3A_1188 : i32
        %add3A_1190 = arith.constant 7 : i32
        %add3A_1191 = arith.addi %mul3A_1189, %add3A_1190 : i32
        %add3A_1192 = arith.constant 48 : i32
        %add3A_1193 = arith.addi %squeeze3A_359, %add3A_1192 : i32
        %get3A_1194 = arith.index_cast %add3A_1191 : i32 to index
        %get3A_1195 = arith.index_cast %add3A_1193 : i32 to index
        %get3A_1196 = tpu.vector_load %arg12[%get3A_1194, %get3A_1195] {strides = array<i32>} : memref<320x128xf32, #tpu.memory_space<vmem>>, vector<1x16xf32>,
        %get3A_1197 = vector.shape_cast %get3A_1196 : vector<1x16xf32> to vector<16xf32>
        %add3A_1198 = arith.addf %add3A_1187, %get3A_1197 : vector<16xf32>
        %mul3A_1199 = arith.constant 20 : i32
        %mul3A_1200 = arith.muli %scan3A_333, %mul3A_1199 : i32
        %add3A_1201 = arith.constant 8 : i32
        %add3A_1202 = arith.addi %mul3A_1200, %add3A_1201 : i32
        %add3A_1203 = arith.constant 48 : i32
        %add3A_1204 = arith.addi %squeeze3A_361, %add3A_1203 : i32
        %get3A_1205 = arith.index_cast %add3A_1202 : i32 to index
        %get3A_1206 = arith.index_cast %add3A_1204 : i32 to index
        %get3A_1207 = tpu.vector_load %arg12[%get3A_1205, %get3A_1206] {strides = array<i32>} : memref<320x128xf32, #tpu.memory_space<vmem>>, vector<1x16xf32>,
        %get3A_1208 = vector.shape_cast %get3A_1207 : vector<1x16xf32> to vector<16xf32>
        %add3A_1209 = arith.addf %add3A_1198, %get3A_1208 : vector<16xf32>
        %mul3A_1210 = arith.constant 20 : i32
        %mul3A_1211 = arith.muli %scan3A_333, %mul3A_1210 : i32
        %add3A_1212 = arith.constant 9 : i32
        %add3A_1213 = arith.addi %mul3A_1211, %add3A_1212 : i32
        %add3A_1214 = arith.constant 48 : i32
        %add3A_1215 = arith.addi %squeeze3A_363, %add3A_1214 : i32
        %get3A_1216 = arith.index_cast %add3A_1213 : i32 to index
        %get3A_1217 = arith.index_cast %add3A_1215 : i32 to index
        %get3A_1218 = tpu.vector_load %arg12[%get3A_1216, %get3A_1217] {strides = array<i32>} : memref<320x128xf32, #tpu.memory_space<vmem>>, vector<1x16xf32>,
        %get3A_1219 = vector.shape_cast %get3A_1218 : vector<1x16xf32> to vector<16xf32>
        %add3A_1220 = arith.addf %add3A_1209, %get3A_1219 : vector<16xf32>
        %mul3A_1221 = arith.constant 20 : i32
        %mul3A_1222 = arith.muli %scan3A_333, %mul3A_1221 : i32
        %add3A_1223 = arith.constant 10 : i32
        %add3A_1224 = arith.addi %mul3A_1222, %add3A_1223 : i32
        %add3A_1225 = arith.constant 48 : i32
        %add3A_1226 = arith.addi %squeeze3A_365, %add3A_1225 : i32
        %get3A_1227 = arith.index_cast %add3A_1224 : i32 to index
        %get3A_1228 = arith.index_cast %add3A_1226 : i32 to index
        %get3A_1229 = tpu.vector_load %arg12[%get3A_1227, %get3A_1228] {strides = array<i32>} : memref<320x128xf32, #tpu.memory_space<vmem>>, vector<1x16xf32>,
        %get3A_1230 = vector.shape_cast %get3A_1229 : vector<1x16xf32> to vector<16xf32>
        %add3A_1231 = arith.addf %add3A_1220, %get3A_1230 : vector<16xf32>
        %mul3A_1232 = arith.constant 20 : i32
        %mul3A_1233 = arith.muli %scan3A_333, %mul3A_1232 : i32
        %add3A_1234 = arith.constant 11 : i32
        %add3A_1235 = arith.addi %mul3A_1233, %add3A_1234 : i32
        %add3A_1236 = arith.constant 48 : i32
        %add3A_1237 = arith.addi %squeeze3A_367, %add3A_1236 : i32
        %get3A_1238 = arith.index_cast %add3A_1235 : i32 to index
        %get3A_1239 = arith.index_cast %add3A_1237 : i32 to index
        %get3A_1240 = tpu.vector_load %arg12[%get3A_1238, %get3A_1239] {strides = array<i32>} : memref<320x128xf32, #tpu.memory_space<vmem>>, vector<1x16xf32>,
        %get3A_1241 = vector.shape_cast %get3A_1240 : vector<1x16xf32> to vector<16xf32>
        %add3A_1242 = arith.addf %add3A_1231, %get3A_1241 : vector<16xf32>
        %mul3A_1243 = arith.constant 20 : i32
        %mul3A_1244 = arith.muli %scan3A_333, %mul3A_1243 : i32
        %add3A_1245 = arith.constant 12 : i32
        %add3A_1246 = arith.addi %mul3A_1244, %add3A_1245 : i32
        %add3A_1247 = arith.constant 48 : i32
        %add3A_1248 = arith.addi %squeeze3A_369, %add3A_1247 : i32
        %get3A_1249 = arith.index_cast %add3A_1246 : i32 to index
        %get3A_1250 = arith.index_cast %add3A_1248 : i32 to index
        %get3A_1251 = tpu.vector_load %arg12[%get3A_1249, %get3A_1250] {strides = array<i32>} : memref<320x128xf32, #tpu.memory_space<vmem>>, vector<1x16xf32>,
        %get3A_1252 = vector.shape_cast %get3A_1251 : vector<1x16xf32> to vector<16xf32>
        %add3A_1253 = arith.addf %add3A_1242, %get3A_1252 : vector<16xf32>
        %mul3A_1254 = arith.constant 20 : i32
        %mul3A_1255 = arith.muli %scan3A_333, %mul3A_1254 : i32
        %add3A_1256 = arith.constant 13 : i32
        %add3A_1257 = arith.addi %mul3A_1255, %add3A_1256 : i32
        %add3A_1258 = arith.constant 48 : i32
        %add3A_1259 = arith.addi %squeeze3A_371, %add3A_1258 : i32
        %get3A_1260 = arith.index_cast %add3A_1257 : i32 to index
        %get3A_1261 = arith.index_cast %add3A_1259 : i32 to index
        %get3A_1262 = tpu.vector_load %arg12[%get3A_1260, %get3A_1261] {strides = array<i32>} : memref<320x128xf32, #tpu.memory_space<vmem>>, vector<1x16xf32>,
        %get3A_1263 = vector.shape_cast %get3A_1262 : vector<1x16xf32> to vector<16xf32>
        %add3A_1264 = arith.addf %add3A_1253, %get3A_1263 : vector<16xf32>
        %mul3A_1265 = arith.constant 20 : i32
        %mul3A_1266 = arith.muli %scan3A_333, %mul3A_1265 : i32
        %add3A_1267 = arith.constant 14 : i32
        %add3A_1268 = arith.addi %mul3A_1266, %add3A_1267 : i32
        %add3A_1269 = arith.constant 48 : i32
        %add3A_1270 = arith.addi %squeeze3A_373, %add3A_1269 : i32
        %get3A_1271 = arith.index_cast %add3A_1268 : i32 to index
        %get3A_1272 = arith.index_cast %add3A_1270 : i32 to index
        %get3A_1273 = tpu.vector_load %arg12[%get3A_1271, %get3A_1272] {strides = array<i32>} : memref<320x128xf32, #tpu.memory_space<vmem>>, vector<1x16xf32>,
        %get3A_1274 = vector.shape_cast %get3A_1273 : vector<1x16xf32> to vector<16xf32>
        %add3A_1275 = arith.addf %add3A_1264, %get3A_1274 : vector<16xf32>
        %mul3A_1276 = arith.constant 20 : i32
        %mul3A_1277 = arith.muli %scan3A_333, %mul3A_1276 : i32
        %add3A_1278 = arith.constant 15 : i32
        %add3A_1279 = arith.addi %mul3A_1277, %add3A_1278 : i32
        %add3A_1280 = arith.constant 48 : i32
        %add3A_1281 = arith.addi %squeeze3A_375, %add3A_1280 : i32
        %get3A_1282 = arith.index_cast %add3A_1279 : i32 to index
        %get3A_1283 = arith.index_cast %add3A_1281 : i32 to index
        %get3A_1284 = tpu.vector_load %arg12[%get3A_1282, %get3A_1283] {strides = array<i32>} : memref<320x128xf32, #tpu.memory_space<vmem>>, vector<1x16xf32>,
        %get3A_1285 = vector.shape_cast %get3A_1284 : vector<1x16xf32> to vector<16xf32>
        %add3A_1286 = arith.addf %add3A_1275, %get3A_1285 : vector<16xf32>
        %mul3A_1287 = arith.constant 20 : i32
        %mul3A_1288 = arith.muli %scan3A_333, %mul3A_1287 : i32
        %add3A_1289 = arith.constant 16 : i32
        %add3A_1290 = arith.addi %mul3A_1288, %add3A_1289 : i32
        %add3A_1291 = arith.constant 48 : i32
        %add3A_1292 = arith.addi %squeeze3A_377, %add3A_1291 : i32
        %get3A_1293 = arith.index_cast %add3A_1290 : i32 to index
        %get3A_1294 = arith.index_cast %add3A_1292 : i32 to index
        %get3A_1295 = tpu.vector_load %arg12[%get3A_1293, %get3A_1294] {strides = array<i32>} : memref<320x128xf32, #tpu.memory_space<vmem>>, vector<1x16xf32>,
        %get3A_1296 = vector.shape_cast %get3A_1295 : vector<1x16xf32> to vector<16xf32>
        %add3A_1297 = arith.addf %add3A_1286, %get3A_1296 : vector<16xf32>
        %mul3A_1298 = arith.constant 20 : i32
        %mul3A_1299 = arith.muli %scan3A_333, %mul3A_1298 : i32
        %add3A_1300 = arith.constant 17 : i32
        %add3A_1301 = arith.addi %mul3A_1299, %add3A_1300 : i32
        %add3A_1302 = arith.constant 48 : i32
        %add3A_1303 = arith.addi %squeeze3A_379, %add3A_1302 : i32
        %get3A_1304 = arith.index_cast %add3A_1301 : i32 to index
        %get3A_1305 = arith.index_cast %add3A_1303 : i32 to index
        %get3A_1306 = tpu.vector_load %arg12[%get3A_1304, %get3A_1305] {strides = array<i32>} : memref<320x128xf32, #tpu.memory_space<vmem>>, vector<1x16xf32>,
        %get3A_1307 = vector.shape_cast %get3A_1306 : vector<1x16xf32> to vector<16xf32>
        %add3A_1308 = arith.addf %add3A_1297, %get3A_1307 : vector<16xf32>
        %mul3A_1309 = arith.constant 20 : i32
        %mul3A_1310 = arith.muli %scan3A_333, %mul3A_1309 : i32
        %add3A_1311 = arith.constant 18 : i32
        %add3A_1312 = arith.addi %mul3A_1310, %add3A_1311 : i32
        %add3A_1313 = arith.constant 48 : i32
        %add3A_1314 = arith.addi %squeeze3A_381, %add3A_1313 : i32
        %get3A_1315 = arith.index_cast %add3A_1312 : i32 to index
        %get3A_1316 = arith.index_cast %add3A_1314 : i32 to index
        %get3A_1317 = tpu.vector_load %arg12[%get3A_1315, %get3A_1316] {strides = array<i32>} : memref<320x128xf32, #tpu.memory_space<vmem>>, vector<1x16xf32>,
        %get3A_1318 = vector.shape_cast %get3A_1317 : vector<1x16xf32> to vector<16xf32>
        %add3A_1319 = arith.addf %add3A_1308, %get3A_1318 : vector<16xf32>
        %mul3A_1320 = arith.constant 20 : i32
        %mul3A_1321 = arith.muli %scan3A_333, %mul3A_1320 : i32
        %add3A_1322 = arith.constant 19 : i32
        %add3A_1323 = arith.addi %mul3A_1321, %add3A_1322 : i32
        %add3A_1324 = arith.constant 48 : i32
        %add3A_1325 = arith.addi %squeeze3A_383, %add3A_1324 : i32
        %get3A_1326 = arith.index_cast %add3A_1323 : i32 to index
        %get3A_1327 = arith.index_cast %add3A_1325 : i32 to index
        %get3A_1328 = tpu.vector_load %arg12[%get3A_1326, %get3A_1327] {strides = array<i32>} : memref<320x128xf32, #tpu.memory_space<vmem>>, vector<1x16xf32>,
        %get3A_1329 = vector.shape_cast %get3A_1328 : vector<1x16xf32> to vector<16xf32>
        %add3A_1330 = arith.addf %add3A_1319, %get3A_1329 : vector<16xf32>
        %mul3A_1331 = arith.constant 2.500000e-02 : f32
        %mul3A_1332 = vector.broadcast %mul3A_1331 : f32 to vector<16xf32>
        %mul3A_1333 = arith.mulf %add3A_1330, %mul3A_1332 : vector<16xf32>
        %swap3A_1334 = arith.index_cast %scan3A_333 : i32 to index
        %swap3A_1335 = arith.constant 48 : index
        %swap3A_1336 = tpu.vector_load %arg16[%swap3A_1334, %swap3A_1335] {strides = array<i32>} : memref<16x64xf32, #tpu.memory_space<vmem>>, vector<1x16xf32>,
        %swap3A_1337 = vector.shape_cast %swap3A_1336 : vector<1x16xf32> to vector<16xf32>
        %swap3A_1338 = vector.shape_cast %mul3A_1333 : vector<16xf32> to vector<1x16xf32>
        tpu.vector_store %arg16[%swap3A_1334, %swap3A_1335], %swap3A_1338 {strides = array<i32>} : memref<16x64xf32, #tpu.memory_space<vmem>>, vector<1x16xf32>,
      }
      %scan3A_318 = arith.constant 16 : i32
      %mul3A_319 = arith.constant 16 : i32
      %mul3A_320 = arith.muli %add3A_241, %mul3A_319 : i32
      %add3A_321 = arith.addi %mul3A_2, %mul3A_320 : i32
      %dma_start3A_322 = arith.constant 0 : i32
      %dma_start3A_323 = tpu.memref_slice %arg6[%add3A_321, %dma_start3A_322] : memref<16384x64xf32, #tpu.memory_space<hbm>> -> memref<16x64xf32, #tpu.memory_space<hbm>>
      %dma_start3A_324 = arith.constant 0 : i32
      %dma_start3A_325 = tpu.memref_slice %arg6[%add3A_321, %dma_start3A_324] : memref<16384x64xf32, #tpu.memory_space<hbm>> -> memref<16x64xf32, #tpu.memory_space<hbm>>
      tpu.enqueue_dma source(%arg16 : memref<16x64xf32, #tpu.memory_space<vmem>>) target(%dma_start3A_325 : memref<16x64xf32, #tpu.memory_space<hbm>>) target_semaphore(%arg22 : memref<!tpu.dma_semaphore, #tpu.memory_space<semaphore_mem>>)
      %add3A_326 = arith.constant 2 : i32
      %add3A_327 = arith.addi %add3A_241, %add3A_326 : i32
      %lt3A_328 = arith.constant 32 : i32
      %lt3A_329 = arith.cmpi slt, %add3A_327, %lt3A_328 : i32
      %convert_element_type3A_330 = arith.extui %lt3A_329 : i1 to i32
      %cond3A_331 = arith.constant 0 : i32
      %cond3A_332 = arith.cmpi ne, %convert_element_type3A_330, %cond3A_331 : i32
      scf.if %cond3A_332 {
        %add3A_333 = arith.constant 2 : i32
        %add3A_334 = arith.addi %add3A_241, %add3A_333 : i32
        %mul3A_335 = arith.constant 5 : i32
        %mul3A_336 = arith.muli %add3A_334, %mul3A_335 : i32
        %add3A_337 = arith.constant 0 : i32
        %add3A_338 = arith.addi %mul3A_336, %add3A_337 : i32
        %dma_start3A_339 = arith.constant 0 : i32
        %dma_start3A_340 = arith.constant 0 : i32
        %dma_start3A_341 = tpu.memref_slice %arg12[%dma_start3A_339, %dma_start3A_340] : memref<320x128xf32, #tpu.memory_space<vmem>> -> memref<64x128xf32, #tpu.memory_space<vmem>>
        %dma_start3A_342 = arith.constant 0 : i32
        %dma_start3A_343 = tpu.memref_slice %arg9[%add3A_338, %dma_start3A_342] : memref<160x64xi32, #tpu.memory_space<vmem>> -> memref<1x64xi32, #tpu.memory_space<vmem>>
        %dma_start3A_344 = tpu.memref_squeeze %dma_start3A_343 : memref<1x64xi32, #tpu.memory_space<vmem>> -> memref<64xi32, #tpu.memory_space<vmem>>
        %dma_start3A_345 = arith.constant 0 : i32
        %dma_start3A_346 = arith.constant 0 : i32
        %dma_start3A_347 = tpu.memref_slice %arg5[%dma_start3A_345, %dma_start3A_346] : memref<500000x128xf32, #tpu.memory_space<hbm>> -> memref<500000x128xf32, #tpu.memory_space<hbm>>
        tpu.enqueue_indirect_dma source(%dma_start3A_347 : memref<500000x128xf32, #tpu.memory_space<hbm>>) target(%dma_start3A_341 : memref<64x128xf32, #tpu.memory_space<vmem>>) offsets(%dma_start3A_344 : memref<64xi32, #tpu.memory_space<vmem>>) semaphore(%arg18 : memref<!tpu.dma_semaphore, #tpu.memory_space<semaphore_mem>>)
        %add3A_348 = arith.constant 2 : i32
        %add3A_349 = arith.addi %add3A_241, %add3A_348 : i32
        %mul3A_350 = arith.constant 5 : i32
        %mul3A_351 = arith.muli %add3A_349, %mul3A_350 : i32
        %add3A_352 = arith.constant 1 : i32
        %add3A_353 = arith.addi %mul3A_351, %add3A_352 : i32
        %dma_start3A_354 = arith.constant 64 : i32
        %dma_start3A_355 = arith.constant 0 : i32
        %dma_start3A_356 = tpu.memref_slice %arg12[%dma_start3A_354, %dma_start3A_355] : memref<320x128xf32, #tpu.memory_space<vmem>> -> memref<64x128xf32, #tpu.memory_space<vmem>>
        %dma_start3A_357 = arith.constant 0 : i32
        %dma_start3A_358 = tpu.memref_slice %arg9[%add3A_353, %dma_start3A_357] : memref<160x64xi32, #tpu.memory_space<vmem>> -> memref<1x64xi32, #tpu.memory_space<vmem>>
        %dma_start3A_359 = tpu.memref_squeeze %dma_start3A_358 : memref<1x64xi32, #tpu.memory_space<vmem>> -> memref<64xi32, #tpu.memory_space<vmem>>
        %dma_start3A_360 = arith.constant 0 : i32
        %dma_start3A_361 = arith.constant 0 : i32
        %dma_start3A_362 = tpu.memref_slice %arg5[%dma_start3A_360, %dma_start3A_361] : memref<500000x128xf32, #tpu.memory_space<hbm>> -> memref<500000x128xf32, #tpu.memory_space<hbm>>
        tpu.enqueue_indirect_dma source(%dma_start3A_362 : memref<500000x128xf32, #tpu.memory_space<hbm>>) target(%dma_start3A_356 : memref<64x128xf32, #tpu.memory_space<vmem>>) offsets(%dma_start3A_359 : memref<64xi32, #tpu.memory_space<vmem>>) semaphore(%arg18 : memref<!tpu.dma_semaphore, #tpu.memory_space<semaphore_mem>>)
        %add3A_363 = arith.constant 2 : i32
        %add3A_364 = arith.addi %add3A_241, %add3A_363 : i32
        %mul3A_365 = arith.constant 5 : i32
        %mul3A_366 = arith.muli %add3A_364, %mul3A_365 : i32
        %add3A_367 = arith.constant 2 : i32
        %add3A_368 = arith.addi %mul3A_366, %add3A_367 : i32
        %dma_start3A_369 = arith.constant 128 : i32
        %dma_start3A_370 = arith.constant 0 : i32
        %dma_start3A_371 = tpu.memref_slice %arg12[%dma_start3A_369, %dma_start3A_370] : memref<320x128xf32, #tpu.memory_space<vmem>> -> memref<64x128xf32, #tpu.memory_space<vmem>>
        %dma_start3A_372 = arith.constant 0 : i32
        %dma_start3A_373 = tpu.memref_slice %arg9[%add3A_368, %dma_start3A_372] : memref<160x64xi32, #tpu.memory_space<vmem>> -> memref<1x64xi32, #tpu.memory_space<vmem>>
        %dma_start3A_374 = tpu.memref_squeeze %dma_start3A_373 : memref<1x64xi32, #tpu.memory_space<vmem>> -> memref<64xi32, #tpu.memory_space<vmem>>
        %dma_start3A_375 = arith.constant 0 : i32
        %dma_start3A_376 = arith.constant 0 : i32
        %dma_start3A_377 = tpu.memref_slice %arg5[%dma_start3A_375, %dma_start3A_376] : memref<500000x128xf32, #tpu.memory_space<hbm>> -> memref<500000x128xf32, #tpu.memory_space<hbm>>
        tpu.enqueue_indirect_dma source(%dma_start3A_377 : memref<500000x128xf32, #tpu.memory_space<hbm>>) target(%dma_start3A_371 : memref<64x128xf32, #tpu.memory_space<vmem>>) offsets(%dma_start3A_374 : memref<64xi32, #tpu.memory_space<vmem>>) semaphore(%arg18 : memref<!tpu.dma_semaphore, #tpu.memory_space<semaphore_mem>>)
        %add3A_378 = arith.constant 2 : i32
        %add3A_379 = arith.addi %add3A_241, %add3A_378 : i32
        %mul3A_380 = arith.constant 5 : i32
        %mul3A_381 = arith.muli %add3A_379, %mul3A_380 : i32
        %add3A_382 = arith.constant 3 : i32
        %add3A_383 = arith.addi %mul3A_381, %add3A_382 : i32
        %dma_start3A_384 = arith.constant 192 : i32
        %dma_start3A_385 = arith.constant 0 : i32
        %dma_start3A_386 = tpu.memref_slice %arg12[%dma_start3A_384, %dma_start3A_385] : memref<320x128xf32, #tpu.memory_space<vmem>> -> memref<64x128xf32, #tpu.memory_space<vmem>>
        %dma_start3A_387 = arith.constant 0 : i32
        %dma_start3A_388 = tpu.memref_slice %arg9[%add3A_383, %dma_start3A_387] : memref<160x64xi32, #tpu.memory_space<vmem>> -> memref<1x64xi32, #tpu.memory_space<vmem>>
        %dma_start3A_389 = tpu.memref_squeeze %dma_start3A_388 : memref<1x64xi32, #tpu.memory_space<vmem>> -> memref<64xi32, #tpu.memory_space<vmem>>
        %dma_start3A_390 = arith.constant 0 : i32
        %dma_start3A_391 = arith.constant 0 : i32
        %dma_start3A_392 = tpu.memref_slice %arg5[%dma_start3A_390, %dma_start3A_391] : memref<500000x128xf32, #tpu.memory_space<hbm>> -> memref<500000x128xf32, #tpu.memory_space<hbm>>
        tpu.enqueue_indirect_dma source(%dma_start3A_392 : memref<500000x128xf32, #tpu.memory_space<hbm>>) target(%dma_start3A_386 : memref<64x128xf32, #tpu.memory_space<vmem>>) offsets(%dma_start3A_389 : memref<64xi32, #tpu.memory_space<vmem>>) semaphore(%arg18 : memref<!tpu.dma_semaphore, #tpu.memory_space<semaphore_mem>>)
        %add3A_393 = arith.constant 2 : i32
        %add3A_394 = arith.addi %add3A_241, %add3A_393 : i32
        %mul3A_395 = arith.constant 5 : i32
        %mul3A_396 = arith.muli %add3A_394, %mul3A_395 : i32
        %add3A_397 = arith.constant 4 : i32
        %add3A_398 = arith.addi %mul3A_396, %add3A_397 : i32
        %dma_start3A_399 = arith.constant 256 : i32
        %dma_start3A_400 = arith.constant 0 : i32
        %dma_start3A_401 = tpu.memref_slice %arg12[%dma_start3A_399, %dma_start3A_400] : memref<320x128xf32, #tpu.memory_space<vmem>> -> memref<64x128xf32, #tpu.memory_space<vmem>>
        %dma_start3A_402 = arith.constant 0 : i32
        %dma_start3A_403 = tpu.memref_slice %arg9[%add3A_398, %dma_start3A_402] : memref<160x64xi32, #tpu.memory_space<vmem>> -> memref<1x64xi32, #tpu.memory_space<vmem>>
        %dma_start3A_404 = tpu.memref_squeeze %dma_start3A_403 : memref<1x64xi32, #tpu.memory_space<vmem>> -> memref<64xi32, #tpu.memory_space<vmem>>
        %dma_start3A_405 = arith.constant 0 : i32
        %dma_start3A_406 = arith.constant 0 : i32
        %dma_start3A_407 = tpu.memref_slice %arg5[%dma_start3A_405, %dma_start3A_406] : memref<500000x128xf32, #tpu.memory_space<hbm>> -> memref<500000x128xf32, #tpu.memory_space<hbm>>
        tpu.enqueue_indirect_dma source(%dma_start3A_407 : memref<500000x128xf32, #tpu.memory_space<hbm>>) target(%dma_start3A_401 : memref<64x128xf32, #tpu.memory_space<vmem>>) offsets(%dma_start3A_404 : memref<64xi32, #tpu.memory_space<vmem>>) semaphore(%arg18 : memref<!tpu.dma_semaphore, #tpu.memory_space<semaphore_mem>>)
        %add3A_408 = arith.constant 2 : i32
        %add3A_409 = arith.addi %add3A_241, %add3A_408 : i32
        %dma_start3A_410 = arith.constant 0 : i32
        %dma_start3A_411 = tpu.memref_slice %arg7[%add3A_409, %dma_start3A_410] : memref<32x16xi32, #tpu.memory_space<vmem>> -> memref<1x16xi32, #tpu.memory_space<vmem>>
        %dma_start3A_412 = tpu.memref_squeeze %dma_start3A_411 : memref<1x16xi32, #tpu.memory_space<vmem>> -> memref<16xi32, #tpu.memory_space<vmem>>
        %dma_start3A_413 = arith.constant 0 : i32
        %dma_start3A_414 = arith.constant 0 : i32
        %dma_start3A_415 = tpu.memref_slice %arg4[%dma_start3A_413, %dma_start3A_414] : memref<50000x128xf32, #tpu.memory_space<hbm>> -> memref<50000x128xf32, #tpu.memory_space<hbm>>
        tpu.enqueue_indirect_dma source(%dma_start3A_415 : memref<50000x128xf32, #tpu.memory_space<hbm>>) target(%arg14 : memref<16x128xf32, #tpu.memory_space<vmem>>) offsets(%dma_start3A_412 : memref<16xi32, #tpu.memory_space<vmem>>) semaphore(%arg20 : memref<!tpu.dma_semaphore, #tpu.memory_space<semaphore_mem>>)
      } else {
      }
    }
    %scan3A_138 = arith.constant 16 : i32
    %dma_wait3A = arith.constant 0 : i32
    %dma_wait3A_139 = tpu.memref_slice %arg6[%mul3A_2, %dma_wait3A] : memref<16384x64xf32, #tpu.memory_space<hbm>> -> memref<16x64xf32, #tpu.memory_space<hbm>>
    %dma_wait3A_140 = arith.constant 0 : i32
    %dma_wait3A_141 = tpu.memref_slice %arg6[%mul3A_2, %dma_wait3A_140] : memref<16384x64xf32, #tpu.memory_space<hbm>> -> memref<16x64xf32, #tpu.memory_space<hbm>>
    tpu.wait_dma2 semaphore(%arg21 : memref<!tpu.dma_semaphore, #tpu.memory_space<semaphore_mem>>) src(%arg15 : memref<16x64xf32, #tpu.memory_space<vmem>>) dst(%dma_wait3A_141 : memref<16x64xf32, #tpu.memory_space<hbm>>)
    %dma_wait3A_142 = arith.constant 0 : i32
    %dma_wait3A_143 = tpu.memref_slice %arg6[%mul3A_2, %dma_wait3A_142] : memref<16384x64xf32, #tpu.memory_space<hbm>> -> memref<16x64xf32, #tpu.memory_space<hbm>>
    %dma_wait3A_144 = arith.constant 0 : i32
    %dma_wait3A_145 = tpu.memref_slice %arg6[%mul3A_2, %dma_wait3A_144] : memref<16384x64xf32, #tpu.memory_space<hbm>> -> memref<16x64xf32, #tpu.memory_space<hbm>>
    tpu.wait_dma2 semaphore(%arg22 : memref<!tpu.dma_semaphore, #tpu.memory_space<semaphore_mem>>) src(%arg16 : memref<16x64xf32, #tpu.memory_space<vmem>>) dst(%dma_wait3A_145 : memref<16x64xf32, #tpu.memory_space<hbm>>)
    return
  }
}

</mosaic_0001>

<sc_bundles>
// kernel: kernel.3.cloned.1.call-start
scs
__scs_entry_jumppad:
0x0: {  	(pc) =	sbr.rel $0x88, $3  }
0x1: {  	(tag) =	ssettag $0x0;
	lr =	simm.s32 $0x1  }
0x2: {  	[smem:$0x3F9D] =	sst lr;
	_ =	strace $0xD0000000  }
0x3: {  	_ = 	snop  }
0x4: {  	_ = 	snop  }
0x5: {  	_ = 	snop  }
0x6: {  	_ = 	snop  }
0x7: {  	_ = 	snop  }
__scs_overlays_trampoline_lowered:
0x8: {  	[smem:$0x3FAC] =	sst s0  }
0x9: {  	[smem:$0x3FAD] =	sst s1  }
0xa: {  	[smem:$0x3FAE] =	sst s2  }
0xb: {  	[smem:$0x3FAF] =	sst s3  }
0xc: {  	[smem:$0x3FB0] =	sst s4  }
0xd: {  	[smem:$0x3FB1] =	sst s5  }
0xe: {  	[smem:$0x3FB2] =	sst s6  }
0xf: {  	[smem:$0x3FB3] =	sst s7  }
0x10: {  	[smem:$0x3FB4] =	sst s8  }
0x11: {  	[smem:$0x3FB5] =	sst s9;
	s0 =	simm.s32 @!p0 $0x0  }
0x12: {  	s1 =	sld [smem:$0x3F9B];
	s0 =	simm.s32 @p0 $0x1  }
0x13: {  	[smem:$0x3FB6] =	sst s0;
	s0 =	simm.s32 @!p1 $0x0  }
0x14: {  	s2 =	sld [smem:$0x3F9A];
	s0 =	simm.s32 @p1 $0x1  }
0x15: {  	[smem:$0x3FB7] =	sst s0;
	s0 =	simm.s32 @!p2 $0x0  }
0x16: {  	s3 =	sld [smem:$0x3FDB];
	s0 =	simm.s32 @p2 $0x1  }
0x17: {  	s4 =	simm.s32 $0x1BF5;
	[smem:$0x3FB9] =	sst s0  }
0x18: {  	s0 =	sld [smem:$0x3F9C];
	_ =	swait.ge [sflag:s4], $0x0  }
0x19: {  	s7 =	sld [smem:$0x3F9D]  }
0x1a: {  	s8 =	sadd.s32 $0xFFFFE003, lr  }
0x1b: {  	s9 =	sadd.s32 $0xFFFFFEF7, lr;
	s5 =	simm.s32 $0xFFFFFFFF;
	p2 =	slt.u32 s8, $0xFFFFF086  }
0x1c: {  	p1 =	slt.u32 s9, $0xF7A;
	s5 =	simm.s32 @!p2 $0x0  }
0x1d: {  	s5 =	simm.s32 @p1 $0x1;
	p0 =	seq.s32 s7, s2  }
0x1e: {  	s7 =	smul.u32 @!p0 $0xF7A, s2;
	p2 =	seq.s32 @!p0 s5, $0x0  }
0x1f: {  	s9 =	smul.u32 $0xF7A, s1;
	s8 =	simm.s32 @!p0 $0x1BF5;
	p2 =	por !p2, p0  }
0x20: {  	[sflag:s8] =	ssyncset.s32 @!p0 $0xFFFFF086;
	s6 =	sadd.s32 @!p0 s3, s7;
	s7 =	simm.s32 @!p0 $0x108  }
0x21: {  	s3 =	sadd.s32 s3, s9;
	s6 =	sadd.s32 @!p0 $0x88, s6;
	s7 =	simm.s32 @p2 $0x1082  }
0x22: {  	[simem:s7], [sflag:s8] =	dma.local @!p0 [hbm:s6], $0xF7A  }
0x23: {  	s9 =	sor.u32 $0xD0000000, s2;
	s6 =	simm.s32 $0x108;
	_ =	swait.ge @!p0 [sflag:s8], $0x0  }
0x24: {  	s3 =	sadd.s32 $0x88, s3;
	s6 =	simm.s32 @!p1 $0x1082;
	[sflag:s4] =	ssyncset.s32 $0xFFFFF086  }
0x25: {  	[simem:s6], [sflag:s4] =	dma.local [hbm:s3], $0xF7A  }
0x26: {  	[smem:$0x3F9D] =	sst s1;
	(tag) =	ssettag s2;
	_ =	strace s9  }
0x27: {  	s1 =	sld [smem:$0x3FAD]  }
0x28: {  	s2 =	sld [smem:$0x3FAE]  }
0x29: {  	s4 =	sld [smem:$0x3FB0]  }
0x2a: {  	p0 =	seq.s32 s5, $0x0;
	s5 =	sld [smem:$0x3FB1]  }
0x2b: {  	s6 =	sld [smem:$0x3FB2]  }
0x2c: {  	s7 =	sld [smem:$0x3FB3]  }
0x2d: {  	s3 =	simm.s32 $0x108;
	s8 =	sld [smem:$0x3FB4]  }
0x2e: {  	s3 =	simm.s32 @!p0 $0x1082;
	s9 =	sld [smem:$0x3FB5]  }
0x2f: {  	lr =	sadd.s32 s0, s3;
	s0 =	sld [smem:$0x3FAC]  }
0x30: {  	s3 =	sld [smem:$0x3FAF]  }
0x31: {  	[smem:$0x3FB8] =	sst s10  }
0x32: {  	s10 =	sld [smem:$0x3FB6];
	_ =	sdelay $0x3  }
0x33: {  	p0 =	seq.s32 s10, $0x1;
	s10 =	sld [smem:$0x3FB8];
	_ =	sdelay $0x3  }
0x34: {  	[smem:$0x3FB8] =	sst s10  }
0x35: {  	s10 =	sld [smem:$0x3FB7];
	_ =	sdelay $0x3  }
0x36: {  	p1 =	seq.s32 s10, $0x1;
	s10 =	sld [smem:$0x3FB8];
	_ =	sdelay $0x3  }
0x37: {  	[smem:$0x3FB8] =	sst s10  }
0x38: {  	s10 =	sld [smem:$0x3FB9]  }
0x39: {  	_ = 	snop;
	(pc) =	sbr.ind lr, $3  }
0x3a: {  	_ = 	snop  }
0x3b: {  	_ = 	snop  }
0x3c: {  	p2 =	seq.s32 s10, $0x1;
	s10 =	sld [smem:$0x3FB8]  }
0x3d: {  	_ =	shalt  }
0x3e: {  	_ =	shalt  }
0x3f: {  	_ =	shalt  }
0x40: {  	_ =	shalt  }
0x41: {  	_ =	shalt  }
0x42: {  	_ =	shalt  }
0x43: {  	_ =	shalt  }
0x44: {  	_ =	shalt  }
0x45: {  	_ =	shalt  }
0x46: {  	_ =	shalt  }
0x47: {  	_ =	shalt  }
0x48: {  	_ =	shalt  }
0x49: {  	_ =	shalt  }
0x4a: {  	_ =	shalt  }
0x4b: {  	_ =	shalt  }
0x4c: {  	_ =	shalt  }
0x4d: {  	_ =	shalt  }
0x4e: {  	_ =	shalt  }
0x4f: {  	_ =	shalt  }
0x50: {  	_ =	shalt  }
0x51: {  	_ =	shalt  }
0x52: {  	_ =	shalt  }
0x53: {  	_ =	shalt  }
0x54: {  	_ =	shalt  }
0x55: {  	_ =	shalt  }
0x56: {  	_ =	shalt  }
0x57: {  	_ =	shalt  }
0x58: {  	_ =	shalt  }
0x59: {  	_ =	shalt  }
0x5a: {  	_ =	shalt  }
0x5b: {  	_ =	shalt  }
0x5c: {  	_ =	shalt  }
0x5d: {  	_ =	shalt  }
0x5e: {  	_ =	shalt  }
0x5f: {  	_ =	shalt  }
0x60: {  	_ =	shalt  }
0x61: {  	_ =	shalt  }
0x62: {  	_ =	shalt  }
0x63: {  	_ =	shalt  }
0x64: {  	_ =	shalt  }
0x65: {  	_ =	shalt  }
0x66: {  	_ =	shalt  }
0x67: {  	_ =	shalt  }
0x68: {  	_ =	shalt  }
0x69: {  	_ =	shalt  }
0x6a: {  	_ =	shalt  }
0x6b: {  	_ =	shalt  }
0x6c: {  	_ =	shalt  }
0x6d: {  	_ =	shalt  }
0x6e: {  	_ =	shalt  }
0x6f: {  	_ =	shalt  }
0x70: {  	_ =	shalt  }
0x71: {  	_ =	shalt  }
0x72: {  	_ =	shalt  }
0x73: {  	_ =	shalt  }
0x74: {  	_ =	shalt  }
0x75: {  	_ =	shalt  }
0x76: {  	_ =	shalt  }
0x77: {  	_ =	shalt  }
0x78: {  	_ =	shalt  }
0x79: {  	_ =	shalt  }
0x7a: {  	_ =	shalt  }
0x7b: {  	_ =	shalt  }
0x7c: {  	_ =	shalt  }
0x7d: {  	_ =	shalt  }
0x7e: {  	_ =	shalt  }
0x7f: {  	_ =	shalt  }
0x80: {  	_ =	shalt  }
0x81: {  	_ =	shalt  }
0x82: {  	_ =	shalt  }
0x83: {  	_ =	shalt  }
0x84: {  	_ =	shalt  }
0x85: {  	_ =	shalt  }
0x86: {  	_ =	shalt  }
0x87: {  	_ =	shalt  }
.Lfunc_end0:
.L_simem_size_0:
called_computation_lowered:
.L_overlay_start_0:
0x88: {  	s2 =	sld [smem:$0x3FD9]  }
0x89: {  	s3 =	sld [smem:$0x3FFE];
	_ =	sdelay $0x1  }
0x8a: {  	s1 =	srdreg.scid  }
0x8b: {  	s0 =	sand.u32 $0x1, s1  }
0x8c: {  	s17 =	sshll.u32 s0, $0xA;
	s2 =	sadd.s32 s3, s2  }
0x8d: {  	s2 =	sadd.s32 s2, s17  }
0x8e: {  	[smem:$0x3FC4] =	sst s2  }
0x8f: {  	_ = 	snop  }
0x90: {  	s2 =	sld [smem:$0x3FC9]  }
0x91: {  	s18 =	sld [smem:$0x3FD0];
	(tm) =	ssettm $0x1  }
0x92: {  	s4 =	sld [smem:$0x3FFB];
	_ =	sdelay $0x3  }
0x93: {  	_ =	strace s4  }
0x94: {  	s4 =	sld [smem:$0x3FFC];
	_ =	sdelay $0x3  }
0x95: {  	_ =	strace s4  }
0x96: {  	s4 =	sld [smem:$0x3FFD];
	_ =	sdelay $0x3  }
0x97: {  	_ =	strace s4  }
0x98: {  	_ =	strace $0x8FFFFFFF  }
0x99: {  	s19 =	sld [smem:$0x3FDB];
	_ =	sdelay $0x1  }
0x9a: {  	s5 =	simm.s32 $_scs_section_size  }
0x9b: {  	s6 =	simm.s32 $_size__tile_overlayer_lowered;
	s7 =	simm.s32 $_tile_overlayer_lowered  }
0x9c: {  	s22 =	simm.s32 $0x1BFF;
	s21 =	sshll.u32 s7, $0x1;
	s4 =	sadd.s32 s5, s19  }
0x9d: {  	s8 =	simm.s32 $0x0;
	s20 =	sshll.u32 s6, $0x1;
	s6 =	sadd.s32 s21, s4  }
0x9e: {  	[timem:s8], [sflag:s22] =	dma.local [hbm:s6], s20  }
0x9f: {  	_ =	swait.ge [sflag:s22], s20  }
0xa0: {  	s5 =	ssub.s32 $0x0, s20;
	[sflag:s22] =	ssyncset.done $0x0  }
0xa1: {  	[sflag:s22] =	ssyncadd.s32 s5;
	_ =	sdelay $0x1  }
0xa2: {  	s23 =	simm.s32 $0x1B8B  }
0xa3: {  	_ =	swait.ge [sflag:s23], $0x1  }
0xa4: {  	[sflag:s23] =	ssyncset.done $0x0  }
0xa5: {  	s25 =	simm.s32 $0x1B8E;
	s24 =	sld [smem:$0x3FFE];
	[sflag:s23] =	ssyncadd.s32 $0xFFFFFFFF  }
0xa6: {  	s26 =	simm.s32 $execute0_lowered;
	[smem:$0x3FD2] =	sst s25  }
0xa7: {  	s6 =	sshll.u32 s26, $0x1;
	_ =	strace $0x80000046;
	[dreg:$0x1] =	wrdreg $0xFFFFFFFF  }
0xa8: {  	s28 =	simm.s32 $_size_execute0_lowered;
	s4 =	sadd.s32 s4, s6;
	[dreg:$0x0] =	wrdreg $0x0  }
0xa9: {  	s6 =	sshll.u32 s28, $0x1;
	[dreg:$0x2] =	wrdreg s4  }
0xaa: {  	[dreg:$0x3] =	wrdreg s6  }
0xab: {  	[dreg:$0x4] =	wrdreg $0xC0  }
0xac: {  	_ =	task [dreg:s8], $0x5FFFF  }
0xad: {  	[dreg:$0x1] =	wrdreg $0xFFFFFFFF  }
0xae: {  	[dreg:$0x0] =	wrdreg $0x60  }
0xaf: {  	[dreg:$0x2] =	wrdreg s2  }
0xb0: {  	[dreg:$0x3] =	wrdreg s24  }
0xb1: {  	[dreg:$0x4] =	wrdreg s18  }
0xb2: {  	[dreg:$0x5] =	wrdreg $0x9  }
0xb3: {  	_ =	task.clear_ibuf [dreg:s8], $0x6FFFF;
	_ =	strace $0x90000046  }
0xb4: {  	s29 =	simm.s32 $0x9;
	_ =	strace $0x80000048  }
0xb5: {  	_ =	swait.ge [sflag:s29], $0x1  }
0xb6: {  	[sflag:s29] =	ssyncadd.s32 $0xFFFFFFFF  }
0xb7: {  	_ =	strace $0x90000048  }
0xb8: {  	_ =	sfence  }
0xb9: {  	s30 =	sld [smem:$0x0];
	_ =	sdelay $0x2  }
0xba: {  	s31 =	sshll.u32 s1, $0xD;
	s1 =	sshrl.u32 s1, $0x2  }
0xbb: {  	s3 =	sand.u32 $0x4000, s31;
	s1 =	sadd.s32 s1, s30  }
0xbc: {  	s0 =	sor.u32 s3, s0;
	s1 =	sshll.u32 s1, $0x11  }
0xbd: {  	s0 =	sor.u32 s1, s0  }
0xbe: {  	s0 =	sadd.s32 $0x8F2B, s0  }
0xbf: {  	[sflag:s0] =	ssyncadd.remote.s32 $0x1  }
0xc0: {  	_ =	sfence.sel $0xFFFF  }
0xc1: {  	[dreg:$0x0] =	wrdreg $0xFFFFFFFF;
	(pc) =	sbr.abs _section_cstart, $3  }
0xc2: {  	[dreg:$0x1] =	wrdreg $0xFFFFFFFF  }
0xc3: {  	_ =	task.clear_ibuf [dreg:s8], $0x2FFFF;
	_ =	strace $0x9FFFFFFF  }
0xc4: {  	(tm) =	ssettm $0x7FFFFFFF  }
0xc5: {  	_ =	shalt  }
tec
execute0_lowered:
.L_overlay_start_1:
0x0: {  	(tag) =	ssettag $0x1  }
0x1: {  	s0 =	rddreg [dreg:$0x0]  }
0x2: {  	s1 =	rddreg [dreg:$0x1];
	s2 =	srdreg.scid  }
0x3: {  	s4 =	stileid.u32;
	s3 =	rddreg [dreg:$0x2]  }
0x4: {  	s6 =	simm.s32 $0x0;
	s2 =	sand.u32 $0x1, s2;
	s4 =	sshll.u32 s4, $0x1  }
0x5: {  	[smem:$0x7FF] =	sst s6;
	s25 =	sadd.s32 $0x187200, s1;
	s5 =	sor.u32 s2, s4  }
0x6: {  	_ =	strace $0x80000047;
	s2 =	ssub.s32 $0x2, s2;
	[dreg:$0x4] =	wrdreg s25  }
0x7: {  	s4 =	smul.u32 $0x500, s5;
	s7 =	sshrl.u32 s2, $0x1;
	s28 =	sshll.u32 s5, $0x6  }
0x8: {  	s5 =	sshll.u32 s5, $0xC;
	s26 =	ssub.s32 s2, s7;
	s0 =	sadd.s32 s0, s28  }
.Ltmp0:
0x9: {  	s30 =	sadd.s32 s3, s5;
	[dreg:$0x6] =	wrdreg s0;
	(pc) =	sbr.rel .LBB2_1-.Ltmp0, $4  }
0xa: {  	s24 =	sadd.s32 s4, s1;
	s1 =	sadd.s32 $0xF42C00, s1;
	[dreg:$0x8] =	wrdreg s30  }
0xb: {  	s31 =	smax.u32 s26, $0x1;
	[dreg:$0x5] =	wrdreg s1  }
0xc: {  	s29 =	sadd.s32 $0x800, s24;
	[dreg:$0x9] =	wrdreg s31  }
0xd: {  	s2 =	simm.s32 $0x0;
	s4 =	simm.s32 $0x410;
	[dreg:$0x7] =	wrdreg s29  }
.LBB2_12:
0xe: {  	s0 =	simm.s32 $0x5  }
0xf: {  	_ =	swait.ge [sflag:s0], $0x400  }
0x10: {  	[sflag:s0] =	ssyncset.done $0x0  }
0x11: {  	s1 =	simm.s32 $0x6;
	[sflag:s0] =	ssyncadd.s32 $0xFFFFFC00  }
0x12: {  	_ =	swait.ge [sflag:s1], $0x400  }
0x13: {  	s2 =	rddreg [dreg:$0xa]  }
0x14: {  	s31 =	rddreg [dreg:$0x9];
	s2 =	sadd.s32 $0x1, s2  }
0x15: {  	p0 =	sne.s32 s2, s31  }
.Ltmp1:
0x16: {  	_ = 	snop;
	(pc) =	sbr.rel @!p0 .LBB2_13-.Ltmp1, $3  }
0x17: {  	_ =	sdelay $0x1  }
0x18: {  	[sflag:s1] =	ssyncset.done $0x0  }
0x19: {  	s4 =	simm.s32 $0x410;
	[sflag:s1] =	ssyncadd.s32 $0xFFFFFC00  }
.LBB2_1:
0x1a: {  	[dreg:$0xa] =	wrdreg s2  }
0x1b: {  	s0 =	simm.s32 $0x0;
	s1 =	rddreg [dreg:$0x6];
	s30 =	simm.s32 $0x7  }
0x1c: {  	[tilespmem:s0], [sflag:$0x7] =	stream.linear.gather [hbm4b:s1+s0], $0x200, $0x38;
	[tilespmem:$0x1AC30] =	vst v63  }
0x1d: {  	_ =	swait.ge [sflag:s30], $0x200  }
0x1e: {  	[sflag:s30] =	ssyncset.done $0x0  }
0x1f: {  	s31 =	rddreg [dreg:$0x7];
	[sflag:s30] =	ssyncadd.s32 $0xFFFFFE00  }
0x20: {  	[tilespmem:s4], [sflag:$0x7] =	stream.linear.gather [hbm4b:s31+s0], $0x2800, $0x38;
	[tilespmem:$0x1AC30] =	vst v63  }
0x21: {  	_ =	swait.ge [sflag:s30], $0x2800  }
0x22: {  	[sflag:s30] =	ssyncset.done $0x0  }
0x23: {  	s1 =	simm.s32 $0x0;
	[sflag:s30] =	ssyncadd.s32 $0xFFFFD800  }
0x24: {  	v0 =	vld [tilespmem:s1+$0x410]  }
0x25: {  	v1 =	vld [tilespmem:s1+$0x420]  }
0x26: {  	v3 =	vld [tilespmem:s1+$0x430]  }
0x27: {  	v4 =	vld [tilespmem:s1+$0x440];
	_ =	sdelay $0x2  }
0x28: {  	v2 =	vshrl.u32 v0, $0x1  }
0x29: {  	v5 =	vshrl.u32 v3, $0x1;
	[tilespmem:s1+$0x410] =	vst v2;
	v2 =	vshrl.u32 v1, $0x1  }
0x2a: {  	s0 =	simm.s32 $0x40;
	v6 =	vshll.u32 v1, $0x6;
	v7 =	vshrl.u32 v4, $0x1;
	[tilespmem:s1+$0x420] =	vst v2;
	v2 =	vshll.u32 v0, $0x6  }
0x2b: {  	v8 =	vshll.u32 v4, $0x6;
	v0 =	vld [tilespmem:s0+$0x410];
	v2 =	vand.u32 $0x40, v2;
	[tilespmem:s1+$0x430] =	vst v5;
	v5 =	vshll.u32 v3, $0x6  }
0x2c: {  	s2 =	simm.s32 $0x200;
	v3 =	vand.u32 $0x40, v6;
	v1 =	vld [tilespmem:s0+$0x420];
	v4 =	vand.u32 $0x40, v5;
	[tilespmem:s1+$0x440] =	vst v7;
	v5 =	vand.u32 $0x40, v8  }
.LBB2_2:
0x2d: {  	p0 =	sne.s32 s2, $0x9F00;
	v6 =	vld [tilespmem:s0+$0x430];
	[tilespmem:s1+$0x2C10] =	vst v2  }
0x2e: {  	v7 =	vld [tilespmem:s0+$0x440];
	[tilespmem:s1+$0x2C20] =	vst v3  }
0x2f: {  	[tilespmem:s1+$0x2C30] =	vst v4  }
.Ltmp2:
0x30: {  	v2 =	vshrl.u32 v0, $0x1;
	v0 =	vshll.u32 v0, $0x6;
	[tilespmem:s1+$0x2C40] =	vst v5;
	s1 =	smov.u32 s0;
	(pc) =	sbr.rel @p0 .LBB2_2-.Ltmp2, $4  }
0x31: {  	[tilespmem:s1+$0x410] =	vst v2;
	v2 =	vand.u32 $0x40, v0;
	v0 =	vshrl.u32 v1, $0x1;
	v1 =	vshll.u32 v1, $0x6  }
0x32: {  	s0 =	sshra.s32 s2, $0x2;
	[tilespmem:s1+$0x420] =	vst v0;
	v3 =	vand.u32 $0x40, v1;
	v1 =	vshrl.u32 v6, $0x1;
	v4 =	vshll.u32 v6, $0x6  }
0x33: {  	v0 =	vld [tilespmem:s0+$0x410];
	[tilespmem:s1+$0x430] =	vst v1;
	v4 =	vand.u32 $0x40, v4;
	v5 =	vshrl.u32 v7, $0x1;
	v6 =	vshll.u32 v7, $0x6  }
0x34: {  	s2 =	sadd.s32 $0x100, s2;
	v1 =	vld [tilespmem:s0+$0x420];
	[tilespmem:s1+$0x440] =	vst v5;
	v5 =	vand.u32 $0x40, v6  }
0x35: {  	v6 =	vld [tilespmem:s0+$0x430];
	[tilespmem:s1+$0x2C10] =	vst v2  }
0x36: {  	v2 =	vld [tilespmem:s0+$0x440];
	[tilespmem:s1+$0x2C20] =	vst v3  }
0x37: {  	[tilespmem:s1+$0x2C30] =	vst v4  }
0x38: {  	[tilespmem:s1+$0x2C40] =	vst v5;
	v3 =	vshrl.u32 v0, $0x1  }
0x39: {  	v0 =	vshll.u32 v0, $0x6;
	[tilespmem:s0+$0x410] =	vst v3;
	v3 =	vshrl.u32 v1, $0x1  }
0x3a: {  	v0 =	vand.u32 $0x40, v0;
	[tilespmem:s0+$0x420] =	vst v3  }
0x3b: {  	v1 =	vshll.u32 v1, $0x6;
	v3 =	vshrl.u32 v6, $0x1;
	[tilespmem:s0+$0x2C10] =	vst v0  }
0x3c: {  	v1 =	vand.u32 $0x40, v1;
	[tilespmem:s0+$0x430] =	vst v3  }
0x3d: {  	v3 =	vshrl.u32 v2, $0x1;
	v2 =	vshll.u32 v2, $0x6;
	[tilespmem:s0+$0x2C20] =	vst v1  }
0x3e: {  	[tilespmem:s0+$0x440] =	vst v3;
	v3 =	vshll.u32 v6, $0x6;
	v1 =	vand.u32 $0x40, v2  }
0x3f: {  	v0 =	vand.u32 $0x40, v3;
	[tilespmem:s0+$0x2C40] =	vst v1  }
0x40: {  	[tilespmem:s0+$0x2C30] =	vst v0;
	s0 =	simm.s32 $0x0  }
0x41: {  	v0 =	vld [tilespmem:s0+$0x0];
	_ =	sdelay $0x4  }
0x42: {  	s2 =	simm.s32 $0x40;
	s1 =	simm.s32 $0x80;
	v1 =	vshrl.u32 v0, $0x1;
	v0 =	vshll.u32 v0, $0x6  }
.LBB2_4:
0x43: {  	p0 =	sne.s32 s1, $0x7C0;
	s3 =	sshra.s32 s2, $0x2;
	[tilespmem:s0+$0x0] =	vst v1;
	v0 =	vand.u32 $0x40, v0;
	s2 =	smov.u32 s1  }
0x44: {  	v2 =	vld [tilespmem:s3+$0x0];
	[tilespmem:s0+$0x200] =	vst v0;
	s0 =	smov.u32 s3  }
.Ltmp3:
0x45: {  	(pc) =	sbr.rel @p0 .LBB2_4-.Ltmp3, $2  }
0x46: {  	_ =	sdelay $0x2  }
0x47: {  	s1 =	sadd.s32 $0x40, s1;
	v1 =	vshrl.u32 v2, $0x1;
	v0 =	vshll.u32 v2, $0x6  }
0x48: {  	s1 =	sshra.s32 s2, $0x2;
	[tilespmem:s0+$0x0] =	vst v1  }
0x49: {  	v1 =	vld [tilespmem:s1+$0x0];
	_ =	sdelay $0x3  }
0x4a: {  	v0 =	vand.u32 $0x40, v0  }
0x4b: {  	[tilespmem:s0+$0x200] =	vst v0;
	v62 =	vshrl.u32 v1, $0x1;
	v1 =	vshll.u32 v1, $0x6  }
0x4c: {  	[tilespmem:s1+$0x0] =	vst v62;
	v63 =	vand.u32 $0x40, v1  }
0x4d: {  	s2 =	rddreg [dreg:$0x5];
	s6 =	simm.s32 $0x40;
	s7 =	simm.s32 $0x5430;
	[tilespmem:s1+$0x200] =	vst v63  }
0x4e: {  	[tilespmem:s7], [sflag:$0x1] =	stream.indirect.gather [hbm4b:s2+s6], $0x80, s4, s6, $0xb8;
	[tilespmem:$0x1AC30] =	vst v63  }
0x4f: {  	s8 =	simm.s32 $0x450;
	s3 =	simm.s32 $0x7430  }
0x50: {  	[tilespmem:s3], [sflag:$0x1] =	stream.indirect.gather [hbm4b:s2+s6], $0x80, s8, s6, $0xb8;
	[tilespmem:$0x1AC30] =	vst v63  }
0x51: {  	s9 =	simm.s32 $0x490;
	s10 =	simm.s32 $0x9430  }
0x52: {  	[tilespmem:s10], [sflag:$0x1] =	stream.indirect.gather [hbm4b:s2+s6], $0x80, s9, s6, $0xb8;
	[tilespmem:$0x1AC30] =	vst v63  }
0x53: {  	s11 =	simm.s32 $0x4D0;
	s12 =	simm.s32 $0xB430  }
0x54: {  	[tilespmem:s12], [sflag:$0x1] =	stream.indirect.gather [hbm4b:s2+s6], $0x80, s11, s6, $0xb8;
	[tilespmem:$0x1AC30] =	vst v63  }
0x55: {  	s13 =	simm.s32 $0x510;
	s14 =	simm.s32 $0xD430;
	s5 =	simm.s32 $0x0  }
0x56: {  	[tilespmem:s14], [sflag:$0x1] =	stream.indirect.gather [hbm4b:s2+s6], $0x80, s13, s6, $0xb8;
	[tilespmem:$0x1AC30] =	vst v63  }
0x57: {  	s15 =	rddreg [dreg:$0x4];
	s16 =	simm.s32 $0x10;
	s17 =	simm.s32 $0x19430  }
0x58: {  	[tilespmem:s17], [sflag:$0x3] =	stream.indirect.gather [hbm4b:s15+s16], $0x80, s5, s16, $0xb8;
	[tilespmem:$0x1AC30] =	vst v63  }
0x59: {  	s18 =	simm.s32 $0x550;
	s19 =	simm.s32 $0xF430  }
0x5a: {  	[tilespmem:s19], [sflag:$0x2] =	stream.indirect.gather [hbm4b:s2+s6], $0x80, s18, s6, $0xb8;
	[tilespmem:$0x1AC30] =	vst v63  }
0x5b: {  	s20 =	simm.s32 $0x590;
	s21 =	simm.s32 $0x11430  }
0x5c: {  	[tilespmem:s21], [sflag:$0x2] =	stream.indirect.gather [hbm4b:s2+s6], $0x80, s20, s6, $0xb8;
	[tilespmem:$0x1AC30] =	vst v63  }
0x5d: {  	s22 =	simm.s32 $0x5D0;
	s23 =	simm.s32 $0x13430  }
0x5e: {  	[tilespmem:s23], [sflag:$0x2] =	stream.indirect.gather [hbm4b:s2+s6], $0x80, s22, s6, $0xb8;
	[tilespmem:$0x1AC30] =	vst v63  }
0x5f: {  	s24 =	simm.s32 $0x610;
	s25 =	simm.s32 $0x15430  }
0x60: {  	[tilespmem:s25], [sflag:$0x2] =	stream.indirect.gather [hbm4b:s2+s6], $0x80, s24, s6, $0xb8;
	[tilespmem:$0x1AC30] =	vst v63  }
0x61: {  	s26 =	simm.s32 $0x650;
	s28 =	simm.s32 $0x17430;
	s31 =	simm.s32 $0x210  }
0x62: {  	[tilespmem:s28], [sflag:$0x2] =	stream.indirect.gather [hbm4b:s2+s6], $0x80, s26, s6, $0xb8;
	[tilespmem:$0x1AC30] =	vst v63  }
0x63: {  	s29 =	simm.s32 $0x19C30;
	s30 =	simm.s32 $0x140;
	[dreg:$0xc] =	wrdreg s31  }
0x64: {  	[tilespmem:s29], [sflag:$0x4] =	stream.indirect.gather [hbm4b:s15+s16], $0x80, s16, s16, $0xb8;
	[tilespmem:$0x1AC30] =	vst v63  }
0x65: {  	s1 =	simm.s32 $0x0;
	s4 =	simm.s32 $0x200;
	s16 =	simm.s32 $0x0  }
.LBB2_6:
0x66: {  	s0 =	simm.s32 $0x1  }
0x67: {  	_ =	swait.ge [sflag:s0], $0x2000  }
0x68: {  	[sflag:s0] =	ssyncset.done $0x0  }
0x69: {  	[sflag:s0] =	ssyncadd.s32 $0xFFFFE000  }
0x6a: {  	_ =	swait.ge [sflag:s0], $0x2000  }
0x6b: {  	[sflag:s0] =	ssyncset.done $0x0  }
0x6c: {  	[sflag:s0] =	ssyncadd.s32 $0xFFFFE000  }
0x6d: {  	_ =	swait.ge [sflag:s0], $0x2000  }
0x6e: {  	[sflag:s0] =	ssyncset.done $0x0  }
0x6f: {  	[sflag:s0] =	ssyncadd.s32 $0xFFFFE000  }
0x70: {  	_ =	swait.ge [sflag:s0], $0x2000  }
0x71: {  	[sflag:s0] =	ssyncset.done $0x0  }
0x72: {  	[sflag:s0] =	ssyncadd.s32 $0xFFFFE000  }
0x73: {  	_ =	swait.ge [sflag:s0], $0x2000  }
0x74: {  	[sflag:s0] =	ssyncset.done $0x0  }
0x75: {  	s14 =	simm.s32 $0x3;
	[sflag:s0] =	ssyncadd.s32 $0xFFFFE000  }
0x76: {  	_ =	swait.ge [sflag:s14], $0x800  }
0x77: {  	p0 =	seq.s32 s16, $0x0;
	[sflag:s14] =	ssyncset.done $0x0  }
0x78: {  	s0 =	simm.s32 @!p0 $0x5;
	[sflag:s14] =	ssyncadd.s32 $0xFFFFF800  }
0x79: {  	s2 =	sadd.s32 $0x0, s1;
	s3 =	simm.s32 $0x0;
	_ =	swait.ge @!p0 [sflag:s0], $0x400  }
0x7a: {  	s2 =	sand.u32 $0x7FF8, s2;
	s3 =	sand.u32 $0x4, s3;
	[sflag:s0] =	ssyncset.done @!p0 $0x0  }
0x7b: {  	s9 =	sor.u32 s3, s2;
	[sflag:s0] =	ssyncadd.s32 @!p0 $0xFFFFFC00  }
0x7c: {  	v0 =	vld [tilespmem:s9+$0x2C10];
	_ =	sdelay $0x4  }
0x7d: {  	(v2sf) =	vpush v0, $0xB  }
0x7e: {  	v1 =	vld [tilespmem:s4+$0x0];
	(v2sf) =	vpush v0, $0x2  }
0x7f: {  	(v2sf) =	vpush v0, $0x1;
	_ =	sdelay $0x1  }
0x80: {  	(v2sf) =	vpush v0, $0x0;
	_ =	sdelay $0x1  }
0x81: {  	(v2sf) =	vpush v1, $0x0;
	_ =	sdelay $0x2  }
0x82: {  	(v2sf) =	vpush v0, $0x3;
	_ =	sdelay $0x3  }
0x83: {  	(v2sf) =	vpush v0, $0x5;
	_ =	sdelay $0x1  }
0x84: {  	(v2sf) =	vpush v0, $0x4;
	s15 =	spop (v2sf)  }
0x85: {  	s17 =	spop (v2sf)  }
0x86: {  	s6 =	sand.u32 $0x7, s15;
	s0 =	sshll.u32 s15, $0x2;
	s18 =	spop (v2sf)  }
0x87: {  	s5 =	sand.u32 $0x7, s17;
	s7 =	sshll.u32 s17, $0x2;
	s14 =	sand.u32 $0xFFFFFFE0, s0  }
0x88: {  	s6 =	sshll.u32 s6, $0x2;
	s19 =	spop (v2sf);
	s8 =	sand.u32 $0x7, s18  }
0x89: {  	s3 =	sshll.u32 s18, $0x2;
	s5 =	sshll.u32 s5, $0x2;
	s7 =	sand.u32 $0xFFFFFFE0, s7  }
0x8a: {  	(v2sf) =	vpush v0, $0x6;
	s6 =	sor.u32 s6, s14;
	s10 =	spop (v2sf);
	s11 =	sand.u32 $0x7, s19  }
0x8b: {  	(v2sf) =	vpush v0, $0x7;
	s3 =	sand.u32 $0xFFFFFFE0, s3;
	s2 =	sshll.u32 s19, $0x2;
	s8 =	sshll.u32 s8, $0x2  }
0x8c: {  	s5 =	sor.u32 s5, s7;
	s6 =	sshra.s32 s6, $0x2;
	s12 =	sand.u32 $0x7, s10  }
0x8d: {  	(v2sf) =	vpush v0, $0x8;
	s11 =	sshll.u32 s11, $0x2;
	s20 =	sshll.u32 s10, $0x2;
	s21 =	spop (v2sf)  }
0x8e: {  	s2 =	sand.u32 $0xFFFFFFE0, s2;
	s3 =	sor.u32 s8, s3;
	s19 =	sshra.s32 s5, $0x2  }
0x8f: {  	(v2sf) =	vpush v0, $0x9;
	s0 =	sand.u32 $0xFFFFFFE0, s20;
	s12 =	sshll.u32 s12, $0x2;
	s13 =	sand.u32 $0x7, s21  }
0x90: {  	s2 =	sor.u32 s11, s2;
	s10 =	sshll.u32 s21, $0x2;
	s23 =	sshra.s32 s3, $0x2  }
0x91: {  	(v2sf) =	vpush v0, $0xA;
	s25 =	spop (v2sf);
	s0 =	sor.u32 s12, s0;
	s22 =	sshll.u32 s13, $0x2  }
0x92: {  	s11 =	sshra.s32 s2, $0x2;
	s24 =	sand.u32 $0xFFFFFFE0, s10;
	s2 =	sadd.s32 $0x0, s23  }
0x93: {  	s26 =	sand.u32 $0x7, s25;
	s7 =	sshll.u32 s25, $0x2;
	s28 =	spop (v2sf)  }
0x94: {  	s0 =	sshra.s32 s0, $0x2;
	s3 =	sor.u32 s22, s24;
	s29 =	sand.u32 $0x7, s28  }
0x95: {  	(v2sf) =	vpush v0, $0xC;
	s10 =	sshll.u32 s28, $0x2;
	s31 =	sand.u32 $0xFFFFFFE0, s7;
	s5 =	sadd.s32 $0x0, s11  }
0x96: {  	s7 =	sadd.s32 $0x0, s19;
	s21 =	sshll.u32 s26, $0x2;
	s0 =	sadd.s32 $0x19430, s0  }
0x97: {  	s3 =	sshra.s32 s3, $0x2;
	s17 =	sand.u32 $0xFFFFFFE0, s10;
	s18 =	sshll.u32 s29, $0x2;
	v1 =	vld [tilespmem:s0+$0x0]  }
0x98: {  	s12 =	sor.u32 s21, s31;
	s3 =	sadd.s32 $0x0, s3;
	s10 =	sor.u32 s18, s17  }
0x99: {  	v2 =	vld [tilespmem:s5+$0x5430];
	s28 =	sshra.s32 s12, $0x2;
	s10 =	sshra.s32 s10, $0x2;
	s20 =	spop (v2sf)  }
0x9a: {  	s8 =	sadd.s32 $0x0, s10;
	(v2sf) =	vpush v0, $0xD;
	s15 =	sand.u32 $0x7, s20;
	s23 =	spop (v2sf)  }
0x9b: {  	v3 =	vld [tilespmem:s2+$0x54B0];
	s22 =	sshll.u32 s20, $0x2;
	s15 =	sshll.u32 s15, $0x2;
	s17 =	sand.u32 $0x7, s23  }
0x9c: {  	v5 =	vld [tilespmem:s9+$0x2C20];
	v1 =	vmul.f32 $2.000000000e+01, v1;
	(v2sf) =	vpush v0, $0xE;
	s11 =	sshll.u32 s23, $0x2;
	s10 =	sand.u32 $0xFFFFFFE0, s22;
	s24 =	spop (v2sf)  }
0x9d: {  	v4 =	vld [tilespmem:s7+$0x5530];
	s11 =	sand.u32 $0xFFFFFFE0, s11;
	s17 =	sshll.u32 s17, $0x2;
	s10 =	sor.u32 s15, s10  }
0x9e: {  	v1 =	vadd.f32 v2, v1;
	s25 =	sshll.u32 s24, $0x2;
	s29 =	spop (v2sf);
	s15 =	sand.u32 $0x7, s24  }
0x9f: {  	v2 =	vld [tilespmem:s3+$0x55B0];
	(v2sf) =	vpush v0, $0xF;
	s11 =	sor.u32 s17, s11;
	s10 =	sshra.s32 s10, $0x2;
	s26 =	sand.u32 $0xFFFFFFE0, s25  }
0xa0: {  	v0 =	vadd.f32 v3, v1;
	s31 =	sand.u32 $0x7, s29;
	s12 =	sshll.u32 s29, $0x2;
	s18 =	spop (v2sf)  }
0xa1: {  	v1 =	vld [tilespmem:s8+$0x5630];
	(v2sf) =	vpush v5, $0x1;
	s15 =	sshll.u32 s15, $0x2;
	s11 =	sshra.s32 s11, $0x2;
	s10 =	sadd.s32 $0x0, s10  }
0xa2: {  	s12 =	sand.u32 $0xFFFFFFE0, s12;
	v0 =	vadd.f32 v4, v0;
	s9 =	sadd.s32 $0x0, s11;
	s11 =	sadd.s32 $0x0, s28  }
0xa3: {  	(v2sf) =	vpush v5, $0x0;
	s17 =	sshll.u32 s31, $0x2;
	s19 =	sand.u32 $0x7, s18;
	s18 =	sshll.u32 s18, $0x2;
	v3 =	vld [tilespmem:s11+$0x56B0]  }
0xa4: {  	s13 =	sor.u32 s15, s26;
	s21 =	spop (v2sf);
	s12 =	sor.u32 s17, s12;
	v0 =	vadd.f32 v2, v0  }
0xa5: {  	(v2sf) =	vpush v5, $0x2;
	s19 =	sshll.u32 s19, $0x2;
	s20 =	sand.u32 $0xFFFFFFE0, s18;
	s13 =	sshra.s32 s13, $0x2;
	v2 =	vld [tilespmem:s10+$0x5730]  }
0xa6: {  	s22 =	sand.u32 $0x7, s21;
	s17 =	sshll.u32 s21, $0x2;
	s12 =	sshra.s32 s12, $0x2;
	v0 =	vadd.f32 v1, v0  }
0xa7: {  	s15 =	sor.u32 s19, s20;
	s13 =	sadd.s32 $0x0, s13;
	s17 =	sand.u32 $0xFFFFFFE0, s17;
	v1 =	vld [tilespmem:s9+$0x57B0]  }
0xa8: {  	s24 =	sshll.u32 s22, $0x2;
	s12 =	sadd.s32 $0x0, s12;
	s15 =	sshra.s32 s15, $0x2;
	v0 =	vadd.f32 v3, v0  }
0xa9: {  	s25 =	sor.u32 s24, s17;
	s14 =	sadd.s32 $0x0, s15;
	v3 =	vld [tilespmem:s13+$0x5830];
	s23 =	spop (v2sf)  }
0xaa: {  	s28 =	sshra.s32 s25, $0x2;
	s15 =	sadd.s32 $0x0, s6;
	v0 =	vadd.f32 v2, v0;
	(v2sf) =	vpush v5, $0x3;
	s26 =	sshll.u32 s23, $0x2  }
0xab: {  	v2 =	vld [tilespmem:s12+$0x58B0];
	s20 =	sand.u32 $0x7, s23;
	s31 =	spop (v2sf);
	s17 =	sand.u32 $0xFFFFFFE0, s26  }
0xac: {  	v0 =	vadd.f32 v1, v0;
	s29 =	sshll.u32 s20, $0x2;
	s22 =	sand.u32 $0x7, s31;
	s20 =	sshll.u32 s31, $0x2  }
0xad: {  	v1 =	vld [tilespmem:s14+$0x5930];
	s21 =	sor.u32 s29, s17;
	s17 =	sadd.s32 $0x0, s28;
	s20 =	sand.u32 $0xFFFFFFE0, s20  }
0xae: {  	v0 =	vadd.f32 v3, v0;
	s19 =	sshll.u32 s22, $0x2;
	s6 =	sshra.s32 s21, $0x2;
	s21 =	spop (v2sf)  }
0xaf: {  	v3 =	vld [tilespmem:s15+$0x59B0];
	s23 =	sor.u32 s19, s20;
	s18 =	sadd.s32 $0x0, s6;
	s24 =	sand.u32 $0x7, s21  }
0xb0: {  	v0 =	vadd.f32 v2, v0;
	s6 =	sshra.s32 s23, $0x2;
	s25 =	sshll.u32 s21, $0x2;
	s29 =	spop (v2sf)  }
0xb1: {  	v2 =	vld [tilespmem:s17+$0x5A30];
	s26 =	sshll.u32 s24, $0x2;
	s19 =	sadd.s32 $0x0, s6;
	s28 =	sand.u32 $0xFFFFFFE0, s25  }
0xb2: {  	s31 =	sand.u32 $0x7, s29;
	s22 =	spop (v2sf);
	s24 =	sshll.u32 s29, $0x2;
	v0 =	vadd.f32 v1, v0  }
0xb3: {  	s6 =	sor.u32 s26, s28;
	v1 =	vld [tilespmem:s18+$0x5AB0];
	s23 =	sand.u32 $0x7, s22;
	s25 =	sshll.u32 s22, $0x2  }
0xb4: {  	s21 =	sshll.u32 s31, $0x2;
	s28 =	spop (v2sf);
	s6 =	sshra.s32 s6, $0x2;
	v0 =	vadd.f32 v3, v0  }
0xb5: {  	s26 =	sshll.u32 s23, $0x2;
	s20 =	sadd.s32 $0x0, s6;
	v3 =	vld [tilespmem:s19+$0x5B30];
	s6 =	sand.u32 $0xFFFFFFE0, s25  }
0xb6: {  	s29 =	sand.u32 $0xFFFFFFE0, s24;
	s31 =	sshll.u32 s28, $0x2;
	s6 =	sor.u32 s26, s6;
	v0 =	vadd.f32 v2, v0  }
0xb7: {  	s21 =	sor.u32 s21, s29;
	s25 =	sand.u32 $0x7, s28;
	v2 =	vld [tilespmem:s20+$0x5BB0];
	s6 =	sshra.s32 s6, $0x2  }
0xb8: {  	s24 =	sand.u32 $0xFFFFFFE0, s31;
	s26 =	sshra.s32 s21, $0x2;
	s21 =	sadd.s32 $0x0, s6;
	v0 =	vadd.f32 v1, v0  }
0xb9: {  	s28 =	sshll.u32 s25, $0x2;
	s22 =	sadd.s32 $0x0, s26;
	v1 =	vld [tilespmem:s21+$0x5C30];
	s29 =	spop (v2sf)  }
0xba: {  	s6 =	sor.u32 s28, s24;
	v0 =	vadd.f32 v3, v0;
	s31 =	sand.u32 $0x7, s29;
	s23 =	sshll.u32 s29, $0x2  }
0xbb: {  	s6 =	sshra.s32 s6, $0x2;
	v3 =	vld [tilespmem:s22+$0x5CB0];
	s25 =	sand.u32 $0xFFFFFFE0, s23;
	s24 =	sshll.u32 s31, $0x2  }
0xbc: {  	s26 =	sadd.s32 $0x0, s6;
	v0 =	vadd.f32 v2, v0;
	s28 =	sor.u32 s24, s25  }
0xbd: {  	v2 =	vld [tilespmem:s26+$0x5D30];
	s6 =	sshra.s32 s28, $0x2  }
0xbe: {  	v0 =	vadd.f32 v1, v0;
	s29 =	sadd.s32 $0x0, s6  }
0xbf: {  	v1 =	vld [tilespmem:s29+$0x5DB0]  }
0xc0: {  	v0 =	vadd.f32 v3, v0;
	_ =	sdelay $0x1  }
0xc1: {  	v0 =	vadd.f32 v2, v0;
	_ =	sdelay $0x1  }
0xc2: {  	v0 =	vadd.f32 v1, v0;
	_ =	sdelay $0x1  }
0xc3: {  	v0 =	vmul.f32 $2.500000040e-02, v0  }
0xc4: {  	s6 =	simm.s32 $0x1A450  }
0xc5: {  	[tilespmem:s6+$0xFFFFFFE0] =	vst v0  }
0xc6: {  	v0 =	vld [tilespmem:s0+$0x10];
	_ =	sdelay $0x1  }
0xc7: {  	v1 =	vld [tilespmem:s5+$0x5440];
	_ =	sdelay $0x1  }
0xc8: {  	v2 =	vld [tilespmem:s2+$0x54C0]  }
0xc9: {  	v0 =	vmul.f32 $2.000000000e+01, v0  }
0xca: {  	v3 =	vld [tilespmem:s7+$0x5540]  }
0xcb: {  	v0 =	vadd.f32 v1, v0  }
0xcc: {  	v1 =	vld [tilespmem:s3+$0x55C0]  }
0xcd: {  	v0 =	vadd.f32 v2, v0  }
0xce: {  	v2 =	vld [tilespmem:s8+$0x5640]  }
0xcf: {  	v0 =	vadd.f32 v3, v0  }
0xd0: {  	v3 =	vld [tilespmem:s11+$0x56C0]  }
0xd1: {  	v0 =	vadd.f32 v1, v0  }
0xd2: {  	v1 =	vld [tilespmem:s10+$0x5740]  }
0xd3: {  	v0 =	vadd.f32 v2, v0  }
0xd4: {  	v2 =	vld [tilespmem:s9+$0x57C0]  }
0xd5: {  	v0 =	vadd.f32 v3, v0  }
0xd6: {  	v3 =	vld [tilespmem:s13+$0x5840]  }
0xd7: {  	v0 =	vadd.f32 v1, v0  }
0xd8: {  	v1 =	vld [tilespmem:s12+$0x58C0]  }
0xd9: {  	v0 =	vadd.f32 v2, v0  }
0xda: {  	v2 =	vld [tilespmem:s14+$0x5940]  }
0xdb: {  	v0 =	vadd.f32 v3, v0  }
0xdc: {  	v3 =	vld [tilespmem:s15+$0x59C0]  }
0xdd: {  	v0 =	vadd.f32 v1, v0  }
0xde: {  	v1 =	vld [tilespmem:s17+$0x5A40]  }
0xdf: {  	v0 =	vadd.f32 v2, v0  }
0xe0: {  	v2 =	vld [tilespmem:s18+$0x5AC0]  }
0xe1: {  	v0 =	vadd.f32 v3, v0  }
0xe2: {  	v3 =	vld [tilespmem:s19+$0x5B40]  }
0xe3: {  	v0 =	vadd.f32 v1, v0  }
0xe4: {  	v1 =	vld [tilespmem:s20+$0x5BC0]  }
0xe5: {  	v0 =	vadd.f32 v2, v0  }
0xe6: {  	v2 =	vld [tilespmem:s21+$0x5C40]  }
0xe7: {  	v0 =	vadd.f32 v3, v0  }
0xe8: {  	v3 =	vld [tilespmem:s22+$0x5CC0]  }
0xe9: {  	v0 =	vadd.f32 v1, v0  }
0xea: {  	v1 =	vld [tilespmem:s26+$0x5D40]  }
0xeb: {  	v0 =	vadd.f32 v2, v0  }
0xec: {  	v2 =	vld [tilespmem:s29+$0x5DC0]  }
0xed: {  	v0 =	vadd.f32 v3, v0;
	_ =	sdelay $0x1  }
0xee: {  	v0 =	vadd.f32 v1, v0;
	_ =	sdelay $0x1  }
0xef: {  	v0 =	vadd.f32 v2, v0;
	_ =	sdelay $0x1  }
0xf0: {  	v0 =	vmul.f32 $2.500000040e-02, v0;
	_ =	sdelay $0x1  }
0xf1: {  	[tilespmem:s6+$0xFFFFFFF0] =	vst v0  }
0xf2: {  	v0 =	vld [tilespmem:s0+$0x20];
	_ =	sdelay $0x1  }
0xf3: {  	v1 =	vld [tilespmem:s5+$0x5450];
	_ =	sdelay $0x1  }
0xf4: {  	v2 =	vld [tilespmem:s2+$0x54D0]  }
0xf5: {  	v0 =	vmul.f32 $2.000000000e+01, v0  }
0xf6: {  	v3 =	vld [tilespmem:s7+$0x5550]  }
0xf7: {  	v0 =	vadd.f32 v1, v0  }
0xf8: {  	v1 =	vld [tilespmem:s3+$0x55D0]  }
0xf9: {  	v0 =	vadd.f32 v2, v0  }
0xfa: {  	v2 =	vld [tilespmem:s8+$0x5650]  }
0xfb: {  	v0 =	vadd.f32 v3, v0  }
0xfc: {  	v3 =	vld [tilespmem:s11+$0x56D0]  }
0xfd: {  	v0 =	vadd.f32 v1, v0  }
0xfe: {  	v1 =	vld [tilespmem:s10+$0x5750]  }
0xff: {  	v0 =	vadd.f32 v2, v0  }
0x100: {  	v2 =	vld [tilespmem:s9+$0x57D0]  }
0x101: {  	v0 =	vadd.f32 v3, v0  }
0x102: {  	v3 =	vld [tilespmem:s13+$0x5850]  }
0x103: {  	v0 =	vadd.f32 v1, v0  }
0x104: {  	v1 =	vld [tilespmem:s12+$0x58D0]  }
0x105: {  	v0 =	vadd.f32 v2, v0  }
0x106: {  	v2 =	vld [tilespmem:s14+$0x5950]  }
0x107: {  	v0 =	vadd.f32 v3, v0  }
0x108: {  	v3 =	vld [tilespmem:s15+$0x59D0]  }
0x109: {  	v0 =	vadd.f32 v1, v0  }
0x10a: {  	v1 =	vld [tilespmem:s17+$0x5A50]  }
0x10b: {  	v0 =	vadd.f32 v2, v0  }
0x10c: {  	v2 =	vld [tilespmem:s18+$0x5AD0]  }
0x10d: {  	v0 =	vadd.f32 v3, v0  }
0x10e: {  	v3 =	vld [tilespmem:s19+$0x5B50]  }
0x10f: {  	v0 =	vadd.f32 v1, v0  }
0x110: {  	v1 =	vld [tilespmem:s20+$0x5BD0]  }
0x111: {  	v0 =	vadd.f32 v2, v0  }
0x112: {  	v2 =	vld [tilespmem:s21+$0x5C50]  }
0x113: {  	v0 =	vadd.f32 v3, v0  }
0x114: {  	v3 =	vld [tilespmem:s22+$0x5CD0]  }
0x115: {  	v0 =	vadd.f32 v1, v0  }
0x116: {  	v1 =	vld [tilespmem:s26+$0x5D50]  }
0x117: {  	v0 =	vadd.f32 v2, v0  }
0x118: {  	v2 =	vld [tilespmem:s29+$0x5DD0]  }
0x119: {  	v0 =	vadd.f32 v3, v0;
	_ =	sdelay $0x1  }
0x11a: {  	v0 =	vadd.f32 v1, v0;
	_ =	sdelay $0x1  }
0x11b: {  	v0 =	vadd.f32 v2, v0;
	_ =	sdelay $0x1  }
0x11c: {  	v0 =	vmul.f32 $2.500000040e-02, v0;
	_ =	sdelay $0x1  }
0x11d: {  	[tilespmem:s6+$0x0] =	vst v0  }
0x11e: {  	v0 =	vld [tilespmem:s0+$0x30];
	_ =	sdelay $0x1  }
0x11f: {  	v1 =	vld [tilespmem:s5+$0x5460];
	_ =	sdelay $0x1  }
0x120: {  	v2 =	vld [tilespmem:s2+$0x54E0]  }
0x121: {  	v0 =	vmul.f32 $2.000000000e+01, v0  }
0x122: {  	v3 =	vld [tilespmem:s7+$0x5560]  }
0x123: {  	v0 =	vadd.f32 v1, v0  }
0x124: {  	v1 =	vld [tilespmem:s3+$0x55E0]  }
0x125: {  	v0 =	vadd.f32 v2, v0  }
0x126: {  	v2 =	vld [tilespmem:s8+$0x5660]  }
0x127: {  	v0 =	vadd.f32 v3, v0  }
0x128: {  	v3 =	vld [tilespmem:s11+$0x56E0]  }
0x129: {  	v0 =	vadd.f32 v1, v0  }
0x12a: {  	v1 =	vld [tilespmem:s10+$0x5760]  }
0x12b: {  	v0 =	vadd.f32 v2, v0  }
0x12c: {  	v2 =	vld [tilespmem:s9+$0x57E0]  }
0x12d: {  	v0 =	vadd.f32 v3, v0  }
0x12e: {  	v3 =	vld [tilespmem:s13+$0x5860]  }
0x12f: {  	v0 =	vadd.f32 v1, v0  }
0x130: {  	v1 =	vld [tilespmem:s12+$0x58E0]  }
0x131: {  	v0 =	vadd.f32 v2, v0  }
0x132: {  	v4 =	vld [tilespmem:s14+$0x5960]  }
0x133: {  	v0 =	vadd.f32 v3, v0  }
0x134: {  	v5 =	vld [tilespmem:s15+$0x59E0]  }
0x135: {  	v7 =	vld [tilespmem:s17+$0x5A60];
	v1 =	vadd.f32 v1, v0  }
0x136: {  	v6 =	vld [tilespmem:s18+$0x5AE0]  }
0x137: {  	v2 =	vld [tilespmem:s19+$0x5B60];
	v4 =	vadd.f32 v4, v1  }
0x138: {  	v3 =	vld [tilespmem:s21+$0x5C60]  }
0x139: {  	[dreg:$0xd] =	wrdreg s16;
	v0 =	vld [tilespmem:s20+$0x5BE0];
	v8 =	vadd.f32 v5, v4  }
0x13a: {  	[dreg:$0xb] =	wrdreg s4;
	s31 =	sshll.u32 s16, $0x1;
	v1 =	vld [tilespmem:s22+$0x5CE0]  }
0x13b: {  	[dreg:$0xe] =	wrdreg s31;
	s8 =	simm.s32 $0x19430;
	s9 =	simm.s32 $0x1A490;
	v4 =	vld [tilespmem:s26+$0x5D60];
	v7 =	vadd.f32 v7, v8  }
0x13c: {  	s19 =	simm.s32 $0x2800;
	s20 =	smov.u32 s4;
	s22 =	simm.s32 $0x0;
	v5 =	vld [tilespmem:s29+$0x5DE0]  }
.LBB2_7:
0x13d: {  	v6 =	vadd.f32 v6, v7;
	s20 =	sadd.s32 $0x1, s20;
	s22 =	sadd.s32 $0x14, s22;
	s8 =	sadd.s32 $0x80, s8  }
0x13e: {  	p1 =	sne.s32 s19, $0x25800;
	s0 =	smov.u32 s19;
	s19 =	sadd.s32 $0x2800, s19  }
0x13f: {  	v2 =	vadd.f32 v2, v6;
	_ =	sdelay $0x1  }
0x140: {  	v0 =	vadd.f32 v0, v2;
	_ =	sdelay $0x1  }
0x141: {  	v0 =	vadd.f32 v3, v0;
	_ =	sdelay $0x1  }
0x142: {  	v0 =	vadd.f32 v1, v0;
	_ =	sdelay $0x1  }
0x143: {  	v0 =	vadd.f32 v4, v0;
	_ =	sdelay $0x1  }
0x144: {  	v0 =	vadd.f32 v5, v0;
	_ =	sdelay $0x1  }
0x145: {  	v0 =	vmul.f32 $2.500000040e-02, v0;
	_ =	sdelay $0x1  }
0x146: {  	s2 =	sadd.s32 s22, s1;
	[tilespmem:s6+$0x10] =	vst v0;
	s6 =	smov.u32 s9  }
0x147: {  	s3 =	sand.u32 $0x4, s22;
	s2 =	sand.u32 $0x7FF8, s2  }
0x148: {  	s2 =	sor.u32 s3, s2  }
0x149: {  	v0 =	vld [tilespmem:s2+$0x2C10];
	_ =	sdelay $0x1  }
0x14a: {  	v1 =	vld [tilespmem:s20+$0x0];
	_ =	sdelay $0x2  }
0x14b: {  	(v2sf) =	vpush v0, $0xB  }
0x14c: {  	(v2sf) =	vpush v0, $0x2  }
0x14d: {  	(v2sf) =	vpush v0, $0x1  }
0x14e: {  	(v2sf) =	vpush v0, $0x0  }
0x14f: {  	(v2sf) =	vpush v1, $0x0;
	_ =	sdelay $0x1  }
0x150: {  	(v2sf) =	vpush v0, $0x3;
	_ =	sdelay $0x6  }
0x151: {  	(v2sf) =	vpush v0, $0x5;
	_ =	sdelay $0x1  }
0x152: {  	s24 =	sshra.s32 s0, $0x2;
	(v2sf) =	vpush v0, $0x4;
	s0 =	spop (v2sf)  }
0x153: {  	s3 =	sand.u32 $0x7, s0;
	s0 =	sshll.u32 s0, $0x2;
	s5 =	spop (v2sf)  }
0x154: {  	s7 =	sand.u32 $0x7, s5;
	s10 =	sshll.u32 s5, $0x2;
	s5 =	spop (v2sf)  }
0x155: {  	s11 =	sand.u32 $0x7, s5;
	s5 =	sshll.u32 s5, $0x2;
	s12 =	spop (v2sf);
	(v2sf) =	vpush v0, $0x6  }
0x156: {  	s13 =	sand.u32 $0x7, s12;
	s14 =	sand.u32 $0xFFFFFFE0, s5;
	s15 =	spop (v2sf)  }
0x157: {  	s5 =	sand.u32 $0xFFFFFFE0, s0;
	s17 =	sand.u32 $0x7, s15;
	s13 =	sshll.u32 s13, $0x2;
	(v2sf) =	vpush v0, $0x7  }
0x158: {  	s12 =	sshll.u32 s12, $0x2;
	s0 =	sshll.u32 s15, $0x2;
	s15 =	spop (v2sf)  }
0x159: {  	s0 =	sand.u32 $0xFFFFFFE0, s0;
	s17 =	sshll.u32 s17, $0x2;
	s18 =	sand.u32 $0x7, s15  }
0x15a: {  	s7 =	sshll.u32 s7, $0x2;
	s12 =	sand.u32 $0xFFFFFFE0, s12;
	s0 =	sor.u32 s17, s0;
	(v2sf) =	vpush v0, $0x8  }
0x15b: {  	s11 =	sshll.u32 s11, $0x2;
	s12 =	sor.u32 s13, s12;
	s0 =	sshra.s32 s0, $0x2  }
0x15c: {  	s28 =	sadd.s32 s0, s8;
	s0 =	sor.u32 s11, s14;
	s11 =	sshll.u32 s18, $0x2  }
0x15d: {  	s12 =	sshra.s32 s12, $0x2;
	s13 =	sshll.u32 s15, $0x2;
	s0 =	sshra.s32 s0, $0x2;
	v1 =	vld [tilespmem:s28+$0x0];
	(v2sf) =	vpush v0, $0x9  }
0x15e: {  	s26 =	sadd.s32 s24, s0;
	s0 =	sand.u32 $0xFFFFFFE0, s10;
	s10 =	sand.u32 $0xFFFFFFE0, s13  }
0x15f: {  	s0 =	sor.u32 s7, s0;
	s7 =	sor.u32 s11, s10;
	s10 =	spop (v2sf);
	(v2sf) =	vpush v0, $0xA  }
0x160: {  	s7 =	sshra.s32 s7, $0x2;
	s11 =	sand.u32 $0x7, s10;
	s10 =	sshll.u32 s10, $0x2  }
0x161: {  	s29 =	sadd.s32 s24, s7;
	v2 =	vld [tilespmem:s26+$0x54B0];
	s7 =	sand.u32 $0xFFFFFFE0, s10;
	s10 =	spop (v2sf)  }
0x162: {  	s0 =	sshra.s32 s0, $0x2;
	v1 =	vmul.f32 $2.000000000e+01, v1;
	s13 =	sand.u32 $0x7, s10;
	s10 =	sshll.u32 s10, $0x2  }
0x163: {  	s31 =	sadd.s32 s24, s12;
	s10 =	sand.u32 $0xFFFFFFE0, s10;
	s12 =	sshll.u32 s13, $0x2  }
0x164: {  	s0 =	sadd.s32 s24, s0;
	v3 =	vld [tilespmem:s31+$0x5430];
	s10 =	sor.u32 s12, s10;
	s13 =	spop (v2sf)  }
0x165: {  	s11 =	sshll.u32 s11, $0x2;
	s10 =	sshra.s32 s10, $0x2;
	s14 =	sand.u32 $0x7, s13;
	(v2sf) =	vpush v0, $0xC  }
0x166: {  	s12 =	sadd.s32 s24, s10;
	s10 =	sshll.u32 s13, $0x2;
	s13 =	spop (v2sf);
	(v2sf) =	vpush v0, $0xD  }
0x167: {  	s14 =	sshll.u32 s14, $0x2;
	v4 =	vld [tilespmem:s12+$0x5630];
	s15 =	sand.u32 $0x7, s13;
	s13 =	sshll.u32 s13, $0x2  }
0x168: {  	s10 =	sand.u32 $0xFFFFFFE0, s10;
	v5 =	vld [tilespmem:s0+$0x5530];
	s13 =	sand.u32 $0xFFFFFFE0, s13;
	s15 =	sshll.u32 s15, $0x2  }
0x169: {  	s10 =	sor.u32 s14, s10;
	v1 =	vadd.f32 v3, v1;
	s13 =	sor.u32 s15, s13;
	s14 =	spop (v2sf)  }
0x16a: {  	s10 =	sshra.s32 s10, $0x2;
	v3 =	vld [tilespmem:s29+$0x55B0];
	s13 =	sshra.s32 s13, $0x2;
	s17 =	sshll.u32 s14, $0x2;
	(v2sf) =	vpush v0, $0xE  }
0x16b: {  	v6 =	vld [tilespmem:s2+$0x2C20];
	v1 =	vadd.f32 v2, v1;
	s2 =	sor.u32 s11, s7;
	s15 =	sadd.s32 s24, s13;
	s7 =	sand.u32 $0xFFFFFFE0, s17  }
0x16c: {  	s18 =	sadd.s32 s24, s10;
	s2 =	sshra.s32 s2, $0x2;
	v2 =	vld [tilespmem:s15+$0x57B0];
	s10 =	spop (v2sf)  }
0x16d: {  	v1 =	vadd.f32 v5, v1;
	s21 =	sadd.s32 s24, s2;
	v5 =	vld [tilespmem:s18+$0x5730];
	s2 =	sand.u32 $0x7, s10;
	s10 =	sshll.u32 s10, $0x2;
	(v2sf) =	vpush v0, $0xF  }
0x16e: {  	s11 =	sand.u32 $0x7, s14;
	v0 =	vld [tilespmem:s21+$0x56B0];
	s10 =	sand.u32 $0xFFFFFFE0, s10;
	s13 =	spop (v2sf)  }
0x16f: {  	s11 =	sshll.u32 s11, $0x2;
	s2 =	sshll.u32 s2, $0x2;
	v1 =	vadd.f32 v3, v1;
	s14 =	sand.u32 $0x7, s13  }
0x170: {  	s2 =	sor.u32 s2, s10;
	s10 =	sshll.u32 s13, $0x2;
	s13 =	sshll.u32 s14, $0x2;
	(v2sf) =	vpush v6, $0x1  }
0x171: {  	s7 =	sor.u32 s11, s7;
	s2 =	sshra.s32 s2, $0x2;
	s10 =	sand.u32 $0xFFFFFFE0, s10;
	v1 =	vadd.f32 v4, v1;
	(v2sf) =	vpush v6, $0x0  }
0x172: {  	s7 =	sshra.s32 s7, $0x2;
	s23 =	sadd.s32 s24, s2;
	s10 =	sor.u32 s13, s10  }
0x173: {  	s3 =	sshll.u32 s3, $0x2;
	s2 =	sadd.s32 s24, s7;
	s7 =	sshra.s32 s10, $0x2;
	v0 =	vadd.f32 v0, v1  }
0x174: {  	s3 =	sor.u32 s3, s5;
	v1 =	vld [tilespmem:s2+$0x5830];
	s5 =	spop (v2sf);
	(v2sf) =	vpush v6, $0x2  }
0x175: {  	v0 =	vadd.f32 v5, v0;
	s10 =	sand.u32 $0x7, s5;
	s5 =	sshll.u32 s5, $0x2;
	s11 =	spop (v2sf)  }
0x176: {  	v3 =	vld [tilespmem:s23+$0x58B0];
	s5 =	sand.u32 $0xFFFFFFE0, s5;
	s10 =	sshll.u32 s10, $0x2;
	s13 =	sand.u32 $0x7, s11  }
0x177: {  	s14 =	sadd.s32 s24, s7;
	s7 =	sshll.u32 s11, $0x2;
	v0 =	vadd.f32 v2, v0;
	s5 =	sor.u32 s10, s5  }
0x178: {  	s3 =	sshra.s32 s3, $0x2;
	s7 =	sand.u32 $0xFFFFFFE0, s7;
	v2 =	vld [tilespmem:s14+$0x5930];
	s5 =	sshra.s32 s5, $0x2  }
0x179: {  	s17 =	sadd.s32 s24, s3;
	s3 =	sshll.u32 s13, $0x2;
	v0 =	vadd.f32 v1, v0;
	s10 =	spop (v2sf);
	(v2sf) =	vpush v6, $0x3  }
0x17a: {  	s3 =	sor.u32 s3, s7;
	v1 =	vld [tilespmem:s17+$0x59B0];
	s11 =	sand.u32 $0x7, s10;
	s10 =	sshll.u32 s10, $0x2  }
0x17b: {  	s7 =	sadd.s32 s24, s5;
	s3 =	sshra.s32 s3, $0x2;
	v0 =	vadd.f32 v3, v0;
	s5 =	sand.u32 $0xFFFFFFE0, s10  }
0x17c: {  	s10 =	sshll.u32 s11, $0x2;
	v3 =	vld [tilespmem:s7+$0x5A30];
	s11 =	spop (v2sf)  }
0x17d: {  	s3 =	sadd.s32 s24, s3;
	s5 =	sor.u32 s10, s5;
	v0 =	vadd.f32 v2, v0;
	s10 =	sand.u32 $0x7, s11  }
0x17e: {  	s5 =	sshra.s32 s5, $0x2;
	s13 =	sshll.u32 s11, $0x2;
	v2 =	vld [tilespmem:s3+$0x5AB0];
	s10 =	sshll.u32 s10, $0x2  }
0x17f: {  	s11 =	sadd.s32 s24, s5;
	s5 =	sand.u32 $0xFFFFFFE0, s13;
	v0 =	vadd.f32 v1, v0;
	s13 =	spop (v2sf)  }
0x180: {  	s5 =	sor.u32 s10, s5;
	v1 =	vld [tilespmem:s11+$0x5B30];
	s10 =	sand.u32 $0x7, s13;
	s16 =	spop (v2sf)  }
0x181: {  	s5 =	sshra.s32 s5, $0x2;
	s13 =	sshll.u32 s13, $0x2;
	v0 =	vadd.f32 v3, v0;
	s4 =	sand.u32 $0x7, s16  }
0x182: {  	s25 =	sadd.s32 s24, s5;
	s5 =	sshll.u32 s16, $0x2;
	s4 =	sshll.u32 s4, $0x2  }
0x183: {  	s10 =	sshll.u32 s10, $0x2;
	s5 =	sand.u32 $0xFFFFFFE0, s5;
	v0 =	vadd.f32 v2, v0;
	v2 =	vld [tilespmem:s25+$0x5BB0];
	s16 =	spop (v2sf)  }
0x184: {  	s4 =	sor.u32 s4, s5;
	s5 =	sand.u32 $0xFFFFFFE0, s13;
	s13 =	sshll.u32 s16, $0x2  }
0x185: {  	s4 =	sshra.s32 s4, $0x2;
	s5 =	sor.u32 s10, s5;
	s10 =	sand.u32 $0x7, s16;
	v0 =	vadd.f32 v1, v0  }
0x186: {  	s5 =	sshra.s32 s5, $0x2;
	s13 =	sand.u32 $0xFFFFFFE0, s13;
	s16 =	sshll.u32 s10, $0x2  }
0x187: {  	s10 =	sadd.s32 s24, s4;
	s5 =	sadd.s32 s24, s5;
	s4 =	sor.u32 s16, s13  }
0x188: {  	s4 =	sshra.s32 s4, $0x2;
	v1 =	vld [tilespmem:s10+$0x5C30];
	s16 =	spop (v2sf)  }
0x189: {  	v0 =	vadd.f32 v2, v0;
	s13 =	sadd.s32 s24, s4;
	v2 =	vld [tilespmem:s5+$0x5CB0];
	s4 =	sand.u32 $0x7, s16;
	s16 =	sshll.u32 s16, $0x2  }
0x18a: {  	v3 =	vld [tilespmem:s13+$0x5D30];
	s16 =	sand.u32 $0xFFFFFFE0, s16;
	s4 =	sshll.u32 s4, $0x2  }
0x18b: {  	s4 =	sor.u32 s4, s16  }
0x18c: {  	s4 =	sshra.s32 s4, $0x2  }
0x18d: {  	v0 =	vadd.f32 v1, v0;
	s24 =	sadd.s32 s24, s4  }
0x18e: {  	v1 =	vld [tilespmem:s24+$0x5DB0]  }
0x18f: {  	v0 =	vadd.f32 v2, v0;
	_ =	sdelay $0x1  }
0x190: {  	v0 =	vadd.f32 v3, v0;
	_ =	sdelay $0x1  }
0x191: {  	v0 =	vadd.f32 v1, v0;
	_ =	sdelay $0x1  }
0x192: {  	v0 =	vmul.f32 $2.500000040e-02, v0;
	_ =	sdelay $0x1  }
0x193: {  	[tilespmem:s9+$0xFFFFFFE0] =	vst v0  }
0x194: {  	v0 =	vld [tilespmem:s28+$0x10];
	_ =	sdelay $0x1  }
0x195: {  	v1 =	vld [tilespmem:s31+$0x5440];
	_ =	sdelay $0x1  }
0x196: {  	v2 =	vld [tilespmem:s26+$0x54C0]  }
0x197: {  	v0 =	vmul.f32 $2.000000000e+01, v0  }
0x198: {  	v3 =	vld [tilespmem:s0+$0x5540]  }
0x199: {  	v0 =	vadd.f32 v1, v0  }
0x19a: {  	v1 =	vld [tilespmem:s29+$0x55C0]  }
0x19b: {  	v0 =	vadd.f32 v2, v0  }
0x19c: {  	v2 =	vld [tilespmem:s12+$0x5640]  }
0x19d: {  	v0 =	vadd.f32 v3, v0  }
0x19e: {  	v3 =	vld [tilespmem:s21+$0x56C0]  }
0x19f: {  	v0 =	vadd.f32 v1, v0  }
0x1a0: {  	v1 =	vld [tilespmem:s18+$0x5740]  }
0x1a1: {  	v0 =	vadd.f32 v2, v0  }
0x1a2: {  	v2 =	vld [tilespmem:s15+$0x57C0]  }
0x1a3: {  	v0 =	vadd.f32 v3, v0  }
0x1a4: {  	v3 =	vld [tilespmem:s2+$0x5840]  }
0x1a5: {  	v0 =	vadd.f32 v1, v0  }
0x1a6: {  	v1 =	vld [tilespmem:s23+$0x58C0]  }
0x1a7: {  	v0 =	vadd.f32 v2, v0  }
0x1a8: {  	v2 =	vld [tilespmem:s14+$0x5940]  }
0x1a9: {  	v0 =	vadd.f32 v3, v0  }
0x1aa: {  	v3 =	vld [tilespmem:s17+$0x59C0]  }
0x1ab: {  	v0 =	vadd.f32 v1, v0  }
0x1ac: {  	v1 =	vld [tilespmem:s7+$0x5A40]  }
0x1ad: {  	v0 =	vadd.f32 v2, v0  }
0x1ae: {  	v2 =	vld [tilespmem:s3+$0x5AC0]  }
0x1af: {  	v0 =	vadd.f32 v3, v0  }
0x1b0: {  	v3 =	vld [tilespmem:s11+$0x5B40]  }
0x1b1: {  	v0 =	vadd.f32 v1, v0  }
0x1b2: {  	v1 =	vld [tilespmem:s25+$0x5BC0]  }
0x1b3: {  	v0 =	vadd.f32 v2, v0  }
0x1b4: {  	v2 =	vld [tilespmem:s10+$0x5C40]  }
0x1b5: {  	v0 =	vadd.f32 v3, v0  }
0x1b6: {  	v3 =	vld [tilespmem:s5+$0x5CC0]  }
0x1b7: {  	v0 =	vadd.f32 v1, v0  }
0x1b8: {  	v1 =	vld [tilespmem:s13+$0x5D40]  }
0x1b9: {  	v0 =	vadd.f32 v2, v0  }
0x1ba: {  	v2 =	vld [tilespmem:s24+$0x5DC0]  }
0x1bb: {  	v0 =	vadd.f32 v3, v0;
	_ =	sdelay $0x1  }
0x1bc: {  	v0 =	vadd.f32 v1, v0;
	_ =	sdelay $0x1  }
0x1bd: {  	v0 =	vadd.f32 v2, v0;
	_ =	sdelay $0x1  }
0x1be: {  	v0 =	vmul.f32 $2.500000040e-02, v0;
	_ =	sdelay $0x1  }
0x1bf: {  	[tilespmem:s9+$0xFFFFFFF0] =	vst v0  }
0x1c0: {  	v0 =	vld [tilespmem:s28+$0x20];
	_ =	sdelay $0x1  }
0x1c1: {  	v1 =	vld [tilespmem:s31+$0x5450];
	_ =	sdelay $0x1  }
0x1c2: {  	v2 =	vld [tilespmem:s26+$0x54D0]  }
0x1c3: {  	v0 =	vmul.f32 $2.000000000e+01, v0  }
0x1c4: {  	v3 =	vld [tilespmem:s0+$0x5550]  }
0x1c5: {  	v0 =	vadd.f32 v1, v0  }
0x1c6: {  	v1 =	vld [tilespmem:s29+$0x55D0]  }
0x1c7: {  	v0 =	vadd.f32 v2, v0  }
0x1c8: {  	v2 =	vld [tilespmem:s12+$0x5650]  }
0x1c9: {  	v0 =	vadd.f32 v3, v0  }
0x1ca: {  	v3 =	vld [tilespmem:s21+$0x56D0]  }
0x1cb: {  	v0 =	vadd.f32 v1, v0  }
0x1cc: {  	v1 =	vld [tilespmem:s18+$0x5750]  }
0x1cd: {  	v0 =	vadd.f32 v2, v0  }
0x1ce: {  	v2 =	vld [tilespmem:s15+$0x57D0]  }
0x1cf: {  	v0 =	vadd.f32 v3, v0  }
0x1d0: {  	v3 =	vld [tilespmem:s2+$0x5850]  }
0x1d1: {  	v0 =	vadd.f32 v1, v0  }
0x1d2: {  	v1 =	vld [tilespmem:s23+$0x58D0]  }
0x1d3: {  	v0 =	vadd.f32 v2, v0  }
0x1d4: {  	v2 =	vld [tilespmem:s14+$0x5950]  }
0x1d5: {  	v0 =	vadd.f32 v3, v0  }
0x1d6: {  	v3 =	vld [tilespmem:s17+$0x59D0]  }
0x1d7: {  	v0 =	vadd.f32 v1, v0  }
0x1d8: {  	v1 =	vld [tilespmem:s7+$0x5A50]  }
0x1d9: {  	v0 =	vadd.f32 v2, v0  }
0x1da: {  	v2 =	vld [tilespmem:s3+$0x5AD0]  }
0x1db: {  	v0 =	vadd.f32 v3, v0  }
0x1dc: {  	v3 =	vld [tilespmem:s11+$0x5B50]  }
0x1dd: {  	v0 =	vadd.f32 v1, v0  }
0x1de: {  	v1 =	vld [tilespmem:s25+$0x5BD0]  }
0x1df: {  	v0 =	vadd.f32 v2, v0  }
0x1e0: {  	v2 =	vld [tilespmem:s10+$0x5C50]  }
0x1e1: {  	v0 =	vadd.f32 v3, v0  }
0x1e2: {  	v3 =	vld [tilespmem:s5+$0x5CD0]  }
0x1e3: {  	v0 =	vadd.f32 v1, v0  }
0x1e4: {  	v1 =	vld [tilespmem:s13+$0x5D50]  }
0x1e5: {  	v0 =	vadd.f32 v2, v0  }
0x1e6: {  	v2 =	vld [tilespmem:s24+$0x5DD0]  }
0x1e7: {  	v0 =	vadd.f32 v3, v0;
	_ =	sdelay $0x1  }
0x1e8: {  	v0 =	vadd.f32 v1, v0;
	_ =	sdelay $0x1  }
0x1e9: {  	v0 =	vadd.f32 v2, v0;
	_ =	sdelay $0x1  }
0x1ea: {  	v0 =	vmul.f32 $2.500000040e-02, v0;
	_ =	sdelay $0x1  }
0x1eb: {  	[tilespmem:s9+$0x0] =	vst v0  }
0x1ec: {  	v0 =	vld [tilespmem:s28+$0x30]  }
0x1ed: {  	v1 =	vld [tilespmem:s31+$0x5460]  }
0x1ee: {  	v2 =	vld [tilespmem:s26+$0x54E0]  }
0x1ef: {  	v3 =	vld [tilespmem:s0+$0x5560]  }
0x1f0: {  	v4 =	vld [tilespmem:s29+$0x55E0]  }
0x1f1: {  	v0 =	vmul.f32 $2.000000000e+01, v0;
	v5 =	vld [tilespmem:s12+$0x5660]  }
0x1f2: {  	v7 =	vld [tilespmem:s21+$0x56E0]  }
0x1f3: {  	v0 =	vadd.f32 v1, v0;
	v8 =	vld [tilespmem:s18+$0x5760]  }
0x1f4: {  	v9 =	vld [tilespmem:s15+$0x57E0]  }
0x1f5: {  	v0 =	vadd.f32 v2, v0;
	v10 =	vld [tilespmem:s2+$0x5860]  }
0x1f6: {  	v11 =	vld [tilespmem:s23+$0x58E0]  }
0x1f7: {  	v0 =	vadd.f32 v3, v0;
	v12 =	vld [tilespmem:s14+$0x5960]  }
0x1f8: {  	v13 =	vld [tilespmem:s17+$0x59E0]  }
0x1f9: {  	v0 =	vadd.f32 v4, v0;
	v14 =	vld [tilespmem:s7+$0x5A60]  }
0x1fa: {  	v6 =	vld [tilespmem:s3+$0x5AE0]  }
0x1fb: {  	v1 =	vadd.f32 v5, v0;
	v2 =	vld [tilespmem:s11+$0x5B60]  }
0x1fc: {  	v0 =	vld [tilespmem:s25+$0x5BE0]  }
0x1fd: {  	v4 =	vadd.f32 v7, v1;
	v3 =	vld [tilespmem:s10+$0x5C60]  }
0x1fe: {  	v1 =	vld [tilespmem:s5+$0x5CE0]  }
0x1ff: {  	v7 =	vadd.f32 v8, v4;
	v4 =	vld [tilespmem:s13+$0x5D60]  }
0x200: {  	v5 =	vld [tilespmem:s24+$0x5DE0]  }
0x201: {  	v7 =	vadd.f32 v9, v7;
	_ =	sdelay $0x1  }
0x202: {  	v7 =	vadd.f32 v10, v7;
	_ =	sdelay $0x1  }
0x203: {  	v7 =	vadd.f32 v11, v7;
	_ =	sdelay $0x1  }
0x204: {  	v7 =	vadd.f32 v12, v7  }
.Ltmp4:
0x205: {  	(pc) =	sbr.rel @p1 .LBB2_7-.Ltmp4, $3  }
0x206: {  	v7 =	vadd.f32 v13, v7;
	_ =	sdelay $0x1  }
0x207: {  	v7 =	vadd.f32 v14, v7  }
0x208: {  	s9 =	sadd.s32 $0x40, s9  }
0x209: {  	v6 =	vadd.f32 v6, v7;
	_ =	sdelay $0x1  }
0x20a: {  	v2 =	vadd.f32 v2, v6;
	_ =	sdelay $0x1  }
0x20b: {  	v0 =	vadd.f32 v0, v2;
	_ =	sdelay $0x1  }
0x20c: {  	v0 =	vadd.f32 v3, v0;
	_ =	sdelay $0x1  }
0x20d: {  	v0 =	vadd.f32 v1, v0;
	_ =	sdelay $0x1  }
0x20e: {  	v0 =	vadd.f32 v4, v0;
	_ =	sdelay $0x1  }
0x20f: {  	s0 =	rddreg [dreg:$0xd];
	v0 =	vadd.f32 v5, v0  }
0x210: {  	s26 =	rddreg [dreg:$0xe]  }
0x211: {  	s3 =	rddreg [dreg:$0x8];
	p1 =	seq.s32 s0, $0xF;
	v0 =	vmul.f32 $2.500000040e-02, v0  }
0x212: {  	s4 =	simm.s32 $0x0;
	s0 =	sshll.u32 s0, $0x8;
	s2 =	sadd.s32 @!p1 $0x2, s26  }
0x213: {  	s5 =	simm.s32 $0x1A430;
	s0 =	sadd.s32 s0, s3;
	s3 =	smul.u32 @!p1 $0x500, s2;
	[tilespmem:s6+$0x10] =	vst v0  }
0x214: {  	[hbm4b:s0+s4] =	stream.linear.scatter [tilespmem:s5], [sflag:$0x5], $0x400, $0x38;
	[tilespmem:$0x1AC30] =	vst v63  }
0x215: {  	s6 =	rddreg [dreg:$0x5];
	s0 =	sshra.s32 @!p1 s3, $0x2  }
0x216: {  	s4 =	simm.s32 @!p1 $0x40;
	s5 =	simm.s32 @!p1 $0x5430;
	s3 =	sadd.s32 @!p1 $0x410, s0  }
0x217: {  	[tilespmem:s5], [sflag:$0x1] =	stream.indirect.gather @!p1 [hbm4b:s6+s4], $0x80, s3, s4, $0xb8;
	[tilespmem:$0x1AC30] =	vst v63  }
0x218: {  	s3 =	sadd.s32 @!p1 $0x450, s0;
	s5 =	simm.s32 @!p1 $0x7430  }
0x219: {  	[tilespmem:s5], [sflag:$0x1] =	stream.indirect.gather @!p1 [hbm4b:s6+s4], $0x80, s3, s4, $0xb8;
	[tilespmem:$0x1AC30] =	vst v63  }
0x21a: {  	s3 =	sadd.s32 @!p1 $0x490, s0;
	s5 =	simm.s32 @!p1 $0x9430  }
0x21b: {  	[tilespmem:s5], [sflag:$0x1] =	stream.indirect.gather @!p1 [hbm4b:s6+s4], $0x80, s3, s4, $0xb8;
	[tilespmem:$0x1AC30] =	vst v63  }
0x21c: {  	s3 =	sadd.s32 @!p1 $0x4D0, s0;
	s5 =	simm.s32 @!p1 $0xB430  }
0x21d: {  	[tilespmem:s5], [sflag:$0x1] =	stream.indirect.gather @!p1 [hbm4b:s6+s4], $0x80, s3, s4, $0xb8;
	[tilespmem:$0x1AC30] =	vst v63  }
0x21e: {  	s0 =	sadd.s32 @!p1 $0x510, s0;
	s3 =	simm.s32 @!p1 $0xD430  }
0x21f: {  	[tilespmem:s3], [sflag:$0x1] =	stream.indirect.gather @!p1 [hbm4b:s6+s4], $0x80, s0, s4, $0xb8;
	[tilespmem:$0x1AC30] =	vst v63  }
0x220: {  	s7 =	simm.s32 $0x2;
	s0 =	sshll.u32 @!p1 s2, $0x4;
	s2 =	simm.s32 @!p1 $0x10  }
0x221: {  	s3 =	simm.s32 @!p1 $0x19430;
	s4 =	rddreg [dreg:$0x4];
	s0 =	sand.u32 @!p1 $0x3FFFFFF0, s0  }
0x222: {  	[tilespmem:s3], [sflag:$0x3] =	stream.indirect.gather @!p1 [hbm4b:s4+s2], $0x80, s0, s2, $0xb8;
	[tilespmem:$0x1AC30] =	vst v63  }
0x223: {  	_ =	swait.ge [sflag:s7], $0x2000  }
0x224: {  	[sflag:s7] =	ssyncset.done $0x0  }
0x225: {  	[sflag:s7] =	ssyncadd.s32 $0xFFFFE000  }
0x226: {  	_ =	swait.ge [sflag:s7], $0x2000  }
0x227: {  	[sflag:s7] =	ssyncset.done $0x0  }
0x228: {  	[sflag:s7] =	ssyncadd.s32 $0xFFFFE000  }
0x229: {  	_ =	swait.ge [sflag:s7], $0x2000  }
0x22a: {  	[sflag:s7] =	ssyncset.done $0x0  }
0x22b: {  	[sflag:s7] =	ssyncadd.s32 $0xFFFFE000  }
0x22c: {  	_ =	swait.ge [sflag:s7], $0x2000  }
0x22d: {  	[sflag:s7] =	ssyncset.done $0x0  }
0x22e: {  	[sflag:s7] =	ssyncadd.s32 $0xFFFFE000  }
0x22f: {  	_ =	swait.ge [sflag:s7], $0x2000  }
0x230: {  	[sflag:s7] =	ssyncset.done $0x0  }
0x231: {  	s8 =	simm.s32 $0x4;
	[sflag:s7] =	ssyncadd.s32 $0xFFFFE000  }
0x232: {  	_ =	swait.ge [sflag:s8], $0x800  }
0x233: {  	[sflag:s8] =	ssyncset.done $0x0  }
0x234: {  	s0 =	simm.s32 @!p0 $0x6;
	[sflag:s8] =	ssyncadd.s32 $0xFFFFF800  }
0x235: {  	s9 =	sadd.s32 $0x0, s30;
	s6 =	simm.s32 $0x0;
	_ =	swait.ge @!p0 [sflag:s0], $0x400  }
0x236: {  	s10 =	sand.u32 $0x4, s6;
	s2 =	sand.u32 $0x7FF8, s9;
	[sflag:s0] =	ssyncset.done @!p0 $0x0  }
0x237: {  	s10 =	sor.u32 s10, s2;
	[sflag:s0] =	ssyncadd.s32 @!p0 $0xFFFFFC00  }
0x238: {  	v0 =	vld [tilespmem:s10+$0x2C10];
	_ =	sdelay $0x4  }
0x239: {  	s28 =	rddreg [dreg:$0xc];
	(v2sf) =	vpush v0, $0xB  }
0x23a: {  	v1 =	vld [tilespmem:s28+$0x0];
	(v2sf) =	vpush v0, $0x2  }
0x23b: {  	(v2sf) =	vpush v0, $0x1;
	_ =	sdelay $0x1  }
0x23c: {  	(v2sf) =	vpush v0, $0x0;
	_ =	sdelay $0x1  }
0x23d: {  	(v2sf) =	vpush v1, $0x0;
	_ =	sdelay $0x2  }
0x23e: {  	(v2sf) =	vpush v0, $0x3;
	_ =	sdelay $0x2  }
0x23f: {  	(v2sf) =	vpush v0, $0x5;
	_ =	sdelay $0x2  }
0x240: {  	(v2sf) =	vpush v0, $0x4;
	s11 =	spop (v2sf)  }
0x241: {  	s12 =	spop (v2sf)  }
0x242: {  	s8 =	sand.u32 $0x7, s11;
	s0 =	sshll.u32 s11, $0x2;
	s13 =	spop (v2sf)  }
0x243: {  	s14 =	sand.u32 $0x7, s12;
	s16 =	sshll.u32 s12, $0x2;
	s15 =	sand.u32 $0xFFFFFFE0, s0  }
0x244: {  	s8 =	sshll.u32 s8, $0x2;
	s17 =	spop (v2sf);
	s7 =	sand.u32 $0x7, s13  }
0x245: {  	s3 =	sshll.u32 s13, $0x2;
	s4 =	sshll.u32 s14, $0x2;
	s5 =	sand.u32 $0xFFFFFFE0, s16  }
0x246: {  	(v2sf) =	vpush v0, $0x6;
	s8 =	sor.u32 s8, s15;
	s9 =	spop (v2sf);
	s11 =	sand.u32 $0x7, s17  }
0x247: {  	(v2sf) =	vpush v0, $0x7;
	s3 =	sand.u32 $0xFFFFFFE0, s3;
	s2 =	sshll.u32 s17, $0x2;
	s7 =	sshll.u32 s7, $0x2  }
0x248: {  	s4 =	sor.u32 s4, s5;
	s12 =	sand.u32 $0x7, s9;
	s11 =	sshll.u32 s11, $0x2  }
0x249: {  	(v2sf) =	vpush v0, $0x8;
	s18 =	sshll.u32 s9, $0x2;
	s19 =	spop (v2sf);
	s2 =	sand.u32 $0xFFFFFFE0, s2  }
0x24a: {  	s3 =	sor.u32 s7, s3;
	s4 =	sshra.s32 s4, $0x2;
	s0 =	sand.u32 $0xFFFFFFE0, s18  }
0x24b: {  	(v2sf) =	vpush v0, $0x9;
	s12 =	sshll.u32 s12, $0x2;
	s13 =	sand.u32 $0x7, s19;
	s2 =	sor.u32 s11, s2  }
0x24c: {  	s9 =	sshll.u32 s19, $0x2;
	s21 =	sshra.s32 s3, $0x2;
	s23 =	spop (v2sf)  }
0x24d: {  	(v2sf) =	vpush v0, $0xA;
	s0 =	sor.u32 s12, s0;
	s20 =	sshll.u32 s13, $0x2;
	s11 =	sshra.s32 s2, $0x2  }
0x24e: {  	s22 =	sand.u32 $0xFFFFFFE0, s9;
	s2 =	sadd.s32 $0x0, s21;
	s24 =	sand.u32 $0x7, s23  }
0x24f: {  	s5 =	sshll.u32 s23, $0x2;
	s25 =	spop (v2sf);
	s0 =	sshra.s32 s0, $0x2  }
0x250: {  	s3 =	sor.u32 s20, s22;
	s29 =	sand.u32 $0x7, s25;
	s7 =	sshll.u32 s25, $0x2  }
0x251: {  	(v2sf) =	vpush v0, $0xC;
	s31 =	sand.u32 $0xFFFFFFE0, s5;
	s5 =	sadd.s32 $0x0, s11;
	s0 =	sadd.s32 $0x19C30, s0  }
0x252: {  	s3 =	sshra.s32 s3, $0x2;
	s7 =	sand.u32 $0xFFFFFFE0, s7;
	s12 =	sshll.u32 s29, $0x2  }
0x253: {  	s17 =	sshll.u32 s24, $0x2;
	s3 =	sadd.s32 $0x0, s3;
	s14 =	sor.u32 s12, s7;
	v1 =	vld [tilespmem:s0+$0x0]  }
0x254: {  	s7 =	sadd.s32 $0x0, s4;
	s12 =	sor.u32 s17, s31;
	s11 =	sshra.s32 s14, $0x2  }
0x255: {  	v2 =	vld [tilespmem:s5+$0xF430];
	s12 =	sshra.s32 s12, $0x2;
	s9 =	sadd.s32 $0x0, s11;
	s16 =	spop (v2sf)  }
0x256: {  	s12 =	sadd.s32 $0x0, s12;
	s14 =	sand.u32 $0x7, s16;
	s18 =	spop (v2sf)  }
0x257: {  	v3 =	vld [tilespmem:s2+$0xF4B0];
	(v2sf) =	vpush v0, $0xD;
	s4 =	sshll.u32 s16, $0x2;
	s14 =	sshll.u32 s14, $0x2;
	s16 =	sand.u32 $0x7, s18  }
0x258: {  	v5 =	vld [tilespmem:s10+$0x2C20];
	v1 =	vmul.f32 $2.000000000e+01, v1;
	(v2sf) =	vpush v0, $0xE;
	s11 =	sshll.u32 s18, $0x2;
	s4 =	sand.u32 $0xFFFFFFE0, s4;
	s19 =	spop (v2sf)  }
0x259: {  	v4 =	vld [tilespmem:s7+$0xF530];
	s11 =	sand.u32 $0xFFFFFFE0, s11;
	s16 =	sshll.u32 s16, $0x2;
	s4 =	sor.u32 s14, s4  }
0x25a: {  	v1 =	vadd.f32 v2, v1;
	(v2sf) =	vpush v0, $0xF;
	s20 =	sshll.u32 s19, $0x2;
	s22 =	spop (v2sf);
	s14 =	sand.u32 $0x7, s19  }
0x25b: {  	v2 =	vld [tilespmem:s3+$0xF5B0];
	s11 =	sor.u32 s16, s11;
	s4 =	sshra.s32 s4, $0x2;
	s21 =	sand.u32 $0xFFFFFFE0, s20  }
0x25c: {  	v0 =	vadd.f32 v3, v1;
	s23 =	sand.u32 $0x7, s22;
	s17 =	spop (v2sf);
	s14 =	sshll.u32 s14, $0x2  }
0x25d: {  	v1 =	vld [tilespmem:s9+$0xF630];
	(v2sf) =	vpush v5, $0x1;
	s11 =	sshra.s32 s11, $0x2;
	s16 =	sshll.u32 s23, $0x2;
	s18 =	sand.u32 $0x7, s17  }
0x25e: {  	v0 =	vadd.f32 v4, v0;
	s24 =	sshll.u32 s17, $0x2;
	s13 =	sor.u32 s14, s21;
	s10 =	sadd.s32 $0x0, s11  }
0x25f: {  	v3 =	vld [tilespmem:s12+$0xF6B0];
	(v2sf) =	vpush v5, $0x0;
	s11 =	sadd.s32 $0x0, s4;
	s4 =	sshll.u32 s22, $0x2;
	s25 =	sshll.u32 s18, $0x2  }
0x260: {  	s29 =	sand.u32 $0xFFFFFFE0, s24;
	s31 =	sshra.s32 s13, $0x2;
	s18 =	spop (v2sf);
	v0 =	vadd.f32 v2, v0  }
0x261: {  	(v2sf) =	vpush v5, $0x2;
	s4 =	sand.u32 $0xFFFFFFE0, s4;
	v2 =	vld [tilespmem:s11+$0xF730];
	s17 =	sor.u32 s25, s29;
	s14 =	sadd.s32 $0x0, s31  }
0x262: {  	s19 =	sand.u32 $0x7, s18;
	s4 =	sor.u32 s16, s4;
	s16 =	sshll.u32 s18, $0x2;
	v0 =	vadd.f32 v1, v0  }
0x263: {  	s21 =	sshll.u32 s19, $0x2;
	s4 =	sshra.s32 s4, $0x2;
	v1 =	vld [tilespmem:s10+$0xF7B0];
	s16 =	sand.u32 $0xFFFFFFE0, s16  }
0x264: {  	s13 =	sadd.s32 $0x0, s4;
	s4 =	sshra.s32 s17, $0x2;
	s22 =	sor.u32 s21, s16;
	v0 =	vadd.f32 v3, v0  }
0x265: {  	s8 =	sshra.s32 s8, $0x2;
	v3 =	vld [tilespmem:s14+$0xF830];
	s15 =	sadd.s32 $0x0, s4;
	s4 =	sshra.s32 s22, $0x2  }
0x266: {  	s17 =	sadd.s32 $0x0, s8;
	s18 =	sadd.s32 $0x0, s4;
	v0 =	vadd.f32 v2, v0;
	s20 =	spop (v2sf);
	(v2sf) =	vpush v5, $0x3  }
0x267: {  	v2 =	vld [tilespmem:s13+$0xF8B0];
	s19 =	sand.u32 $0x7, s20;
	s23 =	sshll.u32 s20, $0x2;
	s25 =	spop (v2sf)  }
0x268: {  	v0 =	vadd.f32 v1, v0;
	s16 =	sand.u32 $0xFFFFFFE0, s23;
	s24 =	sshll.u32 s19, $0x2;
	s31 =	sand.u32 $0x7, s25  }
0x269: {  	v1 =	vld [tilespmem:s15+$0xF930];
	s19 =	sshll.u32 s25, $0x2;
	s20 =	spop (v2sf);
	s29 =	sor.u32 s24, s16  }
0x26a: {  	v0 =	vadd.f32 v3, v0;
	s21 =	sand.u32 $0xFFFFFFE0, s19;
	s16 =	sshll.u32 s31, $0x2;
	s23 =	sand.u32 $0x7, s20  }
0x26b: {  	v3 =	vld [tilespmem:s17+$0xF9B0];
	s24 =	sshll.u32 s20, $0x2;
	s8 =	sshra.s32 s29, $0x2;
	s22 =	sor.u32 s16, s21  }
0x26c: {  	v0 =	vadd.f32 v2, v0;
	s25 =	sand.u32 $0xFFFFFFE0, s24;
	s29 =	spop (v2sf);
	s19 =	sadd.s32 $0x0, s8  }
0x26d: {  	v2 =	vld [tilespmem:s18+$0xFA30];
	s4 =	sshra.s32 s22, $0x2;
	s8 =	sshll.u32 s23, $0x2;
	s31 =	sand.u32 $0x7, s29  }
0x26e: {  	s22 =	spop (v2sf);
	s16 =	sshll.u32 s29, $0x2;
	s20 =	sadd.s32 $0x0, s4;
	v0 =	vadd.f32 v1, v0  }
0x26f: {  	s4 =	sor.u32 s8, s25;
	v1 =	vld [tilespmem:s19+$0xFAB0];
	s23 =	sand.u32 $0x7, s22;
	s22 =	sshll.u32 s22, $0x2  }
0x270: {  	s8 =	sshll.u32 s31, $0x2;
	s25 =	spop (v2sf);
	s4 =	sshra.s32 s4, $0x2;
	v0 =	vadd.f32 v3, v0  }
0x271: {  	s24 =	sshll.u32 s23, $0x2;
	s21 =	sadd.s32 $0x0, s4;
	v3 =	vld [tilespmem:s20+$0xFB30];
	s4 =	sand.u32 $0xFFFFFFE0, s22  }
0x272: {  	s16 =	sand.u32 $0xFFFFFFE0, s16;
	s29 =	sshll.u32 s25, $0x2;
	s4 =	sor.u32 s24, s4;
	v0 =	vadd.f32 v2, v0  }
0x273: {  	s8 =	sor.u32 s8, s16;
	s31 =	sand.u32 $0x7, s25;
	v2 =	vld [tilespmem:s21+$0xFBB0];
	s4 =	sshra.s32 s4, $0x2  }
0x274: {  	s8 =	sshra.s32 s8, $0x2;
	s24 =	sand.u32 $0xFFFFFFE0, s29;
	s23 =	sadd.s32 $0x0, s4;
	v0 =	vadd.f32 v1, v0  }
0x275: {  	s29 =	sshll.u32 s31, $0x2;
	s31 =	sadd.s32 $0x0, s8;
	v1 =	vld [tilespmem:s23+$0xFC30];
	s16 =	spop (v2sf)  }
0x276: {  	s4 =	sor.u32 s29, s24;
	v0 =	vadd.f32 v3, v0;
	s25 =	sand.u32 $0x7, s16;
	s8 =	sshll.u32 s16, $0x2  }
0x277: {  	s4 =	sshra.s32 s4, $0x2;
	v3 =	vld [tilespmem:s31+$0xFCB0];
	s8 =	sand.u32 $0xFFFFFFE0, s8;
	s16 =	sshll.u32 s25, $0x2  }
0x278: {  	s24 =	sadd.s32 $0x0, s4;
	v0 =	vadd.f32 v2, v0;
	s29 =	sor.u32 s16, s8  }
0x279: {  	v2 =	vld [tilespmem:s24+$0xFD30];
	s4 =	sshra.s32 s29, $0x2  }
0x27a: {  	v0 =	vadd.f32 v1, v0;
	s25 =	sadd.s32 $0x0, s4  }
0x27b: {  	v1 =	vld [tilespmem:s25+$0xFDB0]  }
0x27c: {  	v0 =	vadd.f32 v3, v0;
	_ =	sdelay $0x1  }
0x27d: {  	v0 =	vadd.f32 v2, v0;
	_ =	sdelay $0x1  }
0x27e: {  	v0 =	vadd.f32 v1, v0;
	_ =	sdelay $0x1  }
0x27f: {  	v0 =	vmul.f32 $2.500000040e-02, v0  }
0x280: {  	s8 =	simm.s32 $0x1A850  }
0x281: {  	[tilespmem:s8+$0xFFFFFFE0] =	vst v0  }
0x282: {  	v0 =	vld [tilespmem:s0+$0x10];
	_ =	sdelay $0x1  }
0x283: {  	v1 =	vld [tilespmem:s5+$0xF440];
	_ =	sdelay $0x1  }
0x284: {  	v2 =	vld [tilespmem:s2+$0xF4C0]  }
0x285: {  	v0 =	vmul.f32 $2.000000000e+01, v0  }
0x286: {  	v3 =	vld [tilespmem:s7+$0xF540]  }
0x287: {  	v0 =	vadd.f32 v1, v0  }
0x288: {  	v1 =	vld [tilespmem:s3+$0xF5C0]  }
0x289: {  	v0 =	vadd.f32 v2, v0  }
0x28a: {  	v2 =	vld [tilespmem:s9+$0xF640]  }
0x28b: {  	v0 =	vadd.f32 v3, v0  }
0x28c: {  	v3 =	vld [tilespmem:s12+$0xF6C0]  }
0x28d: {  	v0 =	vadd.f32 v1, v0  }
0x28e: {  	v1 =	vld [tilespmem:s11+$0xF740]  }
0x28f: {  	v0 =	vadd.f32 v2, v0  }
0x290: {  	v2 =	vld [tilespmem:s10+$0xF7C0]  }
0x291: {  	v0 =	vadd.f32 v3, v0  }
0x292: {  	v3 =	vld [tilespmem:s14+$0xF840]  }
0x293: {  	v0 =	vadd.f32 v1, v0  }
0x294: {  	v1 =	vld [tilespmem:s13+$0xF8C0]  }
0x295: {  	v0 =	vadd.f32 v2, v0  }
0x296: {  	v2 =	vld [tilespmem:s15+$0xF940]  }
0x297: {  	v0 =	vadd.f32 v3, v0  }
0x298: {  	v3 =	vld [tilespmem:s17+$0xF9C0]  }
0x299: {  	v0 =	vadd.f32 v1, v0  }
0x29a: {  	v1 =	vld [tilespmem:s18+$0xFA40]  }
0x29b: {  	v0 =	vadd.f32 v2, v0  }
0x29c: {  	v2 =	vld [tilespmem:s19+$0xFAC0]  }
0x29d: {  	v0 =	vadd.f32 v3, v0  }
0x29e: {  	v3 =	vld [tilespmem:s20+$0xFB40]  }
0x29f: {  	v0 =	vadd.f32 v1, v0  }
0x2a0: {  	v1 =	vld [tilespmem:s21+$0xFBC0]  }
0x2a1: {  	v0 =	vadd.f32 v2, v0  }
0x2a2: {  	v2 =	vld [tilespmem:s23+$0xFC40]  }
0x2a3: {  	v0 =	vadd.f32 v3, v0  }
0x2a4: {  	v3 =	vld [tilespmem:s31+$0xFCC0]  }
0x2a5: {  	v0 =	vadd.f32 v1, v0  }
0x2a6: {  	v1 =	vld [tilespmem:s24+$0xFD40]  }
0x2a7: {  	v0 =	vadd.f32 v2, v0  }
0x2a8: {  	v2 =	vld [tilespmem:s25+$0xFDC0]  }
0x2a9: {  	v0 =	vadd.f32 v3, v0;
	_ =	sdelay $0x1  }
0x2aa: {  	v0 =	vadd.f32 v1, v0;
	_ =	sdelay $0x1  }
0x2ab: {  	v0 =	vadd.f32 v2, v0;
	_ =	sdelay $0x1  }
0x2ac: {  	v0 =	vmul.f32 $2.500000040e-02, v0;
	_ =	sdelay $0x1  }
0x2ad: {  	[tilespmem:s8+$0xFFFFFFF0] =	vst v0  }
0x2ae: {  	v0 =	vld [tilespmem:s0+$0x20];
	_ =	sdelay $0x1  }
0x2af: {  	v1 =	vld [tilespmem:s5+$0xF450];
	_ =	sdelay $0x1  }
0x2b0: {  	v2 =	vld [tilespmem:s2+$0xF4D0]  }
0x2b1: {  	v0 =	vmul.f32 $2.000000000e+01, v0  }
0x2b2: {  	v3 =	vld [tilespmem:s7+$0xF550]  }
0x2b3: {  	v0 =	vadd.f32 v1, v0  }
0x2b4: {  	v1 =	vld [tilespmem:s3+$0xF5D0]  }
0x2b5: {  	v0 =	vadd.f32 v2, v0  }
0x2b6: {  	v2 =	vld [tilespmem:s9+$0xF650]  }
0x2b7: {  	v0 =	vadd.f32 v3, v0  }
0x2b8: {  	v3 =	vld [tilespmem:s12+$0xF6D0]  }
0x2b9: {  	v0 =	vadd.f32 v1, v0  }
0x2ba: {  	v1 =	vld [tilespmem:s11+$0xF750]  }
0x2bb: {  	v0 =	vadd.f32 v2, v0  }
0x2bc: {  	v2 =	vld [tilespmem:s10+$0xF7D0]  }
0x2bd: {  	v0 =	vadd.f32 v3, v0  }
0x2be: {  	v3 =	vld [tilespmem:s14+$0xF850]  }
0x2bf: {  	v0 =	vadd.f32 v1, v0  }
0x2c0: {  	v1 =	vld [tilespmem:s13+$0xF8D0]  }
0x2c1: {  	v0 =	vadd.f32 v2, v0  }
0x2c2: {  	v2 =	vld [tilespmem:s15+$0xF950]  }
0x2c3: {  	v0 =	vadd.f32 v3, v0  }
0x2c4: {  	v3 =	vld [tilespmem:s17+$0xF9D0]  }
0x2c5: {  	v0 =	vadd.f32 v1, v0  }
0x2c6: {  	v1 =	vld [tilespmem:s18+$0xFA50]  }
0x2c7: {  	v0 =	vadd.f32 v2, v0  }
0x2c8: {  	v2 =	vld [tilespmem:s19+$0xFAD0]  }
0x2c9: {  	v0 =	vadd.f32 v3, v0  }
0x2ca: {  	v3 =	vld [tilespmem:s20+$0xFB50]  }
0x2cb: {  	v0 =	vadd.f32 v1, v0  }
0x2cc: {  	v1 =	vld [tilespmem:s21+$0xFBD0]  }
0x2cd: {  	v0 =	vadd.f32 v2, v0  }
0x2ce: {  	v2 =	vld [tilespmem:s23+$0xFC50]  }
0x2cf: {  	v0 =	vadd.f32 v3, v0  }
0x2d0: {  	v3 =	vld [tilespmem:s31+$0xFCD0]  }
0x2d1: {  	v0 =	vadd.f32 v1, v0  }
0x2d2: {  	v1 =	vld [tilespmem:s24+$0xFD50]  }
0x2d3: {  	v0 =	vadd.f32 v2, v0  }
0x2d4: {  	v2 =	vld [tilespmem:s25+$0xFDD0]  }
0x2d5: {  	v0 =	vadd.f32 v3, v0;
	_ =	sdelay $0x1  }
0x2d6: {  	v0 =	vadd.f32 v1, v0;
	_ =	sdelay $0x1  }
0x2d7: {  	v0 =	vadd.f32 v2, v0;
	_ =	sdelay $0x1  }
0x2d8: {  	v0 =	vmul.f32 $2.500000040e-02, v0;
	_ =	sdelay $0x1  }
0x2d9: {  	[tilespmem:s8+$0x0] =	vst v0  }
0x2da: {  	v0 =	vld [tilespmem:s0+$0x30];
	_ =	sdelay $0x1  }
0x2db: {  	v1 =	vld [tilespmem:s5+$0xF460];
	_ =	sdelay $0x1  }
0x2dc: {  	v2 =	vld [tilespmem:s2+$0xF4E0]  }
0x2dd: {  	v0 =	vmul.f32 $2.000000000e+01, v0  }
0x2de: {  	v3 =	vld [tilespmem:s7+$0xF560]  }
0x2df: {  	v0 =	vadd.f32 v1, v0  }
0x2e0: {  	v1 =	vld [tilespmem:s3+$0xF5E0]  }
0x2e1: {  	v0 =	vadd.f32 v2, v0  }
0x2e2: {  	v2 =	vld [tilespmem:s9+$0xF660]  }
0x2e3: {  	v0 =	vadd.f32 v3, v0  }
0x2e4: {  	v3 =	vld [tilespmem:s12+$0xF6E0]  }
0x2e5: {  	v0 =	vadd.f32 v1, v0  }
0x2e6: {  	v1 =	vld [tilespmem:s11+$0xF760]  }
0x2e7: {  	v0 =	vadd.f32 v2, v0  }
0x2e8: {  	v2 =	vld [tilespmem:s10+$0xF7E0]  }
0x2e9: {  	v0 =	vadd.f32 v3, v0  }
0x2ea: {  	v3 =	vld [tilespmem:s14+$0xF860]  }
0x2eb: {  	v0 =	vadd.f32 v1, v0  }
0x2ec: {  	v1 =	vld [tilespmem:s13+$0xF8E0]  }
0x2ed: {  	v0 =	vadd.f32 v2, v0  }
0x2ee: {  	v4 =	vld [tilespmem:s15+$0xF960]  }
0x2ef: {  	v0 =	vadd.f32 v3, v0  }
0x2f0: {  	v5 =	vld [tilespmem:s17+$0xF9E0]  }
0x2f1: {  	v7 =	vld [tilespmem:s18+$0xFA60];
	v1 =	vadd.f32 v1, v0  }
0x2f2: {  	v6 =	vld [tilespmem:s19+$0xFAE0]  }
0x2f3: {  	v2 =	vld [tilespmem:s20+$0xFB60];
	v4 =	vadd.f32 v4, v1  }
0x2f4: {  	v3 =	vld [tilespmem:s23+$0xFC60]  }
0x2f5: {  	v0 =	vld [tilespmem:s21+$0xFBE0];
	v8 =	vadd.f32 v5, v4  }
0x2f6: {  	v1 =	vld [tilespmem:s31+$0xFCE0]  }
0x2f7: {  	s22 =	simm.s32 $0x1A890;
	s31 =	sor.u32 $0x1, s26;
	v4 =	vld [tilespmem:s24+$0xFD60];
	v7 =	vadd.f32 v7, v8  }
0x2f8: {  	s9 =	simm.s32 $0x2800;
	s20 =	simm.s32 $0x19C30;
	[dreg:$0xf] =	wrdreg s31;
	v5 =	vld [tilespmem:s25+$0xFDE0]  }
.LBB2_9:
0x2f9: {  	v6 =	vadd.f32 v6, v7;
	s28 =	sadd.s32 $0x1, s28;
	s6 =	sadd.s32 $0x14, s6;
	s20 =	sadd.s32 $0x80, s20  }
0x2fa: {  	p0 =	sne.s32 s9, $0x25800;
	s0 =	smov.u32 s9;
	s9 =	sadd.s32 $0x2800, s9  }
0x2fb: {  	v2 =	vadd.f32 v2, v6;
	_ =	sdelay $0x1  }
0x2fc: {  	v0 =	vadd.f32 v0, v2;
	_ =	sdelay $0x1  }
0x2fd: {  	v0 =	vadd.f32 v3, v0;
	_ =	sdelay $0x1  }
0x2fe: {  	v0 =	vadd.f32 v1, v0;
	_ =	sdelay $0x1  }
0x2ff: {  	v0 =	vadd.f32 v4, v0;
	_ =	sdelay $0x1  }
0x300: {  	v0 =	vadd.f32 v5, v0;
	_ =	sdelay $0x1  }
0x301: {  	v0 =	vmul.f32 $2.500000040e-02, v0;
	_ =	sdelay $0x1  }
0x302: {  	s2 =	sadd.s32 s6, s30;
	[tilespmem:s8+$0x10] =	vst v0;
	s8 =	smov.u32 s22  }
0x303: {  	s3 =	sand.u32 $0x4, s6;
	s2 =	sand.u32 $0x7FF8, s2  }
0x304: {  	s2 =	sor.u32 s3, s2  }
0x305: {  	v0 =	vld [tilespmem:s2+$0x2C10];
	_ =	sdelay $0x1  }
0x306: {  	v1 =	vld [tilespmem:s28+$0x0];
	_ =	sdelay $0x2  }
0x307: {  	(v2sf) =	vpush v0, $0xB  }
0x308: {  	(v2sf) =	vpush v0, $0x2  }
0x309: {  	(v2sf) =	vpush v0, $0x1  }
0x30a: {  	(v2sf) =	vpush v0, $0x0  }
0x30b: {  	(v2sf) =	vpush v1, $0x0;
	_ =	sdelay $0x1  }
0x30c: {  	(v2sf) =	vpush v0, $0x3;
	_ =	sdelay $0x6  }
0x30d: {  	(v2sf) =	vpush v0, $0x5;
	_ =	sdelay $0x1  }
0x30e: {  	s5 =	sshra.s32 s0, $0x2;
	(v2sf) =	vpush v0, $0x4;
	s0 =	spop (v2sf)  }
0x30f: {  	s3 =	sand.u32 $0x7, s0;
	s0 =	sshll.u32 s0, $0x2;
	s4 =	spop (v2sf)  }
0x310: {  	s10 =	sand.u32 $0x7, s4;
	s4 =	sshll.u32 s4, $0x2;
	s7 =	spop (v2sf)  }
0x311: {  	s11 =	sand.u32 $0x7, s7;
	s7 =	sshll.u32 s7, $0x2;
	s12 =	spop (v2sf);
	(v2sf) =	vpush v0, $0x6  }
0x312: {  	s13 =	sand.u32 $0x7, s12;
	s14 =	sand.u32 $0xFFFFFFE0, s7;
	s15 =	spop (v2sf)  }
0x313: {  	s7 =	sand.u32 $0xFFFFFFE0, s0;
	s16 =	sand.u32 $0x7, s15;
	s13 =	sshll.u32 s13, $0x2;
	(v2sf) =	vpush v0, $0x7  }
0x314: {  	s12 =	sshll.u32 s12, $0x2;
	s0 =	sshll.u32 s15, $0x2;
	s15 =	spop (v2sf)  }
0x315: {  	s0 =	sand.u32 $0xFFFFFFE0, s0;
	s16 =	sshll.u32 s16, $0x2;
	s17 =	sand.u32 $0x7, s15  }
0x316: {  	s10 =	sshll.u32 s10, $0x2;
	s12 =	sand.u32 $0xFFFFFFE0, s12;
	s0 =	sor.u32 s16, s0;
	(v2sf) =	vpush v0, $0x8  }
0x317: {  	s11 =	sshll.u32 s11, $0x2;
	s12 =	sor.u32 s13, s12;
	s0 =	sshra.s32 s0, $0x2  }
0x318: {  	s26 =	sadd.s32 s0, s20;
	s0 =	sor.u32 s11, s14;
	s11 =	sshll.u32 s17, $0x2  }
0x319: {  	s12 =	sshra.s32 s12, $0x2;
	s13 =	sshll.u32 s15, $0x2;
	s0 =	sshra.s32 s0, $0x2;
	v1 =	vld [tilespmem:s26+$0x0];
	(v2sf) =	vpush v0, $0x9  }
0x31a: {  	s29 =	sadd.s32 s5, s0;
	s0 =	sand.u32 $0xFFFFFFE0, s4;
	s4 =	sand.u32 $0xFFFFFFE0, s13  }
0x31b: {  	s0 =	sor.u32 s10, s0;
	s4 =	sor.u32 s11, s4;
	s10 =	spop (v2sf);
	(v2sf) =	vpush v0, $0xA  }
0x31c: {  	s4 =	sshra.s32 s4, $0x2;
	s11 =	sand.u32 $0x7, s10;
	s10 =	sshll.u32 s10, $0x2  }
0x31d: {  	s31 =	sadd.s32 s5, s4;
	v2 =	vld [tilespmem:s29+$0xF4B0];
	s4 =	sand.u32 $0xFFFFFFE0, s10;
	s10 =	spop (v2sf)  }
0x31e: {  	s13 =	sshra.s32 s0, $0x2;
	v1 =	vmul.f32 $2.000000000e+01, v1;
	s14 =	sand.u32 $0x7, s10;
	s10 =	sshll.u32 s10, $0x2  }
0x31f: {  	s0 =	sadd.s32 s5, s12;
	s10 =	sand.u32 $0xFFFFFFE0, s10;
	s14 =	sshll.u32 s14, $0x2  }
0x320: {  	s12 =	sadd.s32 s5, s13;
	v3 =	vld [tilespmem:s0+$0xF430];
	s10 =	sor.u32 s14, s10;
	s13 =	spop (v2sf)  }
0x321: {  	s11 =	sshll.u32 s11, $0x2;
	s10 =	sshra.s32 s10, $0x2;
	s14 =	sand.u32 $0x7, s13;
	(v2sf) =	vpush v0, $0xC  }
0x322: {  	s15 =	sadd.s32 s5, s10;
	s10 =	sshll.u32 s13, $0x2;
	s13 =	spop (v2sf);
	(v2sf) =	vpush v0, $0xD  }
0x323: {  	s14 =	sshll.u32 s14, $0x2;
	v4 =	vld [tilespmem:s15+$0xF630];
	s16 =	sand.u32 $0x7, s13;
	s13 =	sshll.u32 s13, $0x2  }
0x324: {  	s10 =	sand.u32 $0xFFFFFFE0, s10;
	v5 =	vld [tilespmem:s12+$0xF530];
	s13 =	sand.u32 $0xFFFFFFE0, s13;
	s16 =	sshll.u32 s16, $0x2  }
0x325: {  	s10 =	sor.u32 s14, s10;
	v1 =	vadd.f32 v3, v1;
	s13 =	sor.u32 s16, s13;
	s14 =	spop (v2sf)  }
0x326: {  	s10 =	sshra.s32 s10, $0x2;
	v3 =	vld [tilespmem:s31+$0xF5B0];
	s13 =	sshra.s32 s13, $0x2;
	s16 =	sshll.u32 s14, $0x2;
	(v2sf) =	vpush v0, $0xE  }
0x327: {  	v6 =	vld [tilespmem:s2+$0x2C20];
	v1 =	vadd.f32 v2, v1;
	s2 =	sor.u32 s11, s4;
	s18 =	sadd.s32 s5, s13;
	s4 =	sand.u32 $0xFFFFFFE0, s16  }
0x328: {  	s21 =	sadd.s32 s5, s10;
	s2 =	sshra.s32 s2, $0x2;
	v2 =	vld [tilespmem:s18+$0xF7B0];
	s10 =	spop (v2sf)  }
0x329: {  	v1 =	vadd.f32 v5, v1;
	s23 =	sadd.s32 s5, s2;
	v5 =	vld [tilespmem:s21+$0xF730];
	s2 =	sand.u32 $0x7, s10;
	s10 =	sshll.u32 s10, $0x2;
	(v2sf) =	vpush v0, $0xF  }
0x32a: {  	s11 =	sand.u32 $0x7, s14;
	v0 =	vld [tilespmem:s23+$0xF6B0];
	s10 =	sand.u32 $0xFFFFFFE0, s10;
	s13 =	spop (v2sf)  }
0x32b: {  	s11 =	sshll.u32 s11, $0x2;
	s2 =	sshll.u32 s2, $0x2;
	v1 =	vadd.f32 v3, v1;
	s14 =	sand.u32 $0x7, s13  }
0x32c: {  	s2 =	sor.u32 s2, s10;
	s10 =	sshll.u32 s13, $0x2;
	s13 =	sshll.u32 s14, $0x2;
	(v2sf) =	vpush v6, $0x1  }
0x32d: {  	s4 =	sor.u32 s11, s4;
	s2 =	sshra.s32 s2, $0x2;
	s10 =	sand.u32 $0xFFFFFFE0, s10;
	v1 =	vadd.f32 v4, v1;
	(v2sf) =	vpush v6, $0x0  }
0x32e: {  	s4 =	sshra.s32 s4, $0x2;
	s2 =	sadd.s32 s5, s2;
	s10 =	sor.u32 s13, s10  }
0x32f: {  	s3 =	sshll.u32 s3, $0x2;
	s14 =	sadd.s32 s5, s4;
	s4 =	sshra.s32 s10, $0x2;
	v0 =	vadd.f32 v0, v1  }
0x330: {  	s3 =	sor.u32 s3, s7;
	v1 =	vld [tilespmem:s14+$0xF830];
	s7 =	spop (v2sf);
	(v2sf) =	vpush v6, $0x2  }
0x331: {  	v0 =	vadd.f32 v5, v0;
	s10 =	sand.u32 $0x7, s7;
	s7 =	sshll.u32 s7, $0x2;
	s11 =	spop (v2sf)  }
0x332: {  	v3 =	vld [tilespmem:s2+$0xF8B0];
	s7 =	sand.u32 $0xFFFFFFE0, s7;
	s10 =	sshll.u32 s10, $0x2;
	s13 =	sand.u32 $0x7, s11  }
0x333: {  	s17 =	sadd.s32 s5, s4;
	v0 =	vadd.f32 v2, v0;
	s4 =	sor.u32 s10, s7;
	s7 =	sshll.u32 s11, $0x2  }
0x334: {  	s3 =	sshra.s32 s3, $0x2;
	v2 =	vld [tilespmem:s17+$0xF930];
	s4 =	sshra.s32 s4, $0x2;
	s10 =	sand.u32 $0xFFFFFFE0, s7  }
0x335: {  	s7 =	sadd.s32 s5, s3;
	s3 =	sshll.u32 s13, $0x2;
	v0 =	vadd.f32 v1, v0;
	s11 =	spop (v2sf);
	(v2sf) =	vpush v6, $0x3  }
0x336: {  	s10 =	sor.u32 s3, s10;
	v1 =	vld [tilespmem:s7+$0xF9B0];
	s13 =	sand.u32 $0x7, s11;
	s11 =	sshll.u32 s11, $0x2  }
0x337: {  	s3 =	sadd.s32 s5, s4;
	s4 =	sshra.s32 s10, $0x2;
	v0 =	vadd.f32 v3, v0;
	s10 =	sand.u32 $0xFFFFFFE0, s11  }
0x338: {  	s13 =	sshll.u32 s13, $0x2;
	v3 =	vld [tilespmem:s3+$0xFA30];
	s16 =	spop (v2sf)  }
0x339: {  	s11 =	sadd.s32 s5, s4;
	s4 =	sor.u32 s13, s10;
	v0 =	vadd.f32 v2, v0;
	s10 =	sand.u32 $0x7, s16  }
0x33a: {  	s4 =	sshra.s32 s4, $0x2;
	s13 =	sshll.u32 s16, $0x2;
	v2 =	vld [tilespmem:s11+$0xFAB0];
	s10 =	sshll.u32 s10, $0x2  }
0x33b: {  	s25 =	sadd.s32 s5, s4;
	s4 =	sand.u32 $0xFFFFFFE0, s13;
	v0 =	vadd.f32 v1, v0;
	s13 =	spop (v2sf)  }
0x33c: {  	s4 =	sor.u32 s10, s4;
	v1 =	vld [tilespmem:s25+$0xFB30];
	s10 =	sand.u32 $0x7, s13;
	s16 =	spop (v2sf)  }
0x33d: {  	s4 =	sshra.s32 s4, $0x2;
	s13 =	sshll.u32 s13, $0x2;
	v0 =	vadd.f32 v3, v0;
	s19 =	sand.u32 $0x7, s16  }
0x33e: {  	s24 =	sadd.s32 s5, s4;
	s4 =	sshll.u32 s16, $0x2;
	s16 =	sshll.u32 s19, $0x2  }
0x33f: {  	s10 =	sshll.u32 s10, $0x2;
	s4 =	sand.u32 $0xFFFFFFE0, s4;
	v0 =	vadd.f32 v2, v0;
	v2 =	vld [tilespmem:s24+$0xFBB0];
	s19 =	spop (v2sf)  }
0x340: {  	s13 =	sand.u32 $0xFFFFFFE0, s13;
	s4 =	sor.u32 s16, s4;
	s16 =	sshll.u32 s19, $0x2  }
0x341: {  	s10 =	sor.u32 s10, s13;
	s4 =	sshra.s32 s4, $0x2;
	s13 =	sand.u32 $0x7, s19;
	v0 =	vadd.f32 v1, v0  }
0x342: {  	s10 =	sshra.s32 s10, $0x2;
	s16 =	sand.u32 $0xFFFFFFE0, s16;
	s13 =	sshll.u32 s13, $0x2  }
0x343: {  	s10 =	sadd.s32 s5, s10;
	s19 =	sadd.s32 s5, s4;
	s4 =	sor.u32 s13, s16  }
0x344: {  	s4 =	sshra.s32 s4, $0x2;
	v1 =	vld [tilespmem:s19+$0xFC30];
	s16 =	spop (v2sf)  }
0x345: {  	v0 =	vadd.f32 v2, v0;
	s13 =	sadd.s32 s5, s4;
	v2 =	vld [tilespmem:s10+$0xFCB0];
	s4 =	sand.u32 $0x7, s16;
	s16 =	sshll.u32 s16, $0x2  }
0x346: {  	v3 =	vld [tilespmem:s13+$0xFD30];
	s16 =	sand.u32 $0xFFFFFFE0, s16;
	s4 =	sshll.u32 s4, $0x2  }
0x347: {  	s4 =	sor.u32 s4, s16  }
0x348: {  	s4 =	sshra.s32 s4, $0x2  }
0x349: {  	v0 =	vadd.f32 v1, v0;
	s5 =	sadd.s32 s5, s4  }
0x34a: {  	v1 =	vld [tilespmem:s5+$0xFDB0]  }
0x34b: {  	v0 =	vadd.f32 v2, v0;
	_ =	sdelay $0x1  }
0x34c: {  	v0 =	vadd.f32 v3, v0;
	_ =	sdelay $0x1  }
0x34d: {  	v0 =	vadd.f32 v1, v0;
	_ =	sdelay $0x1  }
0x34e: {  	v0 =	vmul.f32 $2.500000040e-02, v0;
	_ =	sdelay $0x1  }
0x34f: {  	[tilespmem:s22+$0xFFFFFFE0] =	vst v0  }
0x350: {  	v0 =	vld [tilespmem:s26+$0x10];
	_ =	sdelay $0x1  }
0x351: {  	v1 =	vld [tilespmem:s0+$0xF440];
	_ =	sdelay $0x1  }
0x352: {  	v2 =	vld [tilespmem:s29+$0xF4C0]  }
0x353: {  	v0 =	vmul.f32 $2.000000000e+01, v0  }
0x354: {  	v3 =	vld [tilespmem:s12+$0xF540]  }
0x355: {  	v0 =	vadd.f32 v1, v0  }
0x356: {  	v1 =	vld [tilespmem:s31+$0xF5C0]  }
0x357: {  	v0 =	vadd.f32 v2, v0  }
0x358: {  	v2 =	vld [tilespmem:s15+$0xF640]  }
0x359: {  	v0 =	vadd.f32 v3, v0  }
0x35a: {  	v3 =	vld [tilespmem:s23+$0xF6C0]  }
0x35b: {  	v0 =	vadd.f32 v1, v0  }
0x35c: {  	v1 =	vld [tilespmem:s21+$0xF740]  }
0x35d: {  	v0 =	vadd.f32 v2, v0  }
0x35e: {  	v2 =	vld [tilespmem:s18+$0xF7C0]  }
0x35f: {  	v0 =	vadd.f32 v3, v0  }
0x360: {  	v3 =	vld [tilespmem:s14+$0xF840]  }
0x361: {  	v0 =	vadd.f32 v1, v0  }
0x362: {  	v1 =	vld [tilespmem:s2+$0xF8C0]  }
0x363: {  	v0 =	vadd.f32 v2, v0  }
0x364: {  	v2 =	vld [tilespmem:s17+$0xF940]  }
0x365: {  	v0 =	vadd.f32 v3, v0  }
0x366: {  	v3 =	vld [tilespmem:s7+$0xF9C0]  }
0x367: {  	v0 =	vadd.f32 v1, v0  }
0x368: {  	v1 =	vld [tilespmem:s3+$0xFA40]  }
0x369: {  	v0 =	vadd.f32 v2, v0  }
0x36a: {  	v2 =	vld [tilespmem:s11+$0xFAC0]  }
0x36b: {  	v0 =	vadd.f32 v3, v0  }
0x36c: {  	v3 =	vld [tilespmem:s25+$0xFB40]  }
0x36d: {  	v0 =	vadd.f32 v1, v0  }
0x36e: {  	v1 =	vld [tilespmem:s24+$0xFBC0]  }
0x36f: {  	v0 =	vadd.f32 v2, v0  }
0x370: {  	v2 =	vld [tilespmem:s19+$0xFC40]  }
0x371: {  	v0 =	vadd.f32 v3, v0  }
0x372: {  	v3 =	vld [tilespmem:s10+$0xFCC0]  }
0x373: {  	v0 =	vadd.f32 v1, v0  }
0x374: {  	v1 =	vld [tilespmem:s13+$0xFD40]  }
0x375: {  	v0 =	vadd.f32 v2, v0  }
0x376: {  	v2 =	vld [tilespmem:s5+$0xFDC0]  }
0x377: {  	v0 =	vadd.f32 v3, v0;
	_ =	sdelay $0x1  }
0x378: {  	v0 =	vadd.f32 v1, v0;
	_ =	sdelay $0x1  }
0x379: {  	v0 =	vadd.f32 v2, v0;
	_ =	sdelay $0x1  }
0x37a: {  	v0 =	vmul.f32 $2.500000040e-02, v0;
	_ =	sdelay $0x1  }
0x37b: {  	[tilespmem:s22+$0xFFFFFFF0] =	vst v0  }
0x37c: {  	v0 =	vld [tilespmem:s26+$0x20];
	_ =	sdelay $0x1  }
0x37d: {  	v1 =	vld [tilespmem:s0+$0xF450];
	_ =	sdelay $0x1  }
0x37e: {  	v2 =	vld [tilespmem:s29+$0xF4D0]  }
0x37f: {  	v0 =	vmul.f32 $2.000000000e+01, v0  }
0x380: {  	v3 =	vld [tilespmem:s12+$0xF550]  }
0x381: {  	v0 =	vadd.f32 v1, v0  }
0x382: {  	v1 =	vld [tilespmem:s31+$0xF5D0]  }
0x383: {  	v0 =	vadd.f32 v2, v0  }
0x384: {  	v2 =	vld [tilespmem:s15+$0xF650]  }
0x385: {  	v0 =	vadd.f32 v3, v0  }
0x386: {  	v3 =	vld [tilespmem:s23+$0xF6D0]  }
0x387: {  	v0 =	vadd.f32 v1, v0  }
0x388: {  	v1 =	vld [tilespmem:s21+$0xF750]  }
0x389: {  	v0 =	vadd.f32 v2, v0  }
0x38a: {  	v2 =	vld [tilespmem:s18+$0xF7D0]  }
0x38b: {  	v0 =	vadd.f32 v3, v0  }
0x38c: {  	v3 =	vld [tilespmem:s14+$0xF850]  }
0x38d: {  	v0 =	vadd.f32 v1, v0  }
0x38e: {  	v1 =	vld [tilespmem:s2+$0xF8D0]  }
0x38f: {  	v0 =	vadd.f32 v2, v0  }
0x390: {  	v2 =	vld [tilespmem:s17+$0xF950]  }
0x391: {  	v0 =	vadd.f32 v3, v0  }
0x392: {  	v3 =	vld [tilespmem:s7+$0xF9D0]  }
0x393: {  	v0 =	vadd.f32 v1, v0  }
0x394: {  	v1 =	vld [tilespmem:s3+$0xFA50]  }
0x395: {  	v0 =	vadd.f32 v2, v0  }
0x396: {  	v2 =	vld [tilespmem:s11+$0xFAD0]  }
0x397: {  	v0 =	vadd.f32 v3, v0  }
0x398: {  	v3 =	vld [tilespmem:s25+$0xFB50]  }
0x399: {  	v0 =	vadd.f32 v1, v0  }
0x39a: {  	v1 =	vld [tilespmem:s24+$0xFBD0]  }
0x39b: {  	v0 =	vadd.f32 v2, v0  }
0x39c: {  	v2 =	vld [tilespmem:s19+$0xFC50]  }
0x39d: {  	v0 =	vadd.f32 v3, v0  }
0x39e: {  	v3 =	vld [tilespmem:s10+$0xFCD0]  }
0x39f: {  	v0 =	vadd.f32 v1, v0  }
0x3a0: {  	v1 =	vld [tilespmem:s13+$0xFD50]  }
0x3a1: {  	v0 =	vadd.f32 v2, v0  }
0x3a2: {  	v2 =	vld [tilespmem:s5+$0xFDD0]  }
0x3a3: {  	v0 =	vadd.f32 v3, v0;
	_ =	sdelay $0x1  }
0x3a4: {  	v0 =	vadd.f32 v1, v0;
	_ =	sdelay $0x1  }
0x3a5: {  	v0 =	vadd.f32 v2, v0;
	_ =	sdelay $0x1  }
0x3a6: {  	v0 =	vmul.f32 $2.500000040e-02, v0;
	_ =	sdelay $0x1  }
0x3a7: {  	[tilespmem:s22+$0x0] =	vst v0  }
0x3a8: {  	v0 =	vld [tilespmem:s26+$0x30]  }
0x3a9: {  	v1 =	vld [tilespmem:s0+$0xF460]  }
0x3aa: {  	v2 =	vld [tilespmem:s29+$0xF4E0]  }
0x3ab: {  	v3 =	vld [tilespmem:s12+$0xF560]  }
0x3ac: {  	v4 =	vld [tilespmem:s31+$0xF5E0]  }
0x3ad: {  	v0 =	vmul.f32 $2.000000000e+01, v0;
	v5 =	vld [tilespmem:s15+$0xF660]  }
0x3ae: {  	v7 =	vld [tilespmem:s23+$0xF6E0]  }
0x3af: {  	v0 =	vadd.f32 v1, v0;
	v8 =	vld [tilespmem:s21+$0xF760]  }
0x3b0: {  	v9 =	vld [tilespmem:s18+$0xF7E0]  }
0x3b1: {  	v0 =	vadd.f32 v2, v0;
	v10 =	vld [tilespmem:s14+$0xF860]  }
0x3b2: {  	v11 =	vld [tilespmem:s2+$0xF8E0]  }
0x3b3: {  	v0 =	vadd.f32 v3, v0;
	v12 =	vld [tilespmem:s17+$0xF960]  }
0x3b4: {  	v13 =	vld [tilespmem:s7+$0xF9E0]  }
0x3b5: {  	v0 =	vadd.f32 v4, v0;
	v14 =	vld [tilespmem:s3+$0xFA60]  }
0x3b6: {  	v6 =	vld [tilespmem:s11+$0xFAE0]  }
0x3b7: {  	v1 =	vadd.f32 v5, v0;
	v2 =	vld [tilespmem:s25+$0xFB60]  }
0x3b8: {  	v0 =	vld [tilespmem:s24+$0xFBE0]  }
0x3b9: {  	v4 =	vadd.f32 v7, v1;
	v3 =	vld [tilespmem:s19+$0xFC60]  }
0x3ba: {  	v1 =	vld [tilespmem:s10+$0xFCE0]  }
0x3bb: {  	v7 =	vadd.f32 v8, v4;
	v4 =	vld [tilespmem:s13+$0xFD60]  }
0x3bc: {  	v5 =	vld [tilespmem:s5+$0xFDE0]  }
0x3bd: {  	v7 =	vadd.f32 v9, v7;
	_ =	sdelay $0x1  }
0x3be: {  	v7 =	vadd.f32 v10, v7;
	_ =	sdelay $0x1  }
0x3bf: {  	v7 =	vadd.f32 v11, v7;
	_ =	sdelay $0x1  }
0x3c0: {  	v7 =	vadd.f32 v12, v7  }
.Ltmp5:
0x3c1: {  	(pc) =	sbr.rel @p0 .LBB2_9-.Ltmp5, $3  }
0x3c2: {  	v7 =	vadd.f32 v13, v7;
	_ =	sdelay $0x1  }
0x3c3: {  	v7 =	vadd.f32 v14, v7  }
0x3c4: {  	s22 =	sadd.s32 $0x40, s22  }
0x3c5: {  	v6 =	vadd.f32 v6, v7;
	_ =	sdelay $0x1  }
0x3c6: {  	v2 =	vadd.f32 v2, v6;
	_ =	sdelay $0x1  }
0x3c7: {  	v0 =	vadd.f32 v0, v2;
	_ =	sdelay $0x1  }
0x3c8: {  	v0 =	vadd.f32 v3, v0;
	_ =	sdelay $0x1  }
0x3c9: {  	v0 =	vadd.f32 v1, v0;
	_ =	sdelay $0x1  }
0x3ca: {  	v0 =	vadd.f32 v4, v0;
	_ =	sdelay $0x1  }
0x3cb: {  	v0 =	vadd.f32 v5, v0  }
.Ltmp6:
0x3cc: {  	_ = 	snop;
	(pc) =	sbr.rel @p1 .LBB2_12-.Ltmp6, $4  }
0x3cd: {  	s0 =	rddreg [dreg:$0xf];
	v0 =	vmul.f32 $2.500000040e-02, v0  }
0x3ce: {  	s2 =	rddreg [dreg:$0x8];
	s0 =	sshll.u32 s0, $0x7  }
0x3cf: {  	s31 =	simm.s32 $0x0;
	s3 =	simm.s32 $0x1A830;
	s0 =	sadd.s32 s0, s2;
	[tilespmem:s8+$0x10] =	vst v0  }
0x3d0: {  	[hbm4b:s0+s31] =	stream.linear.scatter [tilespmem:s3], [sflag:$0x6], $0x400, $0x38;
	[tilespmem:$0x1AC30] =	vst v63  }
0x3d1: {  	s0 =	rddreg [dreg:$0xe]  }
0x3d2: {  	s0 =	sadd.s32 $0x3, s0  }
0x3d3: {  	s2 =	smul.u32 $0x500, s0;
	_ =	sdelay $0x1  }
0x3d4: {  	s4 =	rddreg [dreg:$0x5];
	s2 =	sshra.s32 s2, $0x2  }
0x3d5: {  	s5 =	simm.s32 $0x40;
	s6 =	simm.s32 $0xF430;
	s3 =	sadd.s32 $0x410, s2  }
0x3d6: {  	[tilespmem:s6], [sflag:$0x2] =	stream.indirect.gather [hbm4b:s4+s5], $0x80, s3, s5, $0xb8;
	[tilespmem:$0x1AC30] =	vst v63  }
0x3d7: {  	s19 =	simm.s32 $0x11430;
	s18 =	sadd.s32 $0x450, s2  }
0x3d8: {  	[tilespmem:s19], [sflag:$0x2] =	stream.indirect.gather [hbm4b:s4+s5], $0x80, s18, s5, $0xb8;
	[tilespmem:$0x1AC30] =	vst v63  }
0x3d9: {  	s21 =	simm.s32 $0x13430;
	s23 =	simm.s32 $0x15430;
	s20 =	sadd.s32 $0x490, s2  }
0x3da: {  	[tilespmem:s21], [sflag:$0x2] =	stream.indirect.gather [hbm4b:s4+s5], $0x80, s20, s5, $0xb8;
	[tilespmem:$0x1AC30] =	vst v63  }
0x3db: {  	s24 =	simm.s32 $0x17430;
	s25 =	rddreg [dreg:$0x4];
	s22 =	sadd.s32 $0x4D0, s2  }
0x3dc: {  	[tilespmem:s23], [sflag:$0x2] =	stream.indirect.gather [hbm4b:s4+s5], $0x80, s22, s5, $0xb8;
	[tilespmem:$0x1AC30] =	vst v63  }
0x3dd: {  	s26 =	simm.s32 $0x10;
	s16 =	rddreg [dreg:$0xd];
	s2 =	sadd.s32 $0x510, s2  }
0x3de: {  	[tilespmem:s24], [sflag:$0x2] =	stream.indirect.gather [hbm4b:s4+s5], $0x80, s2, s5, $0xb8;
	[tilespmem:$0x1AC30] =	vst v63  }
.Ltmp7:
0x3df: {  	s29 =	rddreg [dreg:$0xb];
	s0 =	sshll.u32 s0, $0x4;
	(pc) =	sbr.rel .LBB2_6-.Ltmp7, $4  }
0x3e0: {  	s28 =	simm.s32 $0x19C30;
	s31 =	rddreg [dreg:$0xc];
	s0 =	sand.u32 $0x3FFFFFF0, s0  }
0x3e1: {  	[tilespmem:s28], [sflag:$0x4] =	stream.indirect.gather [hbm4b:s25+s26], $0x80, s0, s26, $0xb8;
	[tilespmem:$0x1AC30] =	vst v63  }
0x3e2: {  	s1 =	sadd.s32 $0x280, s1;
	s30 =	sadd.s32 $0x280, s30;
	s0 =	sadd.s32 $0x20, s31  }
0x3e3: {  	s16 =	sadd.s32 $0x1, s16;
	s4 =	sadd.s32 $0x20, s29;
	[dreg:$0xc] =	wrdreg s0  }
.LBB2_13:
0x3e4: {  	_ =	sfence.sel $0x180000  }
0x3e5: {  	[bflag:$0x0] =	sbarrier.arrive $0xFFFF  }
0x3e6: {  	_ =	strace $0x90000047  }
0x3e7: {  	s0 =	stileid.u32;
	[bflag:$0x2] =	sbarrier.arrive $0xFFFF  }
0x3e8: {  	p0 =	sne.s32 s0, $0x0;
	s0 =	rddreg [dreg:$0x3]  }
0x3e9: {  	s0 =	sadd.s32 @!p0 $0x100000, s0  }
0x3ea: {  	[sflag:s0] =	ssyncadd.tile.s32 @!p0 $0x1;
	_ =	shalt  }
.Lfunc_end2:
_tile_overlayer_lowered:
.L_overlay_start_2:
0x3eb: {  	(tag) =	ssettag $0x2  }
0x3ec: {  	s0 =	rddreg [dreg:$0x0];
	s2 =	stileid.u32  }
0x3ed: {  	s1 =	rddreg [dreg:$0x1];
	p0 =	sne.s32 s2, $0x0  }
0x3ee: {  	s3 =	rddreg [dreg:$0x2];
	[bflag:$0x3] =	sbarrier.arrive $0xFFFF;
	s2 =	simm.s32 @!p0 $0x1C07  }
0x3ef: {  	[timem:s3], [sflag:s2] =	dma.local @!p0 [hbm:s0], s1  }
0x3f0: {  	s0 =	simm.s32 @!p0 $0x7  }
0x3f1: {  	_ =	swait.ge @!p0 [sflag:s0], s1  }
0x3f2: {  	s1 =	ssub.s32 @!p0 $0x0, s1;
	[sflag:s0] =	ssyncset.done @!p0 $0x0  }
0x3f3: {  	[sflag:s0] =	ssyncadd.s32 @!p0 s1  }
0x3f4: {  	[bflag:$0x3] =	sbarrier.arrive $0xFFFF  }
0x3f5: {  	_ =	shalt  }

</sc_bundles>
